<compile_context>
chip_gen: v7x
topology: tpu7x:2x2x1
jax: 0.10.2.dev20260603
libtpu: 0.0.44.dev20260713+nightly
codegen_flags: <defaults>
</compile_context>

<pallas_src>
import functools

import jax
import jax.numpy as jnp
from jax import lax
from jax.experimental import pallas as pl
from jax.experimental.pallas import tpu as pltpu
from jax.experimental.pallas import tpu_sc as plsc

N = 10000
NP = 10240
E = 320000
D_IN = 128
D_EDGE = 16
H = 64
S = 4
G = 512
GP = G + 8
NC, NS = 2, 16
NW = NC * NS
EW = E // NW
ES = E // NC
CH = 80
ZR = NP // NS
NNW = NP // NW

_PREC = lax.Precision.HIGHEST


def _dot(a, b):
    return jnp.dot(a, b, precision=_PREC, preferred_element_type=jnp.float32)



def _k1_body(x_ref, wa_ref, ba_ref, wn0_ref, h_ref, xp_ref):
    h = jax.nn.relu(_dot(x_ref[...], wa_ref[...]) + ba_ref[...])
    h_ref[...] = h
    xp_ref[...] = _dot(h, wn0_ref[...])


def _kr_body(ea_ref, wb_ref, bb_ref, m_ref, r_ref):
    ea = jax.nn.relu(_dot(ea_ref[...], wb_ref[...]) + bb_ref[...])
    r_ref[...] = _dot(ea, m_ref[...])


def _edge_body(layer, xi_ref, xj_ref, r_ref, w2_ref, wl1_ref, wl3_ref, blin_ref, o_ref):
    xi = xi_ref[...]
    xj = xj_ref[...]
    t = _dot(xi, w2_ref[...])
    score = jnp.concatenate(
        [jnp.sum(t[:, s * H:(s + 1) * H] * xj, axis=1, keepdims=True) for s in range(S)],
        axis=1)
    blk = _dot(xi, wl1_ref[...]) + _dot(xj, wl3_ref[...]) \
        + r_ref[...][:, 4 * layer:4 * layer + 4] + blin_ref[...]
    alpha = jnp.tanh(score + blk)
    dsp = H // S
    o_ref[...] = jnp.concatenate(
        [xj[:, s * dsp:(s + 1) * dsp] * alpha[:, s:s + 1] for s in range(S)], axis=1)


def _posta_body(h_ref, part_ref, wg_ref, bg_ref, hg_ref):
    h = h_ref[...]
    m = jax.nn.relu(part_ref[0] + part_ref[1])
    wg = wg_ref[...]
    beta = jax.nn.sigmoid(_dot(h, wg[:H]) + _dot(m, wg[H:2 * H])
                          + _dot(h - m, wg[2 * H:]) + bg_ref[...])
    hg_ref[...] = beta * h + (1.0 - beta) * m


def _postb_body(pmx_ref, psm_ref, wfa1_ref, wfa2_ref, y_ref, sm_ref):
    mx = jnp.max(pmx_ref[...], axis=0)
    sm = jnp.sum(psm_ref[...], axis=0)
    mx = jnp.where(jnp.isneginf(mx), 0.0, mx)
    yv = jax.nn.sigmoid(_dot(jax.nn.relu(_dot(mx, wfa1_ref[...])), wfa2_ref[...])
                        + _dot(jax.nn.relu(_dot(sm, wfa1_ref[...])), wfa2_ref[...]))
    y_ref[:G, :] = yv
    y_ref[G:, :] = jnp.zeros((GP - G, H), jnp.float32)
    sm_ref[...] = sm


def _postc_body(hg_ref, yb_ref, wnn_ref, h_ref, xp_ref):
    hnew = hg_ref[...] * yb_ref[...]
    h_ref[...] = hnew
    xp_ref[...] = _dot(hnew, wnn_ref[...])


def _final_body(y_ref, sm_ref, maccs_ref, wc_ref, bc_ref, wfc1_ref, bfc1_ref,
                wout_ref, bout_ref, o_ref):
    mol = y_ref[:G, :] * sm_ref[...]
    mac = jax.nn.relu(_dot(maccs_ref[...], wc_ref[...]) + bc_ref[...])
    wfc1 = wfc1_ref[...]
    comb = jax.nn.relu(_dot(mol, wfc1[:H]) + _dot(mac, wfc1[H:]) + bfc1_ref[...])
    o_ref[...] = _dot(comb, wout_ref[...]) + bout_ref[...]



_MESH = dict(core_axis_name="c", subcore_axis_name="s")
_SC_PARAMS = pltpu.CompilerParams(use_tc_tiling_on_sc=False)
_SC_PARAMS_NL = pltpu.CompilerParams(use_tc_tiling_on_sc=False,
                                     needs_layout_passes=False)


def _sc_gather(table, src, dst):

    @functools.partial(
        pl.kernel, mesh=plsc.VectorSubcoreMesh(**_MESH),
        out_type=(jax.ShapeDtypeStruct((E, H), jnp.float32),
                  jax.ShapeDtypeStruct((E, H), jnp.float32)),
        scratch_types=[
            pltpu.VMEM((CH,), jnp.int32),
            pltpu.VMEM((CH,), jnp.int32),
            pltpu.VMEM((CH, H), jnp.float32),
            pltpu.VMEM((CH, H), jnp.float32),
            pltpu.SemaphoreType.DMA,
            pltpu.SemaphoreType.DMA,
        ],
        compiler_params=_SC_PARAMS,
    )
    def k(table_hbm, src_hbm, dst_hbm, xi_hbm, xj_hbm, si_v, di_v, ri_v, rj_v, semi, semj):
        wid = lax.axis_index("s") * NC + lax.axis_index("c")
        base = wid * EW

        @pl.loop(0, EW, step=CH)
        def _(off):
            b = base + off
            pltpu.sync_copy(dst_hbm.at[pl.ds(b, CH)], di_v)
            pltpu.sync_copy(src_hbm.at[pl.ds(b, CH)], si_v)
            ci = pltpu.async_copy(table_hbm.at[di_v], ri_v, semi)
            cj = pltpu.async_copy(table_hbm.at[si_v], rj_v, semj)
            ci.wait()
            cj.wait()
            pltpu.sync_copy(ri_v, xi_hbm.at[pl.ds(b, CH)])
            pltpu.sync_copy(rj_v, xj_hbm.at[pl.ds(b, CH)])

    return k(table, src, dst)


def _sc_ygather(ytab, idx):

    @functools.partial(
        pl.kernel, mesh=plsc.VectorSubcoreMesh(**_MESH),
        out_type=jax.ShapeDtypeStruct((NP, H), jnp.float32),
        scratch_types=[
            pltpu.VMEM((CH,), jnp.int32),
            pltpu.VMEM((CH, H), jnp.float32),
            pltpu.SemaphoreType.DMA,
        ],
        compiler_params=_SC_PARAMS,
    )
    def k(ytab_hbm, idx_hbm, out_hbm, i_v, r_v, sem):
        wid = lax.axis_index("s") * NC + lax.axis_index("c")
        base = wid * NNW

        @pl.loop(0, NNW, step=CH)
        def _(off):
            b = base + off
            pltpu.sync_copy(idx_hbm.at[pl.ds(b, CH)], i_v)
            pltpu.async_copy(ytab_hbm.at[i_v], r_v, sem).wait()
            pltpu.sync_copy(r_v, out_hbm.at[pl.ds(b, CH)])

    return k(ytab, idx)


def _sc_scatter_add(msg, dst):

    @functools.partial(
        pl.kernel, mesh=plsc.VectorSubcoreMesh(**_MESH),
        out_type=jax.ShapeDtypeStruct((NC, NP, H), jnp.float32),
        scratch_types=[
            pltpu.VMEM((CH,), jnp.int32),
            pltpu.VMEM((CH, H), jnp.float32),
            pltpu.VMEM((ZR, H), jnp.float32),
            pltpu.VMEM_SHARED((NP, H), jnp.float32),
        ],
        compiler_params=_SC_PARAMS,
    )
    def k(msg_hbm, dst_hbm, out_hbm, di_v, rows_v, zb_v, agg_sh):
        cid = lax.axis_index("c")
        sid = lax.axis_index("s")
        zero = jnp.zeros((16,), jnp.float32)

        @pl.loop(0, ZR)
        def _(rr):
            for cc in range(0, H, 16):
                zb_v[rr, pl.ds(cc, 16)] = zero

        pltpu.sync_copy(zb_v, agg_sh.at[pl.ds(sid * ZR, ZR)])
        plsc.subcore_barrier()

        base = cid * ES + sid * EW

        @pl.loop(0, EW, step=CH)
        def _(off):
            b = base + off
            pltpu.sync_copy(dst_hbm.at[pl.ds(b, CH)], di_v)
            pltpu.sync_copy(msg_hbm.at[pl.ds(b, CH)], rows_v)
            pltpu.sync_copy(rows_v, agg_sh.at[di_v], add=True)

        plsc.subcore_barrier()
        pltpu.sync_copy(agg_sh.at[pl.ds(sid * ZR, ZR)], out_hbm.at[cid, pl.ds(sid * ZR, ZR)])

    return k(msg, dst)


def _sc_segstat(hgp, batchp):

    @functools.partial(
        pl.kernel, mesh=plsc.VectorSubcoreMesh(**_MESH),
        out_type=(jax.ShapeDtypeStruct((NW, G, H), jnp.float32),
                  jax.ShapeDtypeStruct((NW, G, H), jnp.float32)),
        scratch_types=[
            pltpu.VMEM((NNW, H), jnp.float32),
            pltpu.VMEM((NNW + 16,), jnp.int32),
            pltpu.VMEM((GP, H), jnp.float32),
            pltpu.VMEM((GP, H), jnp.float32),
        ],
        compiler_params=_SC_PARAMS_NL,
    )
    def k(hg_hbm, b_hbm, omx_hbm, osm_hbm, rows_v, bat_v, lmax_v, lsum_v):
        wid = lax.axis_index("s") * NC + lax.axis_index("c")
        base = wid * NNW
        pltpu.sync_copy(hg_hbm.at[pl.ds(base, NNW)], rows_v)
        pltpu.sync_copy(b_hbm.at[pl.ds(base, NNW)], bat_v.at[pl.ds(0, NNW)])
        neg = jnp.full((16,), -jnp.inf, jnp.float32)
        zero = jnp.zeros((16,), jnp.float32)

        @pl.loop(0, GP)
        def _(rr):
            for cc in range(0, H, 16):
                lmax_v[rr, pl.ds(cc, 16)] = neg
                lsum_v[rr, pl.ds(cc, 16)] = zero

        lane0 = lax.iota(jnp.int32, 16) == 0

        @pl.loop(0, NNW)
        def _(i):
            gv = bat_v[pl.ds(i, 16)]
            gid = jnp.max(jnp.where(lane0, gv, -1))
            for cc in range(0, H, 16):
                v = rows_v[i, pl.ds(cc, 16)]
                lmax_v[gid, pl.ds(cc, 16)] = jnp.maximum(lmax_v[gid, pl.ds(cc, 16)], v)
                lsum_v[gid, pl.ds(cc, 16)] = lsum_v[gid, pl.ds(cc, 16)] + v

        pltpu.sync_copy(lmax_v.at[pl.ds(0, G)], omx_hbm.at[wid])
        pltpu.sync_copy(lsum_v.at[pl.ds(0, G)], osm_hbm.at[wid])

    return k(hgp, batchp)



def kernel(x, edge_index, edge_attr, batch, MACCS, Wa, ba, Wb, bb, Wc, bc, Wn, We,
           Wbil, Wlin, blin, Wg, bg, Wfa1, Wfa2, Wfc1, bfc1, Wout, bout):
    src = edge_index[0]
    dst = edge_index[1]
    batchp = jnp.concatenate([batch, jnp.full((NP - N,), G, jnp.int32)])
    xpd = jnp.concatenate([x, jnp.zeros((NP - N, D_IN), jnp.float32)], axis=0)
    h = jax.nn.relu(xpd @ Wa + ba)
    xp = h @ Wn[0]
    ea = jax.nn.relu(edge_attr @ Wb + bb)
    ypad = None; smG = None
    for l in range(2):
        xi, xj = _sc_gather(xp, src, dst)
        eaw = ea @ We[l]
        score = jnp.einsum('ei,sij,ej->es', xi, Wbil[l], xj)
        vec = jnp.concatenate([xi, eaw, xj], axis=1)
        alpha = jnp.tanh(score + vec @ Wlin[l] + blin[l])
        msg = (xj.reshape(-1, S, H // S) * alpha[:, :, None]).reshape(-1, H)
        part = _sc_scatter_add(msg, dst)
        m = jax.nn.relu(part[0] + part[1])
        beta = jax.nn.sigmoid(h @ Wg[:H] + m @ Wg[H:2*H] + (h - m) @ Wg[2*H:] + bg)
        hg = beta * h + (1.0 - beta) * m
        pmx, psm = _sc_segstat(hg, batchp)
        mx = jnp.max(pmx, axis=0)
        mx = jnp.where(jnp.isneginf(mx), 0.0, mx)
        sm = jnp.sum(psm, axis=0)
        yv = jax.nn.sigmoid(jax.nn.relu(mx @ Wfa1) @ Wfa2 + jax.nn.relu(sm @ Wfa1) @ Wfa2)
        ypad = jnp.concatenate([yv, jnp.zeros((GP - G, H), jnp.float32)], axis=0)
        smG = sm
        if l == 0:
            yb = _sc_ygather(ypad, batchp)
            h = hg * yb
            xp = h @ Wn[1]
    mol = ypad[:G] * smG
    mac = jax.nn.relu(MACCS @ Wc + bc)
    comb = jax.nn.relu(mol @ Wfc1[:H] + mac @ Wfc1[H:] + bfc1)
    return comb @ Wout + bout

# --- scband reference (transcript-rebuilt; emitter-appended) ---
"""Pipeline reference for scband-hi-gnn-84430467105396 (READ-ONLY COPY).

The authoritative reference and input builder live on the scoring server;
editing this copy changes nothing except your own understanding.
"""

import jax, jax.numpy as jnp
import numpy as np

N = 10000
E = 320000
D_IN = 128
D_EDGE = 16
H = 64
SLICES = 4
NUM_LAYERS = 2
G = 512
OUT_C = 1


def setup_inputs(seed: int = 0):
    key = jax.random.key(seed)
    ks = jax.random.split(key, 30)

    def p(k, shape, scale=0.08):
        return jax.random.normal(k, shape, dtype=jnp.float32) * scale

    inp = {}
    inp["x"] = jax.random.normal(ks[0], (N, D_IN), dtype=jnp.float32)
    inp["edge_index"] = jax.random.randint(ks[1], (2, E), 0, N, dtype=jnp.int32)
    inp["edge_attr"] = jax.random.normal(ks[2], (E, D_EDGE), dtype=jnp.float32)
    inp["batch"] = jnp.sort(jax.random.randint(ks[3], (N,), 0, G, dtype=jnp.int32))
    inp["MACCS"] = jax.random.uniform(ks[4], (G, 167), dtype=jnp.float32)
    # input projections
    inp["Wa"] = p(ks[5], (D_IN, H)); inp["ba"] = jnp.zeros((H,), jnp.float32)
    inp["Wb"] = p(ks[6], (D_EDGE, H)); inp["bb"] = jnp.zeros((H,), jnp.float32)
    inp["Wc"] = p(ks[7], (167, H)); inp["bc"] = jnp.zeros((H,), jnp.float32)
    # per-layer NTNConv params (stacked over layers)
    inp["Wn"] = p(ks[8], (NUM_LAYERS, H, H))
    inp["We"] = p(ks[9], (NUM_LAYERS, H, H))
    inp["Wbil"] = p(ks[10], (NUM_LAYERS, SLICES, H, H))
    inp["Wlin"] = p(ks[11], (NUM_LAYERS, 3 * H, SLICES))
    inp["blin"] = jnp.zeros((NUM_LAYERS, SLICES), jnp.float32)
    # gate
    inp["Wg"] = p(ks[12], (3 * H, H)); inp["bg"] = jnp.zeros((H,), jnp.float32)
    # feature attention MLP (no bias)
    inp["Wfa1"] = p(ks[13], (H, H // 4))
    inp["Wfa2"] = p(ks[14], (H // 4, H))
    # combined fc and output head
    inp["Wfc1"] = p(ks[15], (2 * H, H)); inp["bfc1"] = jnp.zeros((H,), jnp.float32)
    inp["Wout"] = p(ks[16], (H, OUT_C)); inp["bout"] = jnp.zeros((OUT_C,), jnp.float32)
    return inp


def _ntn_conv(x, edge_index, edge_attr, Wn, Wbil, Wlin, blin, We):
    xp = x @ Wn
    ea = edge_attr @ We
    src = edge_index[0]
    dst = edge_index[1]
    x_i = xp[dst]
    x_j = xp[src]
    score = jnp.einsum('ei,sij,ej->es', x_i, Wbil, x_j)
    vec = jnp.concatenate([x_i, ea, x_j], axis=1)
    block_score = vec @ Wlin + blin
    alpha = jnp.tanh(score + block_score)  # dropout p=0.0 -> identity
    dim_split = H // SLICES
    out = (x_j.reshape(-1, SLICES, dim_split) * alpha[:, :, None]).reshape(-1, H)
    return jax.ops.segment_sum(out, dst, num_segments=N)


def _feature_att(x, batch, Wfa1, Wfa2):
    mx = jax.ops.segment_max(x, batch, num_segments=G)
    mx = jnp.where(jnp.isneginf(mx), 0.0, mx)
    sm = jax.ops.segment_sum(x, batch, num_segments=G)
    max_out = jax.nn.relu(mx @ Wfa1) @ Wfa2
    sum_out = jax.nn.relu(sm @ Wfa1) @ Wfa2
    y = jax.nn.sigmoid(max_out + sum_out)
    return x * y[batch]


def reference(x, edge_index, edge_attr, batch, MACCS, Wa, ba, Wb, bb, Wc, bc, Wn, We, Wbil, Wlin, blin, Wg, bg, Wfa1, Wfa2, Wfc1, bfc1, Wout, bout):
    h = jax.nn.relu(x @ Wa + ba)
    ea = jax.nn.relu(edge_attr @ Wb + bb)
    mac = jax.nn.relu(MACCS @ Wc + bc)
    for i in range(NUM_LAYERS):
        m = jax.nn.relu(_ntn_conv(h, edge_index, ea, Wn[i], Wbil[i], Wlin[i], blin[i], We[i]))
        beta = jax.nn.sigmoid(jnp.concatenate([h, m, h - m], axis=1) @ Wg + bg)
        h = beta * h + (1.0 - beta) * m
        h = _feature_att(h, batch, Wfa1, Wfa2)
    mol_vec = jax.ops.segment_sum(h, batch, num_segments=G)
    combined = jnp.concatenate([mol_vec, mac], axis=1)
    combine = jax.nn.relu(combined @ Wfc1 + bfc1)
    return combine @ Wout + bout


if False:  # reference __main__ guard neutralized (emitter)
    out = reference(**setup_inputs())
    print(out.shape)

if __name__ == "__main__":
    import jax
    _d = setup_inputs()
    print(jax.jit(kernel)(*tuple(_d.values())))

</pallas_src>

<mosaic_0001>
#map = affine_map<(d0, d1) -> (0, 0)>
#map1 = affine_map<(d0, d1) -> (0)>
module attributes {stable_mosaic.version = 14 : i64} {
  func.func @k(%arg0: i32, %arg1: i32, %arg2: memref<10240x64xf32, #tpu.memory_space<hbm>>, %arg3: memref<320000xi32, #tpu.memory_space<hbm>>, %arg4: memref<320000xi32, #tpu.memory_space<hbm>>, %arg5: memref<320000x64xf32, #tpu.memory_space<hbm>>, %arg6: memref<320000x64xf32, #tpu.memory_space<hbm>>, %arg7: memref<80xi32, #tpu.memory_space<vmem>>, %arg8: memref<80xi32, #tpu.memory_space<vmem>>, %arg9: memref<80x64xf32, #tpu.memory_space<vmem>>, %arg10: memref<80x64xf32, #tpu.memory_space<vmem>>, %arg11: memref<!tpu.dma_semaphore, #tpu.memory_space<semaphore_mem>>, %arg12: memref<!tpu.dma_semaphore, #tpu.memory_space<semaphore_mem>>) attributes {dimension_semantics = [#tpu.dimension_semantics<core_parallel>, #tpu.dimension_semantics<subcore_parallel>], iteration_bounds = array<i64: 2, 16>, scalar_prefetch = 0 : i64, scratch_operands = 6 : i64, tpu.core_type = #tpu.core_type<sc_vector_subcore>, window_params = [{transform_indices = #map}, {transform_indices = #map1}, {transform_indices = #map1}, {transform_indices = #map}, {transform_indices = #map}]} {
    %mul3A = arith.constant 2 : i32
    %mul3A_0 = arith.muli %arg1, %mul3A : i32
    %add3A = arith.addi %mul3A_0, %arg0 : i32
    %mul3A_1 = arith.constant 10000 : i32
    %mul3A_2 = arith.muli %add3A, %mul3A_1 : i32
    %scan3A = arith.constant 0 : i32
    %scan3A_3 = arith.constant 125 : i32
    %scan3A_4 = arith.addi %scan3A, %scan3A_3 : i32
    %scan3A_5 = arith.constant 1 : i32
    scf.for %scan3A_7 = %scan3A to %scan3A_4 step %scan3A_5  : i32 {
      %mul3A_8 = arith.constant 80 : i32
      %mul3A_9 = arith.muli %scan3A_7, %mul3A_8 : i32
      %add3A_10 = arith.constant 0 : i32
      %add3A_11 = arith.addi %add3A_10, %mul3A_9 : i32
      %add3A_12 = arith.addi %mul3A_2, %add3A_11 : i32
      "tpu.region"() ({
        %run_scoped3A = tpu.sem_alloc : memref<!tpu.dma_semaphore, #tpu.memory_space<semaphore_mem>>
        %dma_start3A_23 = tpu.memref_slice %arg4[%add3A_12] : memref<320000xi32, #tpu.memory_space<hbm>> -> memref<80xi32, #tpu.memory_space<hbm>>
        %dma_start3A_24 = tpu.memref_slice %arg4[%add3A_12] : memref<320000xi32, #tpu.memory_space<hbm>> -> memref<80xi32, #tpu.memory_space<hbm>>
        tpu.enqueue_dma source(%dma_start3A_24 : memref<80xi32, #tpu.memory_space<hbm>>) target(%arg8 : memref<80xi32, #tpu.memory_space<vmem>>) target_semaphore(%run_scoped3A : memref<!tpu.dma_semaphore, #tpu.memory_space<semaphore_mem>>)
        %dma_wait3A_25 = tpu.memref_slice %arg4[%add3A_12] : memref<320000xi32, #tpu.memory_space<hbm>> -> memref<80xi32, #tpu.memory_space<hbm>>
        %dma_wait3A_26 = tpu.memref_slice %arg4[%add3A_12] : memref<320000xi32, #tpu.memory_space<hbm>> -> memref<80xi32, #tpu.memory_space<hbm>>
        tpu.wait_dma2 semaphore(%run_scoped3A : memref<!tpu.dma_semaphore, #tpu.memory_space<semaphore_mem>>) src(%dma_wait3A_26 : memref<80xi32, #tpu.memory_space<hbm>>) dst(%arg8 : memref<80xi32, #tpu.memory_space<vmem>>)
        tpu.yield
      }) : () -> ()
      "tpu.region"() ({
        %run_scoped3A = tpu.sem_alloc : memref<!tpu.dma_semaphore, #tpu.memory_space<semaphore_mem>>
        %dma_start3A_23 = tpu.memref_slice %arg3[%add3A_12] : memref<320000xi32, #tpu.memory_space<hbm>> -> memref<80xi32, #tpu.memory_space<hbm>>
        %dma_start3A_24 = tpu.memref_slice %arg3[%add3A_12] : memref<320000xi32, #tpu.memory_space<hbm>> -> memref<80xi32, #tpu.memory_space<hbm>>
        tpu.enqueue_dma source(%dma_start3A_24 : memref<80xi32, #tpu.memory_space<hbm>>) target(%arg7 : memref<80xi32, #tpu.memory_space<vmem>>) target_semaphore(%run_scoped3A : memref<!tpu.dma_semaphore, #tpu.memory_space<semaphore_mem>>)
        %dma_wait3A_25 = tpu.memref_slice %arg3[%add3A_12] : memref<320000xi32, #tpu.memory_space<hbm>> -> memref<80xi32, #tpu.memory_space<hbm>>
        %dma_wait3A_26 = tpu.memref_slice %arg3[%add3A_12] : memref<320000xi32, #tpu.memory_space<hbm>> -> memref<80xi32, #tpu.memory_space<hbm>>
        tpu.wait_dma2 semaphore(%run_scoped3A : memref<!tpu.dma_semaphore, #tpu.memory_space<semaphore_mem>>) src(%dma_wait3A_26 : memref<80xi32, #tpu.memory_space<hbm>>) dst(%arg7 : memref<80xi32, #tpu.memory_space<vmem>>)
        tpu.yield
      }) : () -> ()
      %dma_start3A = arith.constant 0 : i32
      %dma_start3A_13 = arith.constant 0 : i32
      %dma_start3A_14 = tpu.memref_slice %arg2[%dma_start3A, %dma_start3A_13] : memref<10240x64xf32, #tpu.memory_space<hbm>> -> memref<10240x64xf32, #tpu.memory_space<hbm>>
      tpu.enqueue_indirect_dma source(%dma_start3A_14 : memref<10240x64xf32, #tpu.memory_space<hbm>>) target(%arg9 : memref<80x64xf32, #tpu.memory_space<vmem>>) offsets(%arg8 : memref<80xi32, #tpu.memory_space<vmem>>) semaphore(%arg11 : memref<!tpu.dma_semaphore, #tpu.memory_space<semaphore_mem>>)
      %dma_start3A_15 = arith.constant 0 : i32
      %dma_start3A_16 = arith.constant 0 : i32
      %dma_start3A_17 = tpu.memref_slice %arg2[%dma_start3A_15, %dma_start3A_16] : memref<10240x64xf32, #tpu.memory_space<hbm>> -> memref<10240x64xf32, #tpu.memory_space<hbm>>
      tpu.enqueue_indirect_dma source(%dma_start3A_17 : memref<10240x64xf32, #tpu.memory_space<hbm>>) target(%arg10 : memref<80x64xf32, #tpu.memory_space<vmem>>) offsets(%arg7 : memref<80xi32, #tpu.memory_space<vmem>>) semaphore(%arg12 : memref<!tpu.dma_semaphore, #tpu.memory_space<semaphore_mem>>)
      %dma_wait3A = arith.constant 0 : i32
      %dma_wait3A_18 = arith.constant 0 : i32
      %dma_wait3A_19 = tpu.memref_slice %arg2[%dma_wait3A, %dma_wait3A_18] : memref<10240x64xf32, #tpu.memory_space<hbm>> -> memref<10240x64xf32, #tpu.memory_space<hbm>>
      tpu.wait_indirect_dma semaphore(%arg11 : memref<!tpu.dma_semaphore, #tpu.memory_space<semaphore_mem>>) src(%dma_wait3A_19 : memref<10240x64xf32, #tpu.memory_space<hbm>>) dst(%arg9 : memref<80x64xf32, #tpu.memory_space<vmem>>)
      %dma_wait3A_20 = arith.constant 0 : i32
      %dma_wait3A_21 = arith.constant 0 : i32
      %dma_wait3A_22 = tpu.memref_slice %arg2[%dma_wait3A_20, %dma_wait3A_21] : memref<10240x64xf32, #tpu.memory_space<hbm>> -> memref<10240x64xf32, #tpu.memory_space<hbm>>
      tpu.wait_indirect_dma semaphore(%arg12 : memref<!tpu.dma_semaphore, #tpu.memory_space<semaphore_mem>>) src(%dma_wait3A_22 : memref<10240x64xf32, #tpu.memory_space<hbm>>) dst(%arg10 : memref<80x64xf32, #tpu.memory_space<vmem>>)
      "tpu.region"() ({
        %run_scoped3A = tpu.sem_alloc : memref<!tpu.dma_semaphore, #tpu.memory_space<semaphore_mem>>
        %dma_start3A_23 = arith.constant 0 : i32
        %dma_start3A_24 = tpu.memref_slice %arg5[%add3A_12, %dma_start3A_23] : memref<320000x64xf32, #tpu.memory_space<hbm>> -> memref<80x64xf32, #tpu.memory_space<hbm>>
        %dma_start3A_25 = arith.constant 0 : i32
        %dma_start3A_26 = tpu.memref_slice %arg5[%add3A_12, %dma_start3A_25] : memref<320000x64xf32, #tpu.memory_space<hbm>> -> memref<80x64xf32, #tpu.memory_space<hbm>>
        tpu.enqueue_dma source(%arg9 : memref<80x64xf32, #tpu.memory_space<vmem>>) target(%dma_start3A_26 : memref<80x64xf32, #tpu.memory_space<hbm>>) target_semaphore(%run_scoped3A : memref<!tpu.dma_semaphore, #tpu.memory_space<semaphore_mem>>)
        %dma_wait3A_27 = arith.constant 0 : i32
        %dma_wait3A_28 = tpu.memref_slice %arg5[%add3A_12, %dma_wait3A_27] : memref<320000x64xf32, #tpu.memory_space<hbm>> -> memref<80x64xf32, #tpu.memory_space<hbm>>
        %dma_wait3A_29 = arith.constant 0 : i32
        %dma_wait3A_30 = tpu.memref_slice %arg5[%add3A_12, %dma_wait3A_29] : memref<320000x64xf32, #tpu.memory_space<hbm>> -> memref<80x64xf32, #tpu.memory_space<hbm>>
        tpu.wait_dma2 semaphore(%run_scoped3A : memref<!tpu.dma_semaphore, #tpu.memory_space<semaphore_mem>>) src(%arg9 : memref<80x64xf32, #tpu.memory_space<vmem>>) dst(%dma_wait3A_30 : memref<80x64xf32, #tpu.memory_space<hbm>>)
        tpu.yield
      }) : () -> ()
      "tpu.region"() ({
        %run_scoped3A = tpu.sem_alloc : memref<!tpu.dma_semaphore, #tpu.memory_space<semaphore_mem>>
        %dma_start3A_23 = arith.constant 0 : i32
        %dma_start3A_24 = tpu.memref_slice %arg6[%add3A_12, %dma_start3A_23] : memref<320000x64xf32, #tpu.memory_space<hbm>> -> memref<80x64xf32, #tpu.memory_space<hbm>>
        %dma_start3A_25 = arith.constant 0 : i32
        %dma_start3A_26 = tpu.memref_slice %arg6[%add3A_12, %dma_start3A_25] : memref<320000x64xf32, #tpu.memory_space<hbm>> -> memref<80x64xf32, #tpu.memory_space<hbm>>
        tpu.enqueue_dma source(%arg10 : memref<80x64xf32, #tpu.memory_space<vmem>>) target(%dma_start3A_26 : memref<80x64xf32, #tpu.memory_space<hbm>>) target_semaphore(%run_scoped3A : memref<!tpu.dma_semaphore, #tpu.memory_space<semaphore_mem>>)
        %dma_wait3A_27 = arith.constant 0 : i32
        %dma_wait3A_28 = tpu.memref_slice %arg6[%add3A_12, %dma_wait3A_27] : memref<320000x64xf32, #tpu.memory_space<hbm>> -> memref<80x64xf32, #tpu.memory_space<hbm>>
        %dma_wait3A_29 = arith.constant 0 : i32
        %dma_wait3A_30 = tpu.memref_slice %arg6[%add3A_12, %dma_wait3A_29] : memref<320000x64xf32, #tpu.memory_space<hbm>> -> memref<80x64xf32, #tpu.memory_space<hbm>>
        tpu.wait_dma2 semaphore(%run_scoped3A : memref<!tpu.dma_semaphore, #tpu.memory_space<semaphore_mem>>) src(%arg10 : memref<80x64xf32, #tpu.memory_space<vmem>>) dst(%dma_wait3A_30 : memref<80x64xf32, #tpu.memory_space<hbm>>)
        tpu.yield
      }) : () -> ()
    }
    %scan3A_6 = arith.constant 125 : i32
    return
  }
}

#map = affine_map<(d0, d1) -> (0, 0)>
#map1 = affine_map<(d0, d1) -> (0)>
#map2 = affine_map<(d0, d1) -> (0, 0, 0)>
module attributes {stable_mosaic.version = 14 : i64} {
  func.func @k(%arg0: i32, %arg1: i32, %arg2: memref<320000x64xf32, #tpu.memory_space<hbm>>, %arg3: memref<320000xi32, #tpu.memory_space<hbm>>, %arg4: memref<2x10240x64xf32, #tpu.memory_space<hbm>>, %arg5: memref<80xi32, #tpu.memory_space<vmem>>, %arg6: memref<80x64xf32, #tpu.memory_space<vmem>>, %arg7: memref<640x64xf32, #tpu.memory_space<vmem>>, %arg8: memref<10240x64xf32, #tpu.memory_space<vmem_shared>>) attributes {dimension_semantics = [#tpu.dimension_semantics<core_parallel>, #tpu.dimension_semantics<subcore_parallel>], iteration_bounds = array<i64: 2, 16>, scalar_prefetch = 0 : i64, scratch_operands = 4 : i64, tpu.core_type = #tpu.core_type<sc_vector_subcore>, window_params = [{transform_indices = #map}, {transform_indices = #map1}, {transform_indices = #map2}]} {
    %broadcast_in_dim3A = arith.constant 0.000000e+00 : f32
    %broadcast_in_dim3A_0 = vector.broadcast %broadcast_in_dim3A : f32 to vector<16xf32>
    %scan3A = arith.constant 0 : i32
    %scan3A_1 = arith.constant 640 : i32
    %scan3A_2 = arith.addi %scan3A, %scan3A_1 : i32
    %scan3A_3 = arith.constant 1 : i32
    scf.for %scan3A_20 = %scan3A to %scan3A_2 step %scan3A_3  : i32 {
      %mul3A_21 = arith.constant 1 : i32
      %mul3A_22 = arith.muli %scan3A_20, %mul3A_21 : i32
      %add3A_23 = arith.constant 0 : i32
      %add3A_24 = arith.addi %add3A_23, %mul3A_22 : i32
      %swap3A = arith.index_cast %add3A_24 : i32 to index
      %swap3A_25 = arith.constant 0 : index
      %swap3A_26 = tpu.vector_load %arg7[%swap3A, %swap3A_25] {strides = array<i32>} : memref<640x64xf32, #tpu.memory_space<vmem>>, vector<1x16xf32>,
      %swap3A_27 = vector.shape_cast %swap3A_26 : vector<1x16xf32> to vector<16xf32>
      %swap3A_28 = vector.shape_cast %broadcast_in_dim3A_0 : vector<16xf32> to vector<1x16xf32>
      tpu.vector_store %arg7[%swap3A, %swap3A_25], %swap3A_28 {strides = array<i32>} : memref<640x64xf32, #tpu.memory_space<vmem>>, vector<1x16xf32>,
      %swap3A_29 = arith.index_cast %add3A_24 : i32 to index
      %swap3A_30 = arith.constant 16 : index
      %swap3A_31 = tpu.vector_load %arg7[%swap3A_29, %swap3A_30] {strides = array<i32>} : memref<640x64xf32, #tpu.memory_space<vmem>>, vector<1x16xf32>,
      %swap3A_32 = vector.shape_cast %swap3A_31 : vector<1x16xf32> to vector<16xf32>
      %swap3A_33 = vector.shape_cast %broadcast_in_dim3A_0 : vector<16xf32> to vector<1x16xf32>
      tpu.vector_store %arg7[%swap3A_29, %swap3A_30], %swap3A_33 {strides = array<i32>} : memref<640x64xf32, #tpu.memory_space<vmem>>, vector<1x16xf32>,
      %swap3A_34 = arith.index_cast %add3A_24 : i32 to index
      %swap3A_35 = arith.constant 32 : index
      %swap3A_36 = tpu.vector_load %arg7[%swap3A_34, %swap3A_35] {strides = array<i32>} : memref<640x64xf32, #tpu.memory_space<vmem>>, vector<1x16xf32>,
      %swap3A_37 = vector.shape_cast %swap3A_36 : vector<1x16xf32> to vector<16xf32>
      %swap3A_38 = vector.shape_cast %broadcast_in_dim3A_0 : vector<16xf32> to vector<1x16xf32>
      tpu.vector_store %arg7[%swap3A_34, %swap3A_35], %swap3A_38 {strides = array<i32>} : memref<640x64xf32, #tpu.memory_space<vmem>>, vector<1x16xf32>,
      %swap3A_39 = arith.index_cast %add3A_24 : i32 to index
      %swap3A_40 = arith.constant 48 : index
      %swap3A_41 = tpu.vector_load %arg7[%swap3A_39, %swap3A_40] {strides = array<i32>} : memref<640x64xf32, #tpu.memory_space<vmem>>, vector<1x16xf32>,
      %swap3A_42 = vector.shape_cast %swap3A_41 : vector<1x16xf32> to vector<16xf32>
      %swap3A_43 = vector.shape_cast %broadcast_in_dim3A_0 : vector<16xf32> to vector<1x16xf32>
      tpu.vector_store %arg7[%swap3A_39, %swap3A_40], %swap3A_43 {strides = array<i32>} : memref<640x64xf32, #tpu.memory_space<vmem>>, vector<1x16xf32>,
    }
    %scan3A_4 = arith.constant 640 : i32
    %mul3A = arith.constant 640 : i32
    %mul3A_5 = arith.muli %arg1, %mul3A : i32
    "tpu.region"() ({
      %run_scoped3A = tpu.sem_alloc : memref<!tpu.dma_semaphore, #tpu.memory_space<semaphore_mem>>
      %dma_start3A = arith.constant 0 : i32
      %dma_start3A_20 = tpu.memref_slice %arg8[%mul3A_5, %dma_start3A] : memref<10240x64xf32, #tpu.memory_space<vmem_shared>> -> memref<640x64xf32, #tpu.memory_space<vmem_shared>>
      %dma_start3A_21 = arith.constant 0 : i32
      %dma_start3A_22 = tpu.memref_slice %arg8[%mul3A_5, %dma_start3A_21] : memref<10240x64xf32, #tpu.memory_space<vmem_shared>> -> memref<640x64xf32, #tpu.memory_space<vmem_shared>>
      tpu.enqueue_dma source(%arg7 : memref<640x64xf32, #tpu.memory_space<vmem>>) target(%dma_start3A_22 : memref<640x64xf32, #tpu.memory_space<vmem_shared>>) target_semaphore(%run_scoped3A : memref<!tpu.dma_semaphore, #tpu.memory_space<semaphore_mem>>)
      %dma_wait3A = arith.constant 0 : i32
      %dma_wait3A_23 = tpu.memref_slice %arg8[%mul3A_5, %dma_wait3A] : memref<10240x64xf32, #tpu.memory_space<vmem_shared>> -> memref<640x64xf32, #tpu.memory_space<vmem_shared>>
      %dma_wait3A_24 = arith.constant 0 : i32
      %dma_wait3A_25 = tpu.memref_slice %arg8[%mul3A_5, %dma_wait3A_24] : memref<10240x64xf32, #tpu.memory_space<vmem_shared>> -> memref<640x64xf32, #tpu.memory_space<vmem_shared>>
      tpu.wait_dma2 semaphore(%run_scoped3A : memref<!tpu.dma_semaphore, #tpu.memory_space<semaphore_mem>>) src(%arg7 : memref<640x64xf32, #tpu.memory_space<vmem>>) dst(%dma_wait3A_25 : memref<640x64xf32, #tpu.memory_space<vmem_shared>>)
      tpu.yield
    }) : () -> ()
    %barrier3A = arith.constant 0 : index
    tpu.barrier barrier_id(%barrier3A)
    %mul3A_6 = arith.constant 160000 : i32
    %mul3A_7 = arith.muli %arg0, %mul3A_6 : i32
    %mul3A_8 = arith.constant 10000 : i32
    %mul3A_9 = arith.muli %arg1, %mul3A_8 : i32
    %add3A = arith.addi %mul3A_7, %mul3A_9 : i32
    %scan3A_10 = arith.constant 0 : i32
    %scan3A_11 = arith.constant 125 : i32
    %scan3A_12 = arith.addi %scan3A_10, %scan3A_11 : i32
    %scan3A_13 = arith.constant 1 : i32
    scf.for %scan3A_20 = %scan3A_10 to %scan3A_12 step %scan3A_13  : i32 {
      %mul3A_21 = arith.constant 80 : i32
      %mul3A_22 = arith.muli %scan3A_20, %mul3A_21 : i32
      %add3A_23 = arith.constant 0 : i32
      %add3A_24 = arith.addi %add3A_23, %mul3A_22 : i32
      %add3A_25 = arith.addi %add3A, %add3A_24 : i32
      "tpu.region"() ({
        %run_scoped3A = tpu.sem_alloc : memref<!tpu.dma_semaphore, #tpu.memory_space<semaphore_mem>>
        %dma_start3A = tpu.memref_slice %arg3[%add3A_25] : memref<320000xi32, #tpu.memory_space<hbm>> -> memref<80xi32, #tpu.memory_space<hbm>>
        %dma_start3A_26 = tpu.memref_slice %arg3[%add3A_25] : memref<320000xi32, #tpu.memory_space<hbm>> -> memref<80xi32, #tpu.memory_space<hbm>>
        tpu.enqueue_dma source(%dma_start3A_26 : memref<80xi32, #tpu.memory_space<hbm>>) target(%arg5 : memref<80xi32, #tpu.memory_space<vmem>>) target_semaphore(%run_scoped3A : memref<!tpu.dma_semaphore, #tpu.memory_space<semaphore_mem>>)
        %dma_wait3A = tpu.memref_slice %arg3[%add3A_25] : memref<320000xi32, #tpu.memory_space<hbm>> -> memref<80xi32, #tpu.memory_space<hbm>>
        %dma_wait3A_27 = tpu.memref_slice %arg3[%add3A_25] : memref<320000xi32, #tpu.memory_space<hbm>> -> memref<80xi32, #tpu.memory_space<hbm>>
        tpu.wait_dma2 semaphore(%run_scoped3A : memref<!tpu.dma_semaphore, #tpu.memory_space<semaphore_mem>>) src(%dma_wait3A_27 : memref<80xi32, #tpu.memory_space<hbm>>) dst(%arg5 : memref<80xi32, #tpu.memory_space<vmem>>)
        tpu.yield
      }) : () -> ()
      "tpu.region"() ({
        %run_scoped3A = tpu.sem_alloc : memref<!tpu.dma_semaphore, #tpu.memory_space<semaphore_mem>>
        %dma_start3A = arith.constant 0 : i32
        %dma_start3A_26 = tpu.memref_slice %arg2[%add3A_25, %dma_start3A] : memref<320000x64xf32, #tpu.memory_space<hbm>> -> memref<80x64xf32, #tpu.memory_space<hbm>>
        %dma_start3A_27 = arith.constant 0 : i32
        %dma_start3A_28 = tpu.memref_slice %arg2[%add3A_25, %dma_start3A_27] : memref<320000x64xf32, #tpu.memory_space<hbm>> -> memref<80x64xf32, #tpu.memory_space<hbm>>
        tpu.enqueue_dma source(%dma_start3A_28 : memref<80x64xf32, #tpu.memory_space<hbm>>) target(%arg6 : memref<80x64xf32, #tpu.memory_space<vmem>>) target_semaphore(%run_scoped3A : memref<!tpu.dma_semaphore, #tpu.memory_space<semaphore_mem>>)
        %dma_wait3A = arith.constant 0 : i32
        %dma_wait3A_29 = tpu.memref_slice %arg2[%add3A_25, %dma_wait3A] : memref<320000x64xf32, #tpu.memory_space<hbm>> -> memref<80x64xf32, #tpu.memory_space<hbm>>
        %dma_wait3A_30 = arith.constant 0 : i32
        %dma_wait3A_31 = tpu.memref_slice %arg2[%add3A_25, %dma_wait3A_30] : memref<320000x64xf32, #tpu.memory_space<hbm>> -> memref<80x64xf32, #tpu.memory_space<hbm>>
        tpu.wait_dma2 semaphore(%run_scoped3A : memref<!tpu.dma_semaphore, #tpu.memory_space<semaphore_mem>>) src(%dma_wait3A_31 : memref<80x64xf32, #tpu.memory_space<hbm>>) dst(%arg6 : memref<80x64xf32, #tpu.memory_space<vmem>>)
        tpu.yield
      }) : () -> ()
      "tpu.region"() ({
        %run_scoped3A = tpu.sem_alloc : memref<!tpu.dma_semaphore, #tpu.memory_space<semaphore_mem>>
        %dma_start3A = arith.constant 0 : i32
        %dma_start3A_26 = arith.constant 0 : i32
        %dma_start3A_27 = tpu.memref_slice %arg8[%dma_start3A, %dma_start3A_26] : memref<10240x64xf32, #tpu.memory_space<vmem_shared>> -> memref<10240x64xf32, #tpu.memory_space<vmem_shared>>
        tpu.enqueue_indirect_dma source(%arg6 : memref<80x64xf32, #tpu.memory_space<vmem>>) target(%dma_start3A_27 : memref<10240x64xf32, #tpu.memory_space<vmem_shared>>) offsets(%arg5 : memref<80xi32, #tpu.memory_space<vmem>>) semaphore(%run_scoped3A : memref<!tpu.dma_semaphore, #tpu.memory_space<semaphore_mem>>) {add = true}
        %dma_wait3A = arith.constant 0 : i32
        %dma_wait3A_28 = arith.constant 0 : i32
        %dma_wait3A_29 = tpu.memref_slice %arg8[%dma_wait3A, %dma_wait3A_28] : memref<10240x64xf32, #tpu.memory_space<vmem_shared>> -> memref<10240x64xf32, #tpu.memory_space<vmem_shared>>
        tpu.wait_indirect_dma semaphore(%run_scoped3A : memref<!tpu.dma_semaphore, #tpu.memory_space<semaphore_mem>>) src(%arg6 : memref<80x64xf32, #tpu.memory_space<vmem>>) dst(%dma_wait3A_29 : memref<10240x64xf32, #tpu.memory_space<vmem_shared>>)
        tpu.yield
      }) : () -> ()
    }
    %scan3A_14 = arith.constant 125 : i32
    %barrier3A_15 = arith.constant 0 : index
    tpu.barrier barrier_id(%barrier3A_15)
    %mul3A_16 = arith.constant 640 : i32
    %mul3A_17 = arith.muli %arg1, %mul3A_16 : i32
    %mul3A_18 = arith.constant 640 : i32
    %mul3A_19 = arith.muli %arg1, %mul3A_18 : i32
    "tpu.region"() ({
      %run_scoped3A = tpu.sem_alloc : memref<!tpu.dma_semaphore, #tpu.memory_space<semaphore_mem>>
      %dma_start3A = arith.constant 0 : i32
      %dma_start3A_20 = tpu.memref_slice %arg4[%arg0, %mul3A_19, %dma_start3A] : memref<2x10240x64xf32, #tpu.memory_space<hbm>> -> memref<1x640x64xf32, #tpu.memory_space<hbm>>
      %dma_start3A_21 = tpu.memref_squeeze %dma_start3A_20 : memref<1x640x64xf32, #tpu.memory_space<hbm>> -> memref<640x64xf32, #tpu.memory_space<hbm>>
      %dma_start3A_22 = arith.constant 0 : i32
      %dma_start3A_23 = tpu.memref_slice %arg8[%mul3A_17, %dma_start3A_22] : memref<10240x64xf32, #tpu.memory_space<vmem_shared>> -> memref<640x64xf32, #tpu.memory_space<vmem_shared>>
      tpu.enqueue_dma source(%dma_start3A_23 : memref<640x64xf32, #tpu.memory_space<vmem_shared>>) target(%dma_start3A_21 : memref<640x64xf32, #tpu.memory_space<hbm>>) target_semaphore(%run_scoped3A : memref<!tpu.dma_semaphore, #tpu.memory_space<semaphore_mem>>)
      %dma_wait3A = arith.constant 0 : i32
      %dma_wait3A_24 = tpu.memref_slice %arg4[%arg0, %mul3A_19, %dma_wait3A] : memref<2x10240x64xf32, #tpu.memory_space<hbm>> -> memref<1x640x64xf32, #tpu.memory_space<hbm>>
      %dma_wait3A_25 = tpu.memref_squeeze %dma_wait3A_24 : memref<1x640x64xf32, #tpu.memory_space<hbm>> -> memref<640x64xf32, #tpu.memory_space<hbm>>
      %dma_wait3A_26 = arith.constant 0 : i32
      %dma_wait3A_27 = tpu.memref_slice %arg8[%mul3A_17, %dma_wait3A_26] : memref<10240x64xf32, #tpu.memory_space<vmem_shared>> -> memref<640x64xf32, #tpu.memory_space<vmem_shared>>
      tpu.wait_dma2 semaphore(%run_scoped3A : memref<!tpu.dma_semaphore, #tpu.memory_space<semaphore_mem>>) src(%dma_wait3A_27 : memref<640x64xf32, #tpu.memory_space<vmem_shared>>) dst(%dma_wait3A_25 : memref<640x64xf32, #tpu.memory_space<hbm>>)
      tpu.yield
    }) : () -> ()
    return
  }
}

#map = affine_map<(d0, d1) -> (0, 0)>
#map1 = affine_map<(d0, d1) -> (0)>
#map2 = affine_map<(d0, d1) -> (0, 0, 0)>
module attributes {stable_mosaic.version = 14 : i64} {
  func.func @k(%arg0: i32, %arg1: i32, %arg2: memref<10240x64xf32, #tpu.memory_space<hbm>>, %arg3: memref<10240xi32, #tpu.memory_space<hbm>>, %arg4: memref<32x512x64xf32, #tpu.memory_space<hbm>>, %arg5: memref<32x512x64xf32, #tpu.memory_space<hbm>>, %arg6: memref<320x64xf32, #tpu.memory_space<vmem>>, %arg7: memref<336xi32, #tpu.memory_space<vmem>>, %arg8: memref<520x64xf32, #tpu.memory_space<vmem>>, %arg9: memref<520x64xf32, #tpu.memory_space<vmem>>) attributes {dimension_semantics = [#tpu.dimension_semantics<core_parallel>, #tpu.dimension_semantics<subcore_parallel>], iteration_bounds = array<i64: 2, 16>, scalar_prefetch = 0 : i64, scratch_operands = 4 : i64, tpu.core_type = #tpu.core_type<sc_vector_subcore>, window_params = [{transform_indices = #map}, {transform_indices = #map1}, {transform_indices = #map2}, {transform_indices = #map2}]} {
    %mul3A = arith.constant 2 : i32
    %mul3A_0 = arith.muli %arg1, %mul3A : i32
    %add3A = arith.addi %mul3A_0, %arg0 : i32
    %mul3A_1 = arith.constant 320 : i32
    %mul3A_2 = arith.muli %add3A, %mul3A_1 : i32
    "tpu.region"() ({
      %run_scoped3A = tpu.sem_alloc : memref<!tpu.dma_semaphore, #tpu.memory_space<semaphore_mem>>
      %dma_start3A = arith.constant 0 : i32
      %dma_start3A_17 = tpu.memref_slice %arg2[%mul3A_2, %dma_start3A] : memref<10240x64xf32, #tpu.memory_space<hbm>> -> memref<320x64xf32, #tpu.memory_space<hbm>>
      %dma_start3A_18 = arith.constant 0 : i32
      %dma_start3A_19 = tpu.memref_slice %arg2[%mul3A_2, %dma_start3A_18] : memref<10240x64xf32, #tpu.memory_space<hbm>> -> memref<320x64xf32, #tpu.memory_space<hbm>>
      tpu.enqueue_dma source(%dma_start3A_19 : memref<320x64xf32, #tpu.memory_space<hbm>>) target(%arg6 : memref<320x64xf32, #tpu.memory_space<vmem>>) target_semaphore(%run_scoped3A : memref<!tpu.dma_semaphore, #tpu.memory_space<semaphore_mem>>)
      %dma_wait3A = arith.constant 0 : i32
      %dma_wait3A_20 = tpu.memref_slice %arg2[%mul3A_2, %dma_wait3A] : memref<10240x64xf32, #tpu.memory_space<hbm>> -> memref<320x64xf32, #tpu.memory_space<hbm>>
      %dma_wait3A_21 = arith.constant 0 : i32
      %dma_wait3A_22 = tpu.memref_slice %arg2[%mul3A_2, %dma_wait3A_21] : memref<10240x64xf32, #tpu.memory_space<hbm>> -> memref<320x64xf32, #tpu.memory_space<hbm>>
      tpu.wait_dma2 semaphore(%run_scoped3A : memref<!tpu.dma_semaphore, #tpu.memory_space<semaphore_mem>>) src(%dma_wait3A_22 : memref<320x64xf32, #tpu.memory_space<hbm>>) dst(%arg6 : memref<320x64xf32, #tpu.memory_space<vmem>>)
      tpu.yield
    }) : () -> ()
    "tpu.region"() ({
      %run_scoped3A = tpu.sem_alloc : memref<!tpu.dma_semaphore, #tpu.memory_space<semaphore_mem>>
      %dma_start3A = arith.constant 0 : i32
      %dma_start3A_17 = tpu.memref_slice %arg7[%dma_start3A] : memref<336xi32, #tpu.memory_space<vmem>> -> memref<320xi32, #tpu.memory_space<vmem>>
      %dma_start3A_18 = tpu.memref_slice %arg3[%mul3A_2] : memref<10240xi32, #tpu.memory_space<hbm>> -> memref<320xi32, #tpu.memory_space<hbm>>
      %dma_start3A_19 = arith.constant 0 : i32
      %dma_start3A_20 = tpu.memref_slice %arg7[%dma_start3A_19] : memref<336xi32, #tpu.memory_space<vmem>> -> memref<320xi32, #tpu.memory_space<vmem>>
      %dma_start3A_21 = tpu.memref_slice %arg3[%mul3A_2] : memref<10240xi32, #tpu.memory_space<hbm>> -> memref<320xi32, #tpu.memory_space<hbm>>
      tpu.enqueue_dma source(%dma_start3A_21 : memref<320xi32, #tpu.memory_space<hbm>>) target(%dma_start3A_20 : memref<320xi32, #tpu.memory_space<vmem>>) target_semaphore(%run_scoped3A : memref<!tpu.dma_semaphore, #tpu.memory_space<semaphore_mem>>)
      %dma_wait3A = arith.constant 0 : i32
      %dma_wait3A_22 = tpu.memref_slice %arg7[%dma_wait3A] : memref<336xi32, #tpu.memory_space<vmem>> -> memref<320xi32, #tpu.memory_space<vmem>>
      %dma_wait3A_23 = tpu.memref_slice %arg3[%mul3A_2] : memref<10240xi32, #tpu.memory_space<hbm>> -> memref<320xi32, #tpu.memory_space<hbm>>
      %dma_wait3A_24 = arith.constant 0 : i32
      %dma_wait3A_25 = tpu.memref_slice %arg7[%dma_wait3A_24] : memref<336xi32, #tpu.memory_space<vmem>> -> memref<320xi32, #tpu.memory_space<vmem>>
      %dma_wait3A_26 = tpu.memref_slice %arg3[%mul3A_2] : memref<10240xi32, #tpu.memory_space<hbm>> -> memref<320xi32, #tpu.memory_space<hbm>>
      tpu.wait_dma2 semaphore(%run_scoped3A : memref<!tpu.dma_semaphore, #tpu.memory_space<semaphore_mem>>) src(%dma_wait3A_26 : memref<320xi32, #tpu.memory_space<hbm>>) dst(%dma_wait3A_25 : memref<320xi32, #tpu.memory_space<vmem>>)
      tpu.yield
    }) : () -> ()
    %broadcast_in_dim3A = arith.constant 0xFF800000 : f32
    %broadcast_in_dim3A_3 = vector.broadcast %broadcast_in_dim3A : f32 to vector<16xf32>
    %broadcast_in_dim3A_4 = arith.constant 0.000000e+00 : f32
    %broadcast_in_dim3A_5 = vector.broadcast %broadcast_in_dim3A_4 : f32 to vector<16xf32>
    %scan3A = arith.constant 0 : i32
    %scan3A_6 = arith.constant 520 : i32
    %scan3A_7 = arith.addi %scan3A, %scan3A_6 : i32
    %scan3A_8 = arith.constant 1 : i32
    scf.for %scan3A_17 = %scan3A to %scan3A_7 step %scan3A_8  : i32 {
      %mul3A_18 = arith.constant 1 : i32
      %mul3A_19 = arith.muli %scan3A_17, %mul3A_18 : i32
      %add3A_20 = arith.constant 0 : i32
      %add3A_21 = arith.addi %add3A_20, %mul3A_19 : i32
      %swap3A = arith.index_cast %add3A_21 : i32 to index
      %swap3A_22 = arith.constant 0 : index
      %swap3A_23 = tpu.vector_load %arg8[%swap3A, %swap3A_22] {strides = array<i32>} : memref<520x64xf32, #tpu.memory_space<vmem>>, vector<16xf32>,
      tpu.vector_store %arg8[%swap3A, %swap3A_22], %broadcast_in_dim3A_3 {strides = array<i32>} : memref<520x64xf32, #tpu.memory_space<vmem>>, vector<16xf32>,
      %swap3A_24 = arith.index_cast %add3A_21 : i32 to index
      %swap3A_25 = arith.constant 0 : index
      %swap3A_26 = tpu.vector_load %arg9[%swap3A_24, %swap3A_25] {strides = array<i32>} : memref<520x64xf32, #tpu.memory_space<vmem>>, vector<16xf32>,
      tpu.vector_store %arg9[%swap3A_24, %swap3A_25], %broadcast_in_dim3A_5 {strides = array<i32>} : memref<520x64xf32, #tpu.memory_space<vmem>>, vector<16xf32>,
      %swap3A_27 = arith.index_cast %add3A_21 : i32 to index
      %swap3A_28 = arith.constant 16 : index
      %swap3A_29 = tpu.vector_load %arg8[%swap3A_27, %swap3A_28] {strides = array<i32>} : memref<520x64xf32, #tpu.memory_space<vmem>>, vector<16xf32>,
      tpu.vector_store %arg8[%swap3A_27, %swap3A_28], %broadcast_in_dim3A_3 {strides = array<i32>} : memref<520x64xf32, #tpu.memory_space<vmem>>, vector<16xf32>,
      %swap3A_30 = arith.index_cast %add3A_21 : i32 to index
      %swap3A_31 = arith.constant 16 : index
      %swap3A_32 = tpu.vector_load %arg9[%swap3A_30, %swap3A_31] {strides = array<i32>} : memref<520x64xf32, #tpu.memory_space<vmem>>, vector<16xf32>,
      tpu.vector_store %arg9[%swap3A_30, %swap3A_31], %broadcast_in_dim3A_5 {strides = array<i32>} : memref<520x64xf32, #tpu.memory_space<vmem>>, vector<16xf32>,
      %swap3A_33 = arith.index_cast %add3A_21 : i32 to index
      %swap3A_34 = arith.constant 32 : index
      %swap3A_35 = tpu.vector_load %arg8[%swap3A_33, %swap3A_34] {strides = array<i32>} : memref<520x64xf32, #tpu.memory_space<vmem>>, vector<16xf32>,
      tpu.vector_store %arg8[%swap3A_33, %swap3A_34], %broadcast_in_dim3A_3 {strides = array<i32>} : memref<520x64xf32, #tpu.memory_space<vmem>>, vector<16xf32>,
      %swap3A_36 = arith.index_cast %add3A_21 : i32 to index
      %swap3A_37 = arith.constant 32 : index
      %swap3A_38 = tpu.vector_load %arg9[%swap3A_36, %swap3A_37] {strides = array<i32>} : memref<520x64xf32, #tpu.memory_space<vmem>>, vector<16xf32>,
      tpu.vector_store %arg9[%swap3A_36, %swap3A_37], %broadcast_in_dim3A_5 {strides = array<i32>} : memref<520x64xf32, #tpu.memory_space<vmem>>, vector<16xf32>,
      %swap3A_39 = arith.index_cast %add3A_21 : i32 to index
      %swap3A_40 = arith.constant 48 : index
      %swap3A_41 = tpu.vector_load %arg8[%swap3A_39, %swap3A_40] {strides = array<i32>} : memref<520x64xf32, #tpu.memory_space<vmem>>, vector<16xf32>,
      tpu.vector_store %arg8[%swap3A_39, %swap3A_40], %broadcast_in_dim3A_3 {strides = array<i32>} : memref<520x64xf32, #tpu.memory_space<vmem>>, vector<16xf32>,
      %swap3A_42 = arith.index_cast %add3A_21 : i32 to index
      %swap3A_43 = arith.constant 48 : index
      %swap3A_44 = tpu.vector_load %arg9[%swap3A_42, %swap3A_43] {strides = array<i32>} : memref<520x64xf32, #tpu.memory_space<vmem>>, vector<16xf32>,
      tpu.vector_store %arg9[%swap3A_42, %swap3A_43], %broadcast_in_dim3A_5 {strides = array<i32>} : memref<520x64xf32, #tpu.memory_space<vmem>>, vector<16xf32>,
    }
    %scan3A_9 = arith.constant 520 : i32
    %iota3A = tpu.iota {dimensions = array<i32: 0>} : vector<16xi32>
    %eq3A = arith.constant 0 : i32
    %eq3A_10 = vector.broadcast %eq3A : i32 to vector<16xi32>
    %eq3A_11 = arith.cmpi eq, %iota3A, %eq3A_10 : vector<16xi32>
    %scan3A_12 = arith.constant 0 : i32
    %scan3A_13 = arith.constant 320 : i32
    %scan3A_14 = arith.addi %scan3A_12, %scan3A_13 : i32
    %scan3A_15 = arith.constant 1 : i32
    scf.for %scan3A_17 = %scan3A_12 to %scan3A_14 step %scan3A_15  : i32 {
      %mul3A_18 = arith.constant 1 : i32
      %mul3A_19 = arith.muli %scan3A_17, %mul3A_18 : i32
      %add3A_20 = arith.constant 0 : i32
      %add3A_21 = arith.addi %add3A_20, %mul3A_19 : i32
      %get3A = arith.index_cast %add3A_21 : i32 to index
      %get3A_22 = tpu.vector_load %arg7[%get3A] {strides = array<i32>} : memref<336xi32, #tpu.memory_space<vmem>>, vector<16xi32>,
      %jit3A = arith.constant -1 : i32
      %broadcast_in_dim3A_23 = vector.broadcast %jit3A : i32 to vector<16xi32>
      %select_n3A = arith.select %eq3A_11, %get3A_22, %broadcast_in_dim3A_23 : vector<16xi1>, vector<16xi32>
      %reduce_max3A = arith.constant true
      %reduce_max3A_24 = vector.broadcast %reduce_max3A : i1 to vector<16xi1>
      %reduce_max3A_25 = arith.constant -2147483648 : i32
      %reduce_max3A_26 = vector.broadcast %reduce_max3A_25 : i32 to vector<16xi32>
      %reduce_max3A_27 = arith.xori %select_n3A, %reduce_max3A_26 : vector<16xi32>
      %reduce_max3A_28 = tpu.scan <max>, %reduce_max3A_27 masked %reduce_max3A_24 : vector<16xi32>, vector<16xi1> -> vector<16xi32>
      %reduce_max3A_29 = arith.xori %reduce_max3A_28, %reduce_max3A_26 : vector<16xi32>
      %reduce_max3A_30 = vector.extract %reduce_max3A_29[15] : i32 from vector<16xi32>
      %get3A_31 = arith.index_cast %add3A_21 : i32 to index
      %get3A_32 = arith.constant 0 : index
      %get3A_33 = tpu.vector_load %arg6[%get3A_31, %get3A_32] {strides = array<i32>} : memref<320x64xf32, #tpu.memory_space<vmem>>, vector<16xf32>,
      %get3A_34 = arith.index_cast %reduce_max3A_30 : i32 to index
      %get3A_35 = arith.constant 0 : index
      %get3A_36 = tpu.vector_load %arg8[%get3A_34, %get3A_35] {strides = array<i32>} : memref<520x64xf32, #tpu.memory_space<vmem>>, vector<16xf32>,
      %max3A = arith.maximumf %get3A_36, %get3A_33 : vector<16xf32>
      %swap3A = arith.index_cast %reduce_max3A_30 : i32 to index
      %swap3A_37 = arith.constant 0 : index
      %swap3A_38 = tpu.vector_load %arg8[%swap3A, %swap3A_37] {strides = array<i32>} : memref<520x64xf32, #tpu.memory_space<vmem>>, vector<16xf32>,
      tpu.vector_store %arg8[%swap3A, %swap3A_37], %max3A {strides = array<i32>} : memref<520x64xf32, #tpu.memory_space<vmem>>, vector<16xf32>,
      %get3A_39 = arith.index_cast %reduce_max3A_30 : i32 to index
      %get3A_40 = arith.constant 0 : index
      %get3A_41 = tpu.vector_load %arg9[%get3A_39, %get3A_40] {strides = array<i32>} : memref<520x64xf32, #tpu.memory_space<vmem>>, vector<16xf32>,
      %add3A_42 = arith.addf %get3A_41, %get3A_33 : vector<16xf32>
      %swap3A_43 = arith.index_cast %reduce_max3A_30 : i32 to index
      %swap3A_44 = arith.constant 0 : index
      %swap3A_45 = tpu.vector_load %arg9[%swap3A_43, %swap3A_44] {strides = array<i32>} : memref<520x64xf32, #tpu.memory_space<vmem>>, vector<16xf32>,
      tpu.vector_store %arg9[%swap3A_43, %swap3A_44], %add3A_42 {strides = array<i32>} : memref<520x64xf32, #tpu.memory_space<vmem>>, vector<16xf32>,
      %get3A_46 = arith.index_cast %add3A_21 : i32 to index
      %get3A_47 = arith.constant 16 : index
      %get3A_48 = tpu.vector_load %arg6[%get3A_46, %get3A_47] {strides = array<i32>} : memref<320x64xf32, #tpu.memory_space<vmem>>, vector<16xf32>,
      %get3A_49 = arith.index_cast %reduce_max3A_30 : i32 to index
      %get3A_50 = arith.constant 16 : index
      %get3A_51 = tpu.vector_load %arg8[%get3A_49, %get3A_50] {strides = array<i32>} : memref<520x64xf32, #tpu.memory_space<vmem>>, vector<16xf32>,
      %max3A_52 = arith.maximumf %get3A_51, %get3A_48 : vector<16xf32>
      %swap3A_53 = arith.index_cast %reduce_max3A_30 : i32 to index
      %swap3A_54 = arith.constant 16 : index
      %swap3A_55 = tpu.vector_load %arg8[%swap3A_53, %swap3A_54] {strides = array<i32>} : memref<520x64xf32, #tpu.memory_space<vmem>>, vector<16xf32>,
      tpu.vector_store %arg8[%swap3A_53, %swap3A_54], %max3A_52 {strides = array<i32>} : memref<520x64xf32, #tpu.memory_space<vmem>>, vector<16xf32>,
      %get3A_56 = arith.index_cast %reduce_max3A_30 : i32 to index
      %get3A_57 = arith.constant 16 : index
      %get3A_58 = tpu.vector_load %arg9[%get3A_56, %get3A_57] {strides = array<i32>} : memref<520x64xf32, #tpu.memory_space<vmem>>, vector<16xf32>,
      %add3A_59 = arith.addf %get3A_58, %get3A_48 : vector<16xf32>
      %swap3A_60 = arith.index_cast %reduce_max3A_30 : i32 to index
      %swap3A_61 = arith.constant 16 : index
      %swap3A_62 = tpu.vector_load %arg9[%swap3A_60, %swap3A_61] {strides = array<i32>} : memref<520x64xf32, #tpu.memory_space<vmem>>, vector<16xf32>,
      tpu.vector_store %arg9[%swap3A_60, %swap3A_61], %add3A_59 {strides = array<i32>} : memref<520x64xf32, #tpu.memory_space<vmem>>, vector<16xf32>,
      %get3A_63 = arith.index_cast %add3A_21 : i32 to index
      %get3A_64 = arith.constant 32 : index
      %get3A_65 = tpu.vector_load %arg6[%get3A_63, %get3A_64] {strides = array<i32>} : memref<320x64xf32, #tpu.memory_space<vmem>>, vector<16xf32>,
      %get3A_66 = arith.index_cast %reduce_max3A_30 : i32 to index
      %get3A_67 = arith.constant 32 : index
      %get3A_68 = tpu.vector_load %arg8[%get3A_66, %get3A_67] {strides = array<i32>} : memref<520x64xf32, #tpu.memory_space<vmem>>, vector<16xf32>,
      %max3A_69 = arith.maximumf %get3A_68, %get3A_65 : vector<16xf32>
      %swap3A_70 = arith.index_cast %reduce_max3A_30 : i32 to index
      %swap3A_71 = arith.constant 32 : index
      %swap3A_72 = tpu.vector_load %arg8[%swap3A_70, %swap3A_71] {strides = array<i32>} : memref<520x64xf32, #tpu.memory_space<vmem>>, vector<16xf32>,
      tpu.vector_store %arg8[%swap3A_70, %swap3A_71], %max3A_69 {strides = array<i32>} : memref<520x64xf32, #tpu.memory_space<vmem>>, vector<16xf32>,
      %get3A_73 = arith.index_cast %reduce_max3A_30 : i32 to index
      %get3A_74 = arith.constant 32 : index
      %get3A_75 = tpu.vector_load %arg9[%get3A_73, %get3A_74] {strides = array<i32>} : memref<520x64xf32, #tpu.memory_space<vmem>>, vector<16xf32>,
      %add3A_76 = arith.addf %get3A_75, %get3A_65 : vector<16xf32>
      %swap3A_77 = arith.index_cast %reduce_max3A_30 : i32 to index
      %swap3A_78 = arith.constant 32 : index
      %swap3A_79 = tpu.vector_load %arg9[%swap3A_77, %swap3A_78] {strides = array<i32>} : memref<520x64xf32, #tpu.memory_space<vmem>>, vector<16xf32>,
      tpu.vector_store %arg9[%swap3A_77, %swap3A_78], %add3A_76 {strides = array<i32>} : memref<520x64xf32, #tpu.memory_space<vmem>>, vector<16xf32>,
      %get3A_80 = arith.index_cast %add3A_21 : i32 to index
      %get3A_81 = arith.constant 48 : index
      %get3A_82 = tpu.vector_load %arg6[%get3A_80, %get3A_81] {strides = array<i32>} : memref<320x64xf32, #tpu.memory_space<vmem>>, vector<16xf32>,
      %get3A_83 = arith.index_cast %reduce_max3A_30 : i32 to index
      %get3A_84 = arith.constant 48 : index
      %get3A_85 = tpu.vector_load %arg8[%get3A_83, %get3A_84] {strides = array<i32>} : memref<520x64xf32, #tpu.memory_space<vmem>>, vector<16xf32>,
      %max3A_86 = arith.maximumf %get3A_85, %get3A_82 : vector<16xf32>
      %swap3A_87 = arith.index_cast %reduce_max3A_30 : i32 to index
      %swap3A_88 = arith.constant 48 : index
      %swap3A_89 = tpu.vector_load %arg8[%swap3A_87, %swap3A_88] {strides = array<i32>} : memref<520x64xf32, #tpu.memory_space<vmem>>, vector<16xf32>,
      tpu.vector_store %arg8[%swap3A_87, %swap3A_88], %max3A_86 {strides = array<i32>} : memref<520x64xf32, #tpu.memory_space<vmem>>, vector<16xf32>,
      %get3A_90 = arith.index_cast %reduce_max3A_30 : i32 to index
      %get3A_91 = arith.constant 48 : index
      %get3A_92 = tpu.vector_load %arg9[%get3A_90, %get3A_91] {strides = array<i32>} : memref<520x64xf32, #tpu.memory_space<vmem>>, vector<16xf32>,
      %add3A_93 = arith.addf %get3A_92, %get3A_82 : vector<16xf32>
      %swap3A_94 = arith.index_cast %reduce_max3A_30 : i32 to index
      %swap3A_95 = arith.constant 48 : index
      %swap3A_96 = tpu.vector_load %arg9[%swap3A_94, %swap3A_95] {strides = array<i32>} : memref<520x64xf32, #tpu.memory_space<vmem>>, vector<16xf32>,
      tpu.vector_store %arg9[%swap3A_94, %swap3A_95], %add3A_93 {strides = array<i32>} : memref<520x64xf32, #tpu.memory_space<vmem>>, vector<16xf32>,
    }
    %scan3A_16 = arith.constant 320 : i32
    "tpu.region"() ({
      %run_scoped3A = tpu.sem_alloc : memref<!tpu.dma_semaphore, #tpu.memory_space<semaphore_mem>>
      %dma_start3A = arith.constant 0 : i32
      %dma_start3A_17 = arith.constant 0 : i32
      %dma_start3A_18 = tpu.memref_slice %arg8[%dma_start3A, %dma_start3A_17] : memref<520x64xf32, #tpu.memory_space<vmem>> -> memref<512x64xf32, #tpu.memory_space<vmem>>
      %dma_start3A_19 = arith.constant 0 : i32
      %dma_start3A_20 = arith.constant 0 : i32
      %dma_start3A_21 = tpu.memref_slice %arg4[%add3A, %dma_start3A_19, %dma_start3A_20] : memref<32x512x64xf32, #tpu.memory_space<hbm>> -> memref<1x512x64xf32, #tpu.memory_space<hbm>>
      %dma_start3A_22 = tpu.memref_squeeze %dma_start3A_21 : memref<1x512x64xf32, #tpu.memory_space<hbm>> -> memref<512x64xf32, #tpu.memory_space<hbm>>
      %dma_start3A_23 = arith.constant 0 : i32
      %dma_start3A_24 = arith.constant 0 : i32
      %dma_start3A_25 = tpu.memref_slice %arg4[%add3A, %dma_start3A_23, %dma_start3A_24] : memref<32x512x64xf32, #tpu.memory_space<hbm>> -> memref<1x512x64xf32, #tpu.memory_space<hbm>>
      %dma_start3A_26 = tpu.memref_squeeze %dma_start3A_25 : memref<1x512x64xf32, #tpu.memory_space<hbm>> -> memref<512x64xf32, #tpu.memory_space<hbm>>
      %dma_start3A_27 = arith.constant 0 : i32
      %dma_start3A_28 = arith.constant 0 : i32
      %dma_start3A_29 = tpu.memref_slice %arg8[%dma_start3A_27, %dma_start3A_28] : memref<520x64xf32, #tpu.memory_space<vmem>> -> memref<512x64xf32, #tpu.memory_space<vmem>>
      tpu.enqueue_dma source(%dma_start3A_29 : memref<512x64xf32, #tpu.memory_space<vmem>>) target(%dma_start3A_26 : memref<512x64xf32, #tpu.memory_space<hbm>>) target_semaphore(%run_scoped3A : memref<!tpu.dma_semaphore, #tpu.memory_space<semaphore_mem>>)
      %dma_wait3A = arith.constant 0 : i32
      %dma_wait3A_30 = arith.constant 0 : i32
      %dma_wait3A_31 = tpu.memref_slice %arg8[%dma_wait3A, %dma_wait3A_30] : memref<520x64xf32, #tpu.memory_space<vmem>> -> memref<512x64xf32, #tpu.memory_space<vmem>>
      %dma_wait3A_32 = arith.constant 0 : i32
      %dma_wait3A_33 = arith.constant 0 : i32
      %dma_wait3A_34 = tpu.memref_slice %arg4[%add3A, %dma_wait3A_32, %dma_wait3A_33] : memref<32x512x64xf32, #tpu.memory_space<hbm>> -> memref<1x512x64xf32, #tpu.memory_space<hbm>>
      %dma_wait3A_35 = tpu.memref_squeeze %dma_wait3A_34 : memref<1x512x64xf32, #tpu.memory_space<hbm>> -> memref<512x64xf32, #tpu.memory_space<hbm>>
      %dma_wait3A_36 = arith.constant 0 : i32
      %dma_wait3A_37 = arith.constant 0 : i32
      %dma_wait3A_38 = tpu.memref_slice %arg4[%add3A, %dma_wait3A_36, %dma_wait3A_37] : memref<32x512x64xf32, #tpu.memory_space<hbm>> -> memref<1x512x64xf32, #tpu.memory_space<hbm>>
      %dma_wait3A_39 = tpu.memref_squeeze %dma_wait3A_38 : memref<1x512x64xf32, #tpu.memory_space<hbm>> -> memref<512x64xf32, #tpu.memory_space<hbm>>
      %dma_wait3A_40 = arith.constant 0 : i32
      %dma_wait3A_41 = arith.constant 0 : i32
      %dma_wait3A_42 = tpu.memref_slice %arg8[%dma_wait3A_40, %dma_wait3A_41] : memref<520x64xf32, #tpu.memory_space<vmem>> -> memref<512x64xf32, #tpu.memory_space<vmem>>
      tpu.wait_dma2 semaphore(%run_scoped3A : memref<!tpu.dma_semaphore, #tpu.memory_space<semaphore_mem>>) src(%dma_wait3A_42 : memref<512x64xf32, #tpu.memory_space<vmem>>) dst(%dma_wait3A_39 : memref<512x64xf32, #tpu.memory_space<hbm>>)
      tpu.yield
    }) : () -> ()
    "tpu.region"() ({
      %run_scoped3A = tpu.sem_alloc : memref<!tpu.dma_semaphore, #tpu.memory_space<semaphore_mem>>
      %dma_start3A = arith.constant 0 : i32
      %dma_start3A_17 = arith.constant 0 : i32
      %dma_start3A_18 = tpu.memref_slice %arg9[%dma_start3A, %dma_start3A_17] : memref<520x64xf32, #tpu.memory_space<vmem>> -> memref<512x64xf32, #tpu.memory_space<vmem>>
      %dma_start3A_19 = arith.constant 0 : i32
      %dma_start3A_20 = arith.constant 0 : i32
      %dma_start3A_21 = tpu.memref_slice %arg5[%add3A, %dma_start3A_19, %dma_start3A_20] : memref<32x512x64xf32, #tpu.memory_space<hbm>> -> memref<1x512x64xf32, #tpu.memory_space<hbm>>
      %dma_start3A_22 = tpu.memref_squeeze %dma_start3A_21 : memref<1x512x64xf32, #tpu.memory_space<hbm>> -> memref<512x64xf32, #tpu.memory_space<hbm>>
      %dma_start3A_23 = arith.constant 0 : i32
      %dma_start3A_24 = arith.constant 0 : i32
      %dma_start3A_25 = tpu.memref_slice %arg5[%add3A, %dma_start3A_23, %dma_start3A_24] : memref<32x512x64xf32, #tpu.memory_space<hbm>> -> memref<1x512x64xf32, #tpu.memory_space<hbm>>
      %dma_start3A_26 = tpu.memref_squeeze %dma_start3A_25 : memref<1x512x64xf32, #tpu.memory_space<hbm>> -> memref<512x64xf32, #tpu.memory_space<hbm>>
      %dma_start3A_27 = arith.constant 0 : i32
      %dma_start3A_28 = arith.constant 0 : i32
      %dma_start3A_29 = tpu.memref_slice %arg9[%dma_start3A_27, %dma_start3A_28] : memref<520x64xf32, #tpu.memory_space<vmem>> -> memref<512x64xf32, #tpu.memory_space<vmem>>
      tpu.enqueue_dma source(%dma_start3A_29 : memref<512x64xf32, #tpu.memory_space<vmem>>) target(%dma_start3A_26 : memref<512x64xf32, #tpu.memory_space<hbm>>) target_semaphore(%run_scoped3A : memref<!tpu.dma_semaphore, #tpu.memory_space<semaphore_mem>>)
      %dma_wait3A = arith.constant 0 : i32
      %dma_wait3A_30 = arith.constant 0 : i32
      %dma_wait3A_31 = tpu.memref_slice %arg9[%dma_wait3A, %dma_wait3A_30] : memref<520x64xf32, #tpu.memory_space<vmem>> -> memref<512x64xf32, #tpu.memory_space<vmem>>
      %dma_wait3A_32 = arith.constant 0 : i32
      %dma_wait3A_33 = arith.constant 0 : i32
      %dma_wait3A_34 = tpu.memref_slice %arg5[%add3A, %dma_wait3A_32, %dma_wait3A_33] : memref<32x512x64xf32, #tpu.memory_space<hbm>> -> memref<1x512x64xf32, #tpu.memory_space<hbm>>
      %dma_wait3A_35 = tpu.memref_squeeze %dma_wait3A_34 : memref<1x512x64xf32, #tpu.memory_space<hbm>> -> memref<512x64xf32, #tpu.memory_space<hbm>>
      %dma_wait3A_36 = arith.constant 0 : i32
      %dma_wait3A_37 = arith.constant 0 : i32
      %dma_wait3A_38 = tpu.memref_slice %arg5[%add3A, %dma_wait3A_36, %dma_wait3A_37] : memref<32x512x64xf32, #tpu.memory_space<hbm>> -> memref<1x512x64xf32, #tpu.memory_space<hbm>>
      %dma_wait3A_39 = tpu.memref_squeeze %dma_wait3A_38 : memref<1x512x64xf32, #tpu.memory_space<hbm>> -> memref<512x64xf32, #tpu.memory_space<hbm>>
      %dma_wait3A_40 = arith.constant 0 : i32
      %dma_wait3A_41 = arith.constant 0 : i32
      %dma_wait3A_42 = tpu.memref_slice %arg9[%dma_wait3A_40, %dma_wait3A_41] : memref<520x64xf32, #tpu.memory_space<vmem>> -> memref<512x64xf32, #tpu.memory_space<vmem>>
      tpu.wait_dma2 semaphore(%run_scoped3A : memref<!tpu.dma_semaphore, #tpu.memory_space<semaphore_mem>>) src(%dma_wait3A_42 : memref<512x64xf32, #tpu.memory_space<vmem>>) dst(%dma_wait3A_39 : memref<512x64xf32, #tpu.memory_space<hbm>>)
      tpu.yield
    }) : () -> ()
    return
  }
}

#map = affine_map<(d0, d1) -> (0, 0)>
#map1 = affine_map<(d0, d1) -> (0)>
module attributes {stable_mosaic.version = 14 : i64} {
  func.func @k(%arg0: i32, %arg1: i32, %arg2: memref<520x64xf32, #tpu.memory_space<hbm>>, %arg3: memref<10240xi32, #tpu.memory_space<hbm>>, %arg4: memref<10240x64xf32, #tpu.memory_space<hbm>>, %arg5: memref<80xi32, #tpu.memory_space<vmem>>, %arg6: memref<80x64xf32, #tpu.memory_space<vmem>>, %arg7: memref<!tpu.dma_semaphore, #tpu.memory_space<semaphore_mem>>) attributes {dimension_semantics = [#tpu.dimension_semantics<core_parallel>, #tpu.dimension_semantics<subcore_parallel>], iteration_bounds = array<i64: 2, 16>, scalar_prefetch = 0 : i64, scratch_operands = 3 : i64, tpu.core_type = #tpu.core_type<sc_vector_subcore>, window_params = [{transform_indices = #map}, {transform_indices = #map1}, {transform_indices = #map}]} {
    %mul3A = arith.constant 2 : i32
    %mul3A_0 = arith.muli %arg1, %mul3A : i32
    %add3A = arith.addi %mul3A_0, %arg0 : i32
    %mul3A_1 = arith.constant 320 : i32
    %mul3A_2 = arith.muli %add3A, %mul3A_1 : i32
    %scan3A = arith.constant 0 : i32
    %scan3A_3 = arith.constant 4 : i32
    %scan3A_4 = arith.addi %scan3A, %scan3A_3 : i32
    %scan3A_5 = arith.constant 1 : i32
    scf.for %scan3A_7 = %scan3A to %scan3A_4 step %scan3A_5  : i32 {
      %mul3A_8 = arith.constant 80 : i32
      %mul3A_9 = arith.muli %scan3A_7, %mul3A_8 : i32
      %add3A_10 = arith.constant 0 : i32
      %add3A_11 = arith.addi %add3A_10, %mul3A_9 : i32
      %add3A_12 = arith.addi %mul3A_2, %add3A_11 : i32
      "tpu.region"() ({
        %run_scoped3A = tpu.sem_alloc : memref<!tpu.dma_semaphore, #tpu.memory_space<semaphore_mem>>
        %dma_start3A_17 = tpu.memref_slice %arg3[%add3A_12] : memref<10240xi32, #tpu.memory_space<hbm>> -> memref<80xi32, #tpu.memory_space<hbm>>
        %dma_start3A_18 = tpu.memref_slice %arg3[%add3A_12] : memref<10240xi32, #tpu.memory_space<hbm>> -> memref<80xi32, #tpu.memory_space<hbm>>
        tpu.enqueue_dma source(%dma_start3A_18 : memref<80xi32, #tpu.memory_space<hbm>>) target(%arg5 : memref<80xi32, #tpu.memory_space<vmem>>) target_semaphore(%run_scoped3A : memref<!tpu.dma_semaphore, #tpu.memory_space<semaphore_mem>>)
        %dma_wait3A_19 = tpu.memref_slice %arg3[%add3A_12] : memref<10240xi32, #tpu.memory_space<hbm>> -> memref<80xi32, #tpu.memory_space<hbm>>
        %dma_wait3A_20 = tpu.memref_slice %arg3[%add3A_12] : memref<10240xi32, #tpu.memory_space<hbm>> -> memref<80xi32, #tpu.memory_space<hbm>>
        tpu.wait_dma2 semaphore(%run_scoped3A : memref<!tpu.dma_semaphore, #tpu.memory_space<semaphore_mem>>) src(%dma_wait3A_20 : memref<80xi32, #tpu.memory_space<hbm>>) dst(%arg5 : memref<80xi32, #tpu.memory_space<vmem>>)
        tpu.yield
      }) : () -> ()
      %dma_start3A = arith.constant 0 : i32
      %dma_start3A_13 = arith.constant 0 : i32
      %dma_start3A_14 = tpu.memref_slice %arg2[%dma_start3A, %dma_start3A_13] : memref<520x64xf32, #tpu.memory_space<hbm>> -> memref<520x64xf32, #tpu.memory_space<hbm>>
      tpu.enqueue_indirect_dma source(%dma_start3A_14 : memref<520x64xf32, #tpu.memory_space<hbm>>) target(%arg6 : memref<80x64xf32, #tpu.memory_space<vmem>>) offsets(%arg5 : memref<80xi32, #tpu.memory_space<vmem>>) semaphore(%arg7 : memref<!tpu.dma_semaphore, #tpu.memory_space<semaphore_mem>>)
      %dma_wait3A = arith.constant 0 : i32
      %dma_wait3A_15 = arith.constant 0 : i32
      %dma_wait3A_16 = tpu.memref_slice %arg2[%dma_wait3A, %dma_wait3A_15] : memref<520x64xf32, #tpu.memory_space<hbm>> -> memref<520x64xf32, #tpu.memory_space<hbm>>
      tpu.wait_indirect_dma semaphore(%arg7 : memref<!tpu.dma_semaphore, #tpu.memory_space<semaphore_mem>>) src(%dma_wait3A_16 : memref<520x64xf32, #tpu.memory_space<hbm>>) dst(%arg6 : memref<80x64xf32, #tpu.memory_space<vmem>>)
      "tpu.region"() ({
        %run_scoped3A = tpu.sem_alloc : memref<!tpu.dma_semaphore, #tpu.memory_space<semaphore_mem>>
        %dma_start3A_17 = arith.constant 0 : i32
        %dma_start3A_18 = tpu.memref_slice %arg4[%add3A_12, %dma_start3A_17] : memref<10240x64xf32, #tpu.memory_space<hbm>> -> memref<80x64xf32, #tpu.memory_space<hbm>>
        %dma_start3A_19 = arith.constant 0 : i32
        %dma_start3A_20 = tpu.memref_slice %arg4[%add3A_12, %dma_start3A_19] : memref<10240x64xf32, #tpu.memory_space<hbm>> -> memref<80x64xf32, #tpu.memory_space<hbm>>
        tpu.enqueue_dma source(%arg6 : memref<80x64xf32, #tpu.memory_space<vmem>>) target(%dma_start3A_20 : memref<80x64xf32, #tpu.memory_space<hbm>>) target_semaphore(%run_scoped3A : memref<!tpu.dma_semaphore, #tpu.memory_space<semaphore_mem>>)
        %dma_wait3A_21 = arith.constant 0 : i32
        %dma_wait3A_22 = tpu.memref_slice %arg4[%add3A_12, %dma_wait3A_21] : memref<10240x64xf32, #tpu.memory_space<hbm>> -> memref<80x64xf32, #tpu.memory_space<hbm>>
        %dma_wait3A_23 = arith.constant 0 : i32
        %dma_wait3A_24 = tpu.memref_slice %arg4[%add3A_12, %dma_wait3A_23] : memref<10240x64xf32, #tpu.memory_space<hbm>> -> memref<80x64xf32, #tpu.memory_space<hbm>>
        tpu.wait_dma2 semaphore(%run_scoped3A : memref<!tpu.dma_semaphore, #tpu.memory_space<semaphore_mem>>) src(%arg6 : memref<80x64xf32, #tpu.memory_space<vmem>>) dst(%dma_wait3A_24 : memref<80x64xf32, #tpu.memory_space<hbm>>)
        tpu.yield
      }) : () -> ()
    }
    %scan3A_6 = arith.constant 4 : i32
    return
  }
}

#map = affine_map<(d0, d1) -> (0, 0)>
#map1 = affine_map<(d0, d1) -> (0)>
module attributes {stable_mosaic.version = 14 : i64} {
  func.func @k(%arg0: i32, %arg1: i32, %arg2: memref<10240x64xf32, #tpu.memory_space<hbm>>, %arg3: memref<320000xi32, #tpu.memory_space<hbm>>, %arg4: memref<320000xi32, #tpu.memory_space<hbm>>, %arg5: memref<320000x64xf32, #tpu.memory_space<hbm>>, %arg6: memref<320000x64xf32, #tpu.memory_space<hbm>>, %arg7: memref<80xi32, #tpu.memory_space<vmem>>, %arg8: memref<80xi32, #tpu.memory_space<vmem>>, %arg9: memref<80x64xf32, #tpu.memory_space<vmem>>, %arg10: memref<80x64xf32, #tpu.memory_space<vmem>>, %arg11: memref<!tpu.dma_semaphore, #tpu.memory_space<semaphore_mem>>, %arg12: memref<!tpu.dma_semaphore, #tpu.memory_space<semaphore_mem>>) attributes {dimension_semantics = [#tpu.dimension_semantics<core_parallel>, #tpu.dimension_semantics<subcore_parallel>], iteration_bounds = array<i64: 2, 16>, scalar_prefetch = 0 : i64, scratch_operands = 6 : i64, tpu.core_type = #tpu.core_type<sc_vector_subcore>, window_params = [{transform_indices = #map}, {transform_indices = #map1}, {transform_indices = #map1}, {transform_indices = #map}, {transform_indices = #map}]} {
    %mul3A = arith.constant 2 : i32
    %mul3A_0 = arith.muli %arg1, %mul3A : i32
    %add3A = arith.addi %mul3A_0, %arg0 : i32
    %mul3A_1 = arith.constant 10000 : i32
    %mul3A_2 = arith.muli %add3A, %mul3A_1 : i32
    %scan3A = arith.constant 0 : i32
    %scan3A_3 = arith.constant 125 : i32
    %scan3A_4 = arith.addi %scan3A, %scan3A_3 : i32
    %scan3A_5 = arith.constant 1 : i32
    scf.for %scan3A_7 = %scan3A to %scan3A_4 step %scan3A_5  : i32 {
      %mul3A_8 = arith.constant 80 : i32
      %mul3A_9 = arith.muli %scan3A_7, %mul3A_8 : i32
      %add3A_10 = arith.constant 0 : i32
      %add3A_11 = arith.addi %add3A_10, %mul3A_9 : i32
      %add3A_12 = arith.addi %mul3A_2, %add3A_11 : i32
      "tpu.region"() ({
        %run_scoped3A = tpu.sem_alloc : memref<!tpu.dma_semaphore, #tpu.memory_space<semaphore_mem>>
        %dma_start3A_23 = tpu.memref_slice %arg4[%add3A_12] : memref<320000xi32, #tpu.memory_space<hbm>> -> memref<80xi32, #tpu.memory_space<hbm>>
        %dma_start3A_24 = tpu.memref_slice %arg4[%add3A_12] : memref<320000xi32, #tpu.memory_space<hbm>> -> memref<80xi32, #tpu.memory_space<hbm>>
        tpu.enqueue_dma source(%dma_start3A_24 : memref<80xi32, #tpu.memory_space<hbm>>) target(%arg8 : memref<80xi32, #tpu.memory_space<vmem>>) target_semaphore(%run_scoped3A : memref<!tpu.dma_semaphore, #tpu.memory_space<semaphore_mem>>)
        %dma_wait3A_25 = tpu.memref_slice %arg4[%add3A_12] : memref<320000xi32, #tpu.memory_space<hbm>> -> memref<80xi32, #tpu.memory_space<hbm>>
        %dma_wait3A_26 = tpu.memref_slice %arg4[%add3A_12] : memref<320000xi32, #tpu.memory_space<hbm>> -> memref<80xi32, #tpu.memory_space<hbm>>
        tpu.wait_dma2 semaphore(%run_scoped3A : memref<!tpu.dma_semaphore, #tpu.memory_space<semaphore_mem>>) src(%dma_wait3A_26 : memref<80xi32, #tpu.memory_space<hbm>>) dst(%arg8 : memref<80xi32, #tpu.memory_space<vmem>>)
        tpu.yield
      }) : () -> ()
      "tpu.region"() ({
        %run_scoped3A = tpu.sem_alloc : memref<!tpu.dma_semaphore, #tpu.memory_space<semaphore_mem>>
        %dma_start3A_23 = tpu.memref_slice %arg3[%add3A_12] : memref<320000xi32, #tpu.memory_space<hbm>> -> memref<80xi32, #tpu.memory_space<hbm>>
        %dma_start3A_24 = tpu.memref_slice %arg3[%add3A_12] : memref<320000xi32, #tpu.memory_space<hbm>> -> memref<80xi32, #tpu.memory_space<hbm>>
        tpu.enqueue_dma source(%dma_start3A_24 : memref<80xi32, #tpu.memory_space<hbm>>) target(%arg7 : memref<80xi32, #tpu.memory_space<vmem>>) target_semaphore(%run_scoped3A : memref<!tpu.dma_semaphore, #tpu.memory_space<semaphore_mem>>)
        %dma_wait3A_25 = tpu.memref_slice %arg3[%add3A_12] : memref<320000xi32, #tpu.memory_space<hbm>> -> memref<80xi32, #tpu.memory_space<hbm>>
        %dma_wait3A_26 = tpu.memref_slice %arg3[%add3A_12] : memref<320000xi32, #tpu.memory_space<hbm>> -> memref<80xi32, #tpu.memory_space<hbm>>
        tpu.wait_dma2 semaphore(%run_scoped3A : memref<!tpu.dma_semaphore, #tpu.memory_space<semaphore_mem>>) src(%dma_wait3A_26 : memref<80xi32, #tpu.memory_space<hbm>>) dst(%arg7 : memref<80xi32, #tpu.memory_space<vmem>>)
        tpu.yield
      }) : () -> ()
      %dma_start3A = arith.constant 0 : i32
      %dma_start3A_13 = arith.constant 0 : i32
      %dma_start3A_14 = tpu.memref_slice %arg2[%dma_start3A, %dma_start3A_13] : memref<10240x64xf32, #tpu.memory_space<hbm>> -> memref<10240x64xf32, #tpu.memory_space<hbm>>
      tpu.enqueue_indirect_dma source(%dma_start3A_14 : memref<10240x64xf32, #tpu.memory_space<hbm>>) target(%arg9 : memref<80x64xf32, #tpu.memory_space<vmem>>) offsets(%arg8 : memref<80xi32, #tpu.memory_space<vmem>>) semaphore(%arg11 : memref<!tpu.dma_semaphore, #tpu.memory_space<semaphore_mem>>)
      %dma_start3A_15 = arith.constant 0 : i32
      %dma_start3A_16 = arith.constant 0 : i32
      %dma_start3A_17 = tpu.memref_slice %arg2[%dma_start3A_15, %dma_start3A_16] : memref<10240x64xf32, #tpu.memory_space<hbm>> -> memref<10240x64xf32, #tpu.memory_space<hbm>>
      tpu.enqueue_indirect_dma source(%dma_start3A_17 : memref<10240x64xf32, #tpu.memory_space<hbm>>) target(%arg10 : memref<80x64xf32, #tpu.memory_space<vmem>>) offsets(%arg7 : memref<80xi32, #tpu.memory_space<vmem>>) semaphore(%arg12 : memref<!tpu.dma_semaphore, #tpu.memory_space<semaphore_mem>>)
      %dma_wait3A = arith.constant 0 : i32
      %dma_wait3A_18 = arith.constant 0 : i32
      %dma_wait3A_19 = tpu.memref_slice %arg2[%dma_wait3A, %dma_wait3A_18] : memref<10240x64xf32, #tpu.memory_space<hbm>> -> memref<10240x64xf32, #tpu.memory_space<hbm>>
      tpu.wait_indirect_dma semaphore(%arg11 : memref<!tpu.dma_semaphore, #tpu.memory_space<semaphore_mem>>) src(%dma_wait3A_19 : memref<10240x64xf32, #tpu.memory_space<hbm>>) dst(%arg9 : memref<80x64xf32, #tpu.memory_space<vmem>>)
      %dma_wait3A_20 = arith.constant 0 : i32
      %dma_wait3A_21 = arith.constant 0 : i32
      %dma_wait3A_22 = tpu.memref_slice %arg2[%dma_wait3A_20, %dma_wait3A_21] : memref<10240x64xf32, #tpu.memory_space<hbm>> -> memref<10240x64xf32, #tpu.memory_space<hbm>>
      tpu.wait_indirect_dma semaphore(%arg12 : memref<!tpu.dma_semaphore, #tpu.memory_space<semaphore_mem>>) src(%dma_wait3A_22 : memref<10240x64xf32, #tpu.memory_space<hbm>>) dst(%arg10 : memref<80x64xf32, #tpu.memory_space<vmem>>)
      "tpu.region"() ({
        %run_scoped3A = tpu.sem_alloc : memref<!tpu.dma_semaphore, #tpu.memory_space<semaphore_mem>>
        %dma_start3A_23 = arith.constant 0 : i32
        %dma_start3A_24 = tpu.memref_slice %arg5[%add3A_12, %dma_start3A_23] : memref<320000x64xf32, #tpu.memory_space<hbm>> -> memref<80x64xf32, #tpu.memory_space<hbm>>
        %dma_start3A_25 = arith.constant 0 : i32
        %dma_start3A_26 = tpu.memref_slice %arg5[%add3A_12, %dma_start3A_25] : memref<320000x64xf32, #tpu.memory_space<hbm>> -> memref<80x64xf32, #tpu.memory_space<hbm>>
        tpu.enqueue_dma source(%arg9 : memref<80x64xf32, #tpu.memory_space<vmem>>) target(%dma_start3A_26 : memref<80x64xf32, #tpu.memory_space<hbm>>) target_semaphore(%run_scoped3A : memref<!tpu.dma_semaphore, #tpu.memory_space<semaphore_mem>>)
        %dma_wait3A_27 = arith.constant 0 : i32
        %dma_wait3A_28 = tpu.memref_slice %arg5[%add3A_12, %dma_wait3A_27] : memref<320000x64xf32, #tpu.memory_space<hbm>> -> memref<80x64xf32, #tpu.memory_space<hbm>>
        %dma_wait3A_29 = arith.constant 0 : i32
        %dma_wait3A_30 = tpu.memref_slice %arg5[%add3A_12, %dma_wait3A_29] : memref<320000x64xf32, #tpu.memory_space<hbm>> -> memref<80x64xf32, #tpu.memory_space<hbm>>
        tpu.wait_dma2 semaphore(%run_scoped3A : memref<!tpu.dma_semaphore, #tpu.memory_space<semaphore_mem>>) src(%arg9 : memref<80x64xf32, #tpu.memory_space<vmem>>) dst(%dma_wait3A_30 : memref<80x64xf32, #tpu.memory_space<hbm>>)
        tpu.yield
      }) : () -> ()
      "tpu.region"() ({
        %run_scoped3A = tpu.sem_alloc : memref<!tpu.dma_semaphore, #tpu.memory_space<semaphore_mem>>
        %dma_start3A_23 = arith.constant 0 : i32
        %dma_start3A_24 = tpu.memref_slice %arg6[%add3A_12, %dma_start3A_23] : memref<320000x64xf32, #tpu.memory_space<hbm>> -> memref<80x64xf32, #tpu.memory_space<hbm>>
        %dma_start3A_25 = arith.constant 0 : i32
        %dma_start3A_26 = tpu.memref_slice %arg6[%add3A_12, %dma_start3A_25] : memref<320000x64xf32, #tpu.memory_space<hbm>> -> memref<80x64xf32, #tpu.memory_space<hbm>>
        tpu.enqueue_dma source(%arg10 : memref<80x64xf32, #tpu.memory_space<vmem>>) target(%dma_start3A_26 : memref<80x64xf32, #tpu.memory_space<hbm>>) target_semaphore(%run_scoped3A : memref<!tpu.dma_semaphore, #tpu.memory_space<semaphore_mem>>)
        %dma_wait3A_27 = arith.constant 0 : i32
        %dma_wait3A_28 = tpu.memref_slice %arg6[%add3A_12, %dma_wait3A_27] : memref<320000x64xf32, #tpu.memory_space<hbm>> -> memref<80x64xf32, #tpu.memory_space<hbm>>
        %dma_wait3A_29 = arith.constant 0 : i32
        %dma_wait3A_30 = tpu.memref_slice %arg6[%add3A_12, %dma_wait3A_29] : memref<320000x64xf32, #tpu.memory_space<hbm>> -> memref<80x64xf32, #tpu.memory_space<hbm>>
        tpu.wait_dma2 semaphore(%run_scoped3A : memref<!tpu.dma_semaphore, #tpu.memory_space<semaphore_mem>>) src(%arg10 : memref<80x64xf32, #tpu.memory_space<vmem>>) dst(%dma_wait3A_30 : memref<80x64xf32, #tpu.memory_space<hbm>>)
        tpu.yield
      }) : () -> ()
    }
    %scan3A_6 = arith.constant 125 : i32
    return
  }
}

#map = affine_map<(d0, d1) -> (0, 0)>
#map1 = affine_map<(d0, d1) -> (0)>
#map2 = affine_map<(d0, d1) -> (0, 0, 0)>
module attributes {stable_mosaic.version = 14 : i64} {
  func.func @k(%arg0: i32, %arg1: i32, %arg2: memref<320000x64xf32, #tpu.memory_space<hbm>>, %arg3: memref<320000xi32, #tpu.memory_space<hbm>>, %arg4: memref<2x10240x64xf32, #tpu.memory_space<hbm>>, %arg5: memref<80xi32, #tpu.memory_space<vmem>>, %arg6: memref<80x64xf32, #tpu.memory_space<vmem>>, %arg7: memref<640x64xf32, #tpu.memory_space<vmem>>, %arg8: memref<10240x64xf32, #tpu.memory_space<vmem_shared>>) attributes {dimension_semantics = [#tpu.dimension_semantics<core_parallel>, #tpu.dimension_semantics<subcore_parallel>], iteration_bounds = array<i64: 2, 16>, scalar_prefetch = 0 : i64, scratch_operands = 4 : i64, tpu.core_type = #tpu.core_type<sc_vector_subcore>, window_params = [{transform_indices = #map}, {transform_indices = #map1}, {transform_indices = #map2}]} {
    %broadcast_in_dim3A = arith.constant 0.000000e+00 : f32
    %broadcast_in_dim3A_0 = vector.broadcast %broadcast_in_dim3A : f32 to vector<16xf32>
    %scan3A = arith.constant 0 : i32
    %scan3A_1 = arith.constant 640 : i32
    %scan3A_2 = arith.addi %scan3A, %scan3A_1 : i32
    %scan3A_3 = arith.constant 1 : i32
    scf.for %scan3A_20 = %scan3A to %scan3A_2 step %scan3A_3  : i32 {
      %mul3A_21 = arith.constant 1 : i32
      %mul3A_22 = arith.muli %scan3A_20, %mul3A_21 : i32
      %add3A_23 = arith.constant 0 : i32
      %add3A_24 = arith.addi %add3A_23, %mul3A_22 : i32
      %swap3A = arith.index_cast %add3A_24 : i32 to index
      %swap3A_25 = arith.constant 0 : index
      %swap3A_26 = tpu.vector_load %arg7[%swap3A, %swap3A_25] {strides = array<i32>} : memref<640x64xf32, #tpu.memory_space<vmem>>, vector<1x16xf32>,
      %swap3A_27 = vector.shape_cast %swap3A_26 : vector<1x16xf32> to vector<16xf32>
      %swap3A_28 = vector.shape_cast %broadcast_in_dim3A_0 : vector<16xf32> to vector<1x16xf32>
      tpu.vector_store %arg7[%swap3A, %swap3A_25], %swap3A_28 {strides = array<i32>} : memref<640x64xf32, #tpu.memory_space<vmem>>, vector<1x16xf32>,
      %swap3A_29 = arith.index_cast %add3A_24 : i32 to index
      %swap3A_30 = arith.constant 16 : index
      %swap3A_31 = tpu.vector_load %arg7[%swap3A_29, %swap3A_30] {strides = array<i32>} : memref<640x64xf32, #tpu.memory_space<vmem>>, vector<1x16xf32>,
      %swap3A_32 = vector.shape_cast %swap3A_31 : vector<1x16xf32> to vector<16xf32>
      %swap3A_33 = vector.shape_cast %broadcast_in_dim3A_0 : vector<16xf32> to vector<1x16xf32>
      tpu.vector_store %arg7[%swap3A_29, %swap3A_30], %swap3A_33 {strides = array<i32>} : memref<640x64xf32, #tpu.memory_space<vmem>>, vector<1x16xf32>,
      %swap3A_34 = arith.index_cast %add3A_24 : i32 to index
      %swap3A_35 = arith.constant 32 : index
      %swap3A_36 = tpu.vector_load %arg7[%swap3A_34, %swap3A_35] {strides = array<i32>} : memref<640x64xf32, #tpu.memory_space<vmem>>, vector<1x16xf32>,
      %swap3A_37 = vector.shape_cast %swap3A_36 : vector<1x16xf32> to vector<16xf32>
      %swap3A_38 = vector.shape_cast %broadcast_in_dim3A_0 : vector<16xf32> to vector<1x16xf32>
      tpu.vector_store %arg7[%swap3A_34, %swap3A_35], %swap3A_38 {strides = array<i32>} : memref<640x64xf32, #tpu.memory_space<vmem>>, vector<1x16xf32>,
      %swap3A_39 = arith.index_cast %add3A_24 : i32 to index
      %swap3A_40 = arith.constant 48 : index
      %swap3A_41 = tpu.vector_load %arg7[%swap3A_39, %swap3A_40] {strides = array<i32>} : memref<640x64xf32, #tpu.memory_space<vmem>>, vector<1x16xf32>,
      %swap3A_42 = vector.shape_cast %swap3A_41 : vector<1x16xf32> to vector<16xf32>
      %swap3A_43 = vector.shape_cast %broadcast_in_dim3A_0 : vector<16xf32> to vector<1x16xf32>
      tpu.vector_store %arg7[%swap3A_39, %swap3A_40], %swap3A_43 {strides = array<i32>} : memref<640x64xf32, #tpu.memory_space<vmem>>, vector<1x16xf32>,
    }
    %scan3A_4 = arith.constant 640 : i32
    %mul3A = arith.constant 640 : i32
    %mul3A_5 = arith.muli %arg1, %mul3A : i32
    "tpu.region"() ({
      %run_scoped3A = tpu.sem_alloc : memref<!tpu.dma_semaphore, #tpu.memory_space<semaphore_mem>>
      %dma_start3A = arith.constant 0 : i32
      %dma_start3A_20 = tpu.memref_slice %arg8[%mul3A_5, %dma_start3A] : memref<10240x64xf32, #tpu.memory_space<vmem_shared>> -> memref<640x64xf32, #tpu.memory_space<vmem_shared>>
      %dma_start3A_21 = arith.constant 0 : i32
      %dma_start3A_22 = tpu.memref_slice %arg8[%mul3A_5, %dma_start3A_21] : memref<10240x64xf32, #tpu.memory_space<vmem_shared>> -> memref<640x64xf32, #tpu.memory_space<vmem_shared>>
      tpu.enqueue_dma source(%arg7 : memref<640x64xf32, #tpu.memory_space<vmem>>) target(%dma_start3A_22 : memref<640x64xf32, #tpu.memory_space<vmem_shared>>) target_semaphore(%run_scoped3A : memref<!tpu.dma_semaphore, #tpu.memory_space<semaphore_mem>>)
      %dma_wait3A = arith.constant 0 : i32
      %dma_wait3A_23 = tpu.memref_slice %arg8[%mul3A_5, %dma_wait3A] : memref<10240x64xf32, #tpu.memory_space<vmem_shared>> -> memref<640x64xf32, #tpu.memory_space<vmem_shared>>
      %dma_wait3A_24 = arith.constant 0 : i32
      %dma_wait3A_25 = tpu.memref_slice %arg8[%mul3A_5, %dma_wait3A_24] : memref<10240x64xf32, #tpu.memory_space<vmem_shared>> -> memref<640x64xf32, #tpu.memory_space<vmem_shared>>
      tpu.wait_dma2 semaphore(%run_scoped3A : memref<!tpu.dma_semaphore, #tpu.memory_space<semaphore_mem>>) src(%arg7 : memref<640x64xf32, #tpu.memory_space<vmem>>) dst(%dma_wait3A_25 : memref<640x64xf32, #tpu.memory_space<vmem_shared>>)
      tpu.yield
    }) : () -> ()
    %barrier3A = arith.constant 0 : index
    tpu.barrier barrier_id(%barrier3A)
    %mul3A_6 = arith.constant 160000 : i32
    %mul3A_7 = arith.muli %arg0, %mul3A_6 : i32
    %mul3A_8 = arith.constant 10000 : i32
    %mul3A_9 = arith.muli %arg1, %mul3A_8 : i32
    %add3A = arith.addi %mul3A_7, %mul3A_9 : i32
    %scan3A_10 = arith.constant 0 : i32
    %scan3A_11 = arith.constant 125 : i32
    %scan3A_12 = arith.addi %scan3A_10, %scan3A_11 : i32
    %scan3A_13 = arith.constant 1 : i32
    scf.for %scan3A_20 = %scan3A_10 to %scan3A_12 step %scan3A_13  : i32 {
      %mul3A_21 = arith.constant 80 : i32
      %mul3A_22 = arith.muli %scan3A_20, %mul3A_21 : i32
      %add3A_23 = arith.constant 0 : i32
      %add3A_24 = arith.addi %add3A_23, %mul3A_22 : i32
      %add3A_25 = arith.addi %add3A, %add3A_24 : i32
      "tpu.region"() ({
        %run_scoped3A = tpu.sem_alloc : memref<!tpu.dma_semaphore, #tpu.memory_space<semaphore_mem>>
        %dma_start3A = tpu.memref_slice %arg3[%add3A_25] : memref<320000xi32, #tpu.memory_space<hbm>> -> memref<80xi32, #tpu.memory_space<hbm>>
        %dma_start3A_26 = tpu.memref_slice %arg3[%add3A_25] : memref<320000xi32, #tpu.memory_space<hbm>> -> memref<80xi32, #tpu.memory_space<hbm>>
        tpu.enqueue_dma source(%dma_start3A_26 : memref<80xi32, #tpu.memory_space<hbm>>) target(%arg5 : memref<80xi32, #tpu.memory_space<vmem>>) target_semaphore(%run_scoped3A : memref<!tpu.dma_semaphore, #tpu.memory_space<semaphore_mem>>)
        %dma_wait3A = tpu.memref_slice %arg3[%add3A_25] : memref<320000xi32, #tpu.memory_space<hbm>> -> memref<80xi32, #tpu.memory_space<hbm>>
        %dma_wait3A_27 = tpu.memref_slice %arg3[%add3A_25] : memref<320000xi32, #tpu.memory_space<hbm>> -> memref<80xi32, #tpu.memory_space<hbm>>
        tpu.wait_dma2 semaphore(%run_scoped3A : memref<!tpu.dma_semaphore, #tpu.memory_space<semaphore_mem>>) src(%dma_wait3A_27 : memref<80xi32, #tpu.memory_space<hbm>>) dst(%arg5 : memref<80xi32, #tpu.memory_space<vmem>>)
        tpu.yield
      }) : () -> ()
      "tpu.region"() ({
        %run_scoped3A = tpu.sem_alloc : memref<!tpu.dma_semaphore, #tpu.memory_space<semaphore_mem>>
        %dma_start3A = arith.constant 0 : i32
        %dma_start3A_26 = tpu.memref_slice %arg2[%add3A_25, %dma_start3A] : memref<320000x64xf32, #tpu.memory_space<hbm>> -> memref<80x64xf32, #tpu.memory_space<hbm>>
        %dma_start3A_27 = arith.constant 0 : i32
        %dma_start3A_28 = tpu.memref_slice %arg2[%add3A_25, %dma_start3A_27] : memref<320000x64xf32, #tpu.memory_space<hbm>> -> memref<80x64xf32, #tpu.memory_space<hbm>>
        tpu.enqueue_dma source(%dma_start3A_28 : memref<80x64xf32, #tpu.memory_space<hbm>>) target(%arg6 : memref<80x64xf32, #tpu.memory_space<vmem>>) target_semaphore(%run_scoped3A : memref<!tpu.dma_semaphore, #tpu.memory_space<semaphore_mem>>)
        %dma_wait3A = arith.constant 0 : i32
        %dma_wait3A_29 = tpu.memref_slice %arg2[%add3A_25, %dma_wait3A] : memref<320000x64xf32, #tpu.memory_space<hbm>> -> memref<80x64xf32, #tpu.memory_space<hbm>>
        %dma_wait3A_30 = arith.constant 0 : i32
        %dma_wait3A_31 = tpu.memref_slice %arg2[%add3A_25, %dma_wait3A_30] : memref<320000x64xf32, #tpu.memory_space<hbm>> -> memref<80x64xf32, #tpu.memory_space<hbm>>
        tpu.wait_dma2 semaphore(%run_scoped3A : memref<!tpu.dma_semaphore, #tpu.memory_space<semaphore_mem>>) src(%dma_wait3A_31 : memref<80x64xf32, #tpu.memory_space<hbm>>) dst(%arg6 : memref<80x64xf32, #tpu.memory_space<vmem>>)
        tpu.yield
      }) : () -> ()
      "tpu.region"() ({
        %run_scoped3A = tpu.sem_alloc : memref<!tpu.dma_semaphore, #tpu.memory_space<semaphore_mem>>
        %dma_start3A = arith.constant 0 : i32
        %dma_start3A_26 = arith.constant 0 : i32
        %dma_start3A_27 = tpu.memref_slice %arg8[%dma_start3A, %dma_start3A_26] : memref<10240x64xf32, #tpu.memory_space<vmem_shared>> -> memref<10240x64xf32, #tpu.memory_space<vmem_shared>>
        tpu.enqueue_indirect_dma source(%arg6 : memref<80x64xf32, #tpu.memory_space<vmem>>) target(%dma_start3A_27 : memref<10240x64xf32, #tpu.memory_space<vmem_shared>>) offsets(%arg5 : memref<80xi32, #tpu.memory_space<vmem>>) semaphore(%run_scoped3A : memref<!tpu.dma_semaphore, #tpu.memory_space<semaphore_mem>>) {add = true}
        %dma_wait3A = arith.constant 0 : i32
        %dma_wait3A_28 = arith.constant 0 : i32
        %dma_wait3A_29 = tpu.memref_slice %arg8[%dma_wait3A, %dma_wait3A_28] : memref<10240x64xf32, #tpu.memory_space<vmem_shared>> -> memref<10240x64xf32, #tpu.memory_space<vmem_shared>>
        tpu.wait_indirect_dma semaphore(%run_scoped3A : memref<!tpu.dma_semaphore, #tpu.memory_space<semaphore_mem>>) src(%arg6 : memref<80x64xf32, #tpu.memory_space<vmem>>) dst(%dma_wait3A_29 : memref<10240x64xf32, #tpu.memory_space<vmem_shared>>)
        tpu.yield
      }) : () -> ()
    }
    %scan3A_14 = arith.constant 125 : i32
    %barrier3A_15 = arith.constant 0 : index
    tpu.barrier barrier_id(%barrier3A_15)
    %mul3A_16 = arith.constant 640 : i32
    %mul3A_17 = arith.muli %arg1, %mul3A_16 : i32
    %mul3A_18 = arith.constant 640 : i32
    %mul3A_19 = arith.muli %arg1, %mul3A_18 : i32
    "tpu.region"() ({
      %run_scoped3A = tpu.sem_alloc : memref<!tpu.dma_semaphore, #tpu.memory_space<semaphore_mem>>
      %dma_start3A = arith.constant 0 : i32
      %dma_start3A_20 = tpu.memref_slice %arg4[%arg0, %mul3A_19, %dma_start3A] : memref<2x10240x64xf32, #tpu.memory_space<hbm>> -> memref<1x640x64xf32, #tpu.memory_space<hbm>>
      %dma_start3A_21 = tpu.memref_squeeze %dma_start3A_20 : memref<1x640x64xf32, #tpu.memory_space<hbm>> -> memref<640x64xf32, #tpu.memory_space<hbm>>
      %dma_start3A_22 = arith.constant 0 : i32
      %dma_start3A_23 = tpu.memref_slice %arg8[%mul3A_17, %dma_start3A_22] : memref<10240x64xf32, #tpu.memory_space<vmem_shared>> -> memref<640x64xf32, #tpu.memory_space<vmem_shared>>
      tpu.enqueue_dma source(%dma_start3A_23 : memref<640x64xf32, #tpu.memory_space<vmem_shared>>) target(%dma_start3A_21 : memref<640x64xf32, #tpu.memory_space<hbm>>) target_semaphore(%run_scoped3A : memref<!tpu.dma_semaphore, #tpu.memory_space<semaphore_mem>>)
      %dma_wait3A = arith.constant 0 : i32
      %dma_wait3A_24 = tpu.memref_slice %arg4[%arg0, %mul3A_19, %dma_wait3A] : memref<2x10240x64xf32, #tpu.memory_space<hbm>> -> memref<1x640x64xf32, #tpu.memory_space<hbm>>
      %dma_wait3A_25 = tpu.memref_squeeze %dma_wait3A_24 : memref<1x640x64xf32, #tpu.memory_space<hbm>> -> memref<640x64xf32, #tpu.memory_space<hbm>>
      %dma_wait3A_26 = arith.constant 0 : i32
      %dma_wait3A_27 = tpu.memref_slice %arg8[%mul3A_17, %dma_wait3A_26] : memref<10240x64xf32, #tpu.memory_space<vmem_shared>> -> memref<640x64xf32, #tpu.memory_space<vmem_shared>>
      tpu.wait_dma2 semaphore(%run_scoped3A : memref<!tpu.dma_semaphore, #tpu.memory_space<semaphore_mem>>) src(%dma_wait3A_27 : memref<640x64xf32, #tpu.memory_space<vmem_shared>>) dst(%dma_wait3A_25 : memref<640x64xf32, #tpu.memory_space<hbm>>)
      tpu.yield
    }) : () -> ()
    return
  }
}

#map = affine_map<(d0, d1) -> (0, 0)>
#map1 = affine_map<(d0, d1) -> (0)>
#map2 = affine_map<(d0, d1) -> (0, 0, 0)>
module attributes {stable_mosaic.version = 14 : i64} {
  func.func @k(%arg0: i32, %arg1: i32, %arg2: memref<10240x64xf32, #tpu.memory_space<hbm>>, %arg3: memref<10240xi32, #tpu.memory_space<hbm>>, %arg4: memref<32x512x64xf32, #tpu.memory_space<hbm>>, %arg5: memref<32x512x64xf32, #tpu.memory_space<hbm>>, %arg6: memref<320x64xf32, #tpu.memory_space<vmem>>, %arg7: memref<336xi32, #tpu.memory_space<vmem>>, %arg8: memref<520x64xf32, #tpu.memory_space<vmem>>, %arg9: memref<520x64xf32, #tpu.memory_space<vmem>>) attributes {dimension_semantics = [#tpu.dimension_semantics<core_parallel>, #tpu.dimension_semantics<subcore_parallel>], iteration_bounds = array<i64: 2, 16>, scalar_prefetch = 0 : i64, scratch_operands = 4 : i64, tpu.core_type = #tpu.core_type<sc_vector_subcore>, window_params = [{transform_indices = #map}, {transform_indices = #map1}, {transform_indices = #map2}, {transform_indices = #map2}]} {
    %mul3A = arith.constant 2 : i32
    %mul3A_0 = arith.muli %arg1, %mul3A : i32
    %add3A = arith.addi %mul3A_0, %arg0 : i32
    %mul3A_1 = arith.constant 320 : i32
    %mul3A_2 = arith.muli %add3A, %mul3A_1 : i32
    "tpu.region"() ({
      %run_scoped3A = tpu.sem_alloc : memref<!tpu.dma_semaphore, #tpu.memory_space<semaphore_mem>>
      %dma_start3A = arith.constant 0 : i32
      %dma_start3A_17 = tpu.memref_slice %arg2[%mul3A_2, %dma_start3A] : memref<10240x64xf32, #tpu.memory_space<hbm>> -> memref<320x64xf32, #tpu.memory_space<hbm>>
      %dma_start3A_18 = arith.constant 0 : i32
      %dma_start3A_19 = tpu.memref_slice %arg2[%mul3A_2, %dma_start3A_18] : memref<10240x64xf32, #tpu.memory_space<hbm>> -> memref<320x64xf32, #tpu.memory_space<hbm>>
      tpu.enqueue_dma source(%dma_start3A_19 : memref<320x64xf32, #tpu.memory_space<hbm>>) target(%arg6 : memref<320x64xf32, #tpu.memory_space<vmem>>) target_semaphore(%run_scoped3A : memref<!tpu.dma_semaphore, #tpu.memory_space<semaphore_mem>>)
      %dma_wait3A = arith.constant 0 : i32
      %dma_wait3A_20 = tpu.memref_slice %arg2[%mul3A_2, %dma_wait3A] : memref<10240x64xf32, #tpu.memory_space<hbm>> -> memref<320x64xf32, #tpu.memory_space<hbm>>
      %dma_wait3A_21 = arith.constant 0 : i32
      %dma_wait3A_22 = tpu.memref_slice %arg2[%mul3A_2, %dma_wait3A_21] : memref<10240x64xf32, #tpu.memory_space<hbm>> -> memref<320x64xf32, #tpu.memory_space<hbm>>
      tpu.wait_dma2 semaphore(%run_scoped3A : memref<!tpu.dma_semaphore, #tpu.memory_space<semaphore_mem>>) src(%dma_wait3A_22 : memref<320x64xf32, #tpu.memory_space<hbm>>) dst(%arg6 : memref<320x64xf32, #tpu.memory_space<vmem>>)
      tpu.yield
    }) : () -> ()
    "tpu.region"() ({
      %run_scoped3A = tpu.sem_alloc : memref<!tpu.dma_semaphore, #tpu.memory_space<semaphore_mem>>
      %dma_start3A = arith.constant 0 : i32
      %dma_start3A_17 = tpu.memref_slice %arg7[%dma_start3A] : memref<336xi32, #tpu.memory_space<vmem>> -> memref<320xi32, #tpu.memory_space<vmem>>
      %dma_start3A_18 = tpu.memref_slice %arg3[%mul3A_2] : memref<10240xi32, #tpu.memory_space<hbm>> -> memref<320xi32, #tpu.memory_space<hbm>>
      %dma_start3A_19 = arith.constant 0 : i32
      %dma_start3A_20 = tpu.memref_slice %arg7[%dma_start3A_19] : memref<336xi32, #tpu.memory_space<vmem>> -> memref<320xi32, #tpu.memory_space<vmem>>
      %dma_start3A_21 = tpu.memref_slice %arg3[%mul3A_2] : memref<10240xi32, #tpu.memory_space<hbm>> -> memref<320xi32, #tpu.memory_space<hbm>>
      tpu.enqueue_dma source(%dma_start3A_21 : memref<320xi32, #tpu.memory_space<hbm>>) target(%dma_start3A_20 : memref<320xi32, #tpu.memory_space<vmem>>) target_semaphore(%run_scoped3A : memref<!tpu.dma_semaphore, #tpu.memory_space<semaphore_mem>>)
      %dma_wait3A = arith.constant 0 : i32
      %dma_wait3A_22 = tpu.memref_slice %arg7[%dma_wait3A] : memref<336xi32, #tpu.memory_space<vmem>> -> memref<320xi32, #tpu.memory_space<vmem>>
      %dma_wait3A_23 = tpu.memref_slice %arg3[%mul3A_2] : memref<10240xi32, #tpu.memory_space<hbm>> -> memref<320xi32, #tpu.memory_space<hbm>>
      %dma_wait3A_24 = arith.constant 0 : i32
      %dma_wait3A_25 = tpu.memref_slice %arg7[%dma_wait3A_24] : memref<336xi32, #tpu.memory_space<vmem>> -> memref<320xi32, #tpu.memory_space<vmem>>
      %dma_wait3A_26 = tpu.memref_slice %arg3[%mul3A_2] : memref<10240xi32, #tpu.memory_space<hbm>> -> memref<320xi32, #tpu.memory_space<hbm>>
      tpu.wait_dma2 semaphore(%run_scoped3A : memref<!tpu.dma_semaphore, #tpu.memory_space<semaphore_mem>>) src(%dma_wait3A_26 : memref<320xi32, #tpu.memory_space<hbm>>) dst(%dma_wait3A_25 : memref<320xi32, #tpu.memory_space<vmem>>)
      tpu.yield
    }) : () -> ()
    %broadcast_in_dim3A = arith.constant 0xFF800000 : f32
    %broadcast_in_dim3A_3 = vector.broadcast %broadcast_in_dim3A : f32 to vector<16xf32>
    %broadcast_in_dim3A_4 = arith.constant 0.000000e+00 : f32
    %broadcast_in_dim3A_5 = vector.broadcast %broadcast_in_dim3A_4 : f32 to vector<16xf32>
    %scan3A = arith.constant 0 : i32
    %scan3A_6 = arith.constant 520 : i32
    %scan3A_7 = arith.addi %scan3A, %scan3A_6 : i32
    %scan3A_8 = arith.constant 1 : i32
    scf.for %scan3A_17 = %scan3A to %scan3A_7 step %scan3A_8  : i32 {
      %mul3A_18 = arith.constant 1 : i32
      %mul3A_19 = arith.muli %scan3A_17, %mul3A_18 : i32
      %add3A_20 = arith.constant 0 : i32
      %add3A_21 = arith.addi %add3A_20, %mul3A_19 : i32
      %swap3A = arith.index_cast %add3A_21 : i32 to index
      %swap3A_22 = arith.constant 0 : index
      %swap3A_23 = tpu.vector_load %arg8[%swap3A, %swap3A_22] {strides = array<i32>} : memref<520x64xf32, #tpu.memory_space<vmem>>, vector<16xf32>,
      tpu.vector_store %arg8[%swap3A, %swap3A_22], %broadcast_in_dim3A_3 {strides = array<i32>} : memref<520x64xf32, #tpu.memory_space<vmem>>, vector<16xf32>,
      %swap3A_24 = arith.index_cast %add3A_21 : i32 to index
      %swap3A_25 = arith.constant 0 : index
      %swap3A_26 = tpu.vector_load %arg9[%swap3A_24, %swap3A_25] {strides = array<i32>} : memref<520x64xf32, #tpu.memory_space<vmem>>, vector<16xf32>,
      tpu.vector_store %arg9[%swap3A_24, %swap3A_25], %broadcast_in_dim3A_5 {strides = array<i32>} : memref<520x64xf32, #tpu.memory_space<vmem>>, vector<16xf32>,
      %swap3A_27 = arith.index_cast %add3A_21 : i32 to index
      %swap3A_28 = arith.constant 16 : index
      %swap3A_29 = tpu.vector_load %arg8[%swap3A_27, %swap3A_28] {strides = array<i32>} : memref<520x64xf32, #tpu.memory_space<vmem>>, vector<16xf32>,
      tpu.vector_store %arg8[%swap3A_27, %swap3A_28], %broadcast_in_dim3A_3 {strides = array<i32>} : memref<520x64xf32, #tpu.memory_space<vmem>>, vector<16xf32>,
      %swap3A_30 = arith.index_cast %add3A_21 : i32 to index
      %swap3A_31 = arith.constant 16 : index
      %swap3A_32 = tpu.vector_load %arg9[%swap3A_30, %swap3A_31] {strides = array<i32>} : memref<520x64xf32, #tpu.memory_space<vmem>>, vector<16xf32>,
      tpu.vector_store %arg9[%swap3A_30, %swap3A_31], %broadcast_in_dim3A_5 {strides = array<i32>} : memref<520x64xf32, #tpu.memory_space<vmem>>, vector<16xf32>,
      %swap3A_33 = arith.index_cast %add3A_21 : i32 to index
      %swap3A_34 = arith.constant 32 : index
      %swap3A_35 = tpu.vector_load %arg8[%swap3A_33, %swap3A_34] {strides = array<i32>} : memref<520x64xf32, #tpu.memory_space<vmem>>, vector<16xf32>,
      tpu.vector_store %arg8[%swap3A_33, %swap3A_34], %broadcast_in_dim3A_3 {strides = array<i32>} : memref<520x64xf32, #tpu.memory_space<vmem>>, vector<16xf32>,
      %swap3A_36 = arith.index_cast %add3A_21 : i32 to index
      %swap3A_37 = arith.constant 32 : index
      %swap3A_38 = tpu.vector_load %arg9[%swap3A_36, %swap3A_37] {strides = array<i32>} : memref<520x64xf32, #tpu.memory_space<vmem>>, vector<16xf32>,
      tpu.vector_store %arg9[%swap3A_36, %swap3A_37], %broadcast_in_dim3A_5 {strides = array<i32>} : memref<520x64xf32, #tpu.memory_space<vmem>>, vector<16xf32>,
      %swap3A_39 = arith.index_cast %add3A_21 : i32 to index
      %swap3A_40 = arith.constant 48 : index
      %swap3A_41 = tpu.vector_load %arg8[%swap3A_39, %swap3A_40] {strides = array<i32>} : memref<520x64xf32, #tpu.memory_space<vmem>>, vector<16xf32>,
      tpu.vector_store %arg8[%swap3A_39, %swap3A_40], %broadcast_in_dim3A_3 {strides = array<i32>} : memref<520x64xf32, #tpu.memory_space<vmem>>, vector<16xf32>,
      %swap3A_42 = arith.index_cast %add3A_21 : i32 to index
      %swap3A_43 = arith.constant 48 : index
      %swap3A_44 = tpu.vector_load %arg9[%swap3A_42, %swap3A_43] {strides = array<i32>} : memref<520x64xf32, #tpu.memory_space<vmem>>, vector<16xf32>,
      tpu.vector_store %arg9[%swap3A_42, %swap3A_43], %broadcast_in_dim3A_5 {strides = array<i32>} : memref<520x64xf32, #tpu.memory_space<vmem>>, vector<16xf32>,
    }
    %scan3A_9 = arith.constant 520 : i32
    %iota3A = tpu.iota {dimensions = array<i32: 0>} : vector<16xi32>
    %eq3A = arith.constant 0 : i32
    %eq3A_10 = vector.broadcast %eq3A : i32 to vector<16xi32>
    %eq3A_11 = arith.cmpi eq, %iota3A, %eq3A_10 : vector<16xi32>
    %scan3A_12 = arith.constant 0 : i32
    %scan3A_13 = arith.constant 320 : i32
    %scan3A_14 = arith.addi %scan3A_12, %scan3A_13 : i32
    %scan3A_15 = arith.constant 1 : i32
    scf.for %scan3A_17 = %scan3A_12 to %scan3A_14 step %scan3A_15  : i32 {
      %mul3A_18 = arith.constant 1 : i32
      %mul3A_19 = arith.muli %scan3A_17, %mul3A_18 : i32
      %add3A_20 = arith.constant 0 : i32
      %add3A_21 = arith.addi %add3A_20, %mul3A_19 : i32
      %get3A = arith.index_cast %add3A_21 : i32 to index
      %get3A_22 = tpu.vector_load %arg7[%get3A] {strides = array<i32>} : memref<336xi32, #tpu.memory_space<vmem>>, vector<16xi32>,
      %jit3A = arith.constant -1 : i32
      %broadcast_in_dim3A_23 = vector.broadcast %jit3A : i32 to vector<16xi32>
      %select_n3A = arith.select %eq3A_11, %get3A_22, %broadcast_in_dim3A_23 : vector<16xi1>, vector<16xi32>
      %reduce_max3A = arith.constant true
      %reduce_max3A_24 = vector.broadcast %reduce_max3A : i1 to vector<16xi1>
      %reduce_max3A_25 = arith.constant -2147483648 : i32
      %reduce_max3A_26 = vector.broadcast %reduce_max3A_25 : i32 to vector<16xi32>
      %reduce_max3A_27 = arith.xori %select_n3A, %reduce_max3A_26 : vector<16xi32>
      %reduce_max3A_28 = tpu.scan <max>, %reduce_max3A_27 masked %reduce_max3A_24 : vector<16xi32>, vector<16xi1> -> vector<16xi32>
      %reduce_max3A_29 = arith.xori %reduce_max3A_28, %reduce_max3A_26 : vector<16xi32>
      %reduce_max3A_30 = vector.extract %reduce_max3A_29[15] : i32 from vector<16xi32>
      %get3A_31 = arith.index_cast %add3A_21 : i32 to index
      %get3A_32 = arith.constant 0 : index
      %get3A_33 = tpu.vector_load %arg6[%get3A_31, %get3A_32] {strides = array<i32>} : memref<320x64xf32, #tpu.memory_space<vmem>>, vector<16xf32>,
      %get3A_34 = arith.index_cast %reduce_max3A_30 : i32 to index
      %get3A_35 = arith.constant 0 : index
      %get3A_36 = tpu.vector_load %arg8[%get3A_34, %get3A_35] {strides = array<i32>} : memref<520x64xf32, #tpu.memory_space<vmem>>, vector<16xf32>,
      %max3A = arith.maximumf %get3A_36, %get3A_33 : vector<16xf32>
      %swap3A = arith.index_cast %reduce_max3A_30 : i32 to index
      %swap3A_37 = arith.constant 0 : index
      %swap3A_38 = tpu.vector_load %arg8[%swap3A, %swap3A_37] {strides = array<i32>} : memref<520x64xf32, #tpu.memory_space<vmem>>, vector<16xf32>,
      tpu.vector_store %arg8[%swap3A, %swap3A_37], %max3A {strides = array<i32>} : memref<520x64xf32, #tpu.memory_space<vmem>>, vector<16xf32>,
      %get3A_39 = arith.index_cast %reduce_max3A_30 : i32 to index
      %get3A_40 = arith.constant 0 : index
      %get3A_41 = tpu.vector_load %arg9[%get3A_39, %get3A_40] {strides = array<i32>} : memref<520x64xf32, #tpu.memory_space<vmem>>, vector<16xf32>,
      %add3A_42 = arith.addf %get3A_41, %get3A_33 : vector<16xf32>
      %swap3A_43 = arith.index_cast %reduce_max3A_30 : i32 to index
      %swap3A_44 = arith.constant 0 : index
      %swap3A_45 = tpu.vector_load %arg9[%swap3A_43, %swap3A_44] {strides = array<i32>} : memref<520x64xf32, #tpu.memory_space<vmem>>, vector<16xf32>,
      tpu.vector_store %arg9[%swap3A_43, %swap3A_44], %add3A_42 {strides = array<i32>} : memref<520x64xf32, #tpu.memory_space<vmem>>, vector<16xf32>,
      %get3A_46 = arith.index_cast %add3A_21 : i32 to index
      %get3A_47 = arith.constant 16 : index
      %get3A_48 = tpu.vector_load %arg6[%get3A_46, %get3A_47] {strides = array<i32>} : memref<320x64xf32, #tpu.memory_space<vmem>>, vector<16xf32>,
      %get3A_49 = arith.index_cast %reduce_max3A_30 : i32 to index
      %get3A_50 = arith.constant 16 : index
      %get3A_51 = tpu.vector_load %arg8[%get3A_49, %get3A_50] {strides = array<i32>} : memref<520x64xf32, #tpu.memory_space<vmem>>, vector<16xf32>,
      %max3A_52 = arith.maximumf %get3A_51, %get3A_48 : vector<16xf32>
      %swap3A_53 = arith.index_cast %reduce_max3A_30 : i32 to index
      %swap3A_54 = arith.constant 16 : index
      %swap3A_55 = tpu.vector_load %arg8[%swap3A_53, %swap3A_54] {strides = array<i32>} : memref<520x64xf32, #tpu.memory_space<vmem>>, vector<16xf32>,
      tpu.vector_store %arg8[%swap3A_53, %swap3A_54], %max3A_52 {strides = array<i32>} : memref<520x64xf32, #tpu.memory_space<vmem>>, vector<16xf32>,
      %get3A_56 = arith.index_cast %reduce_max3A_30 : i32 to index
      %get3A_57 = arith.constant 16 : index
      %get3A_58 = tpu.vector_load %arg9[%get3A_56, %get3A_57] {strides = array<i32>} : memref<520x64xf32, #tpu.memory_space<vmem>>, vector<16xf32>,
      %add3A_59 = arith.addf %get3A_58, %get3A_48 : vector<16xf32>
      %swap3A_60 = arith.index_cast %reduce_max3A_30 : i32 to index
      %swap3A_61 = arith.constant 16 : index
      %swap3A_62 = tpu.vector_load %arg9[%swap3A_60, %swap3A_61] {strides = array<i32>} : memref<520x64xf32, #tpu.memory_space<vmem>>, vector<16xf32>,
      tpu.vector_store %arg9[%swap3A_60, %swap3A_61], %add3A_59 {strides = array<i32>} : memref<520x64xf32, #tpu.memory_space<vmem>>, vector<16xf32>,
      %get3A_63 = arith.index_cast %add3A_21 : i32 to index
      %get3A_64 = arith.constant 32 : index
      %get3A_65 = tpu.vector_load %arg6[%get3A_63, %get3A_64] {strides = array<i32>} : memref<320x64xf32, #tpu.memory_space<vmem>>, vector<16xf32>,
      %get3A_66 = arith.index_cast %reduce_max3A_30 : i32 to index
      %get3A_67 = arith.constant 32 : index
      %get3A_68 = tpu.vector_load %arg8[%get3A_66, %get3A_67] {strides = array<i32>} : memref<520x64xf32, #tpu.memory_space<vmem>>, vector<16xf32>,
      %max3A_69 = arith.maximumf %get3A_68, %get3A_65 : vector<16xf32>
      %swap3A_70 = arith.index_cast %reduce_max3A_30 : i32 to index
      %swap3A_71 = arith.constant 32 : index
      %swap3A_72 = tpu.vector_load %arg8[%swap3A_70, %swap3A_71] {strides = array<i32>} : memref<520x64xf32, #tpu.memory_space<vmem>>, vector<16xf32>,
      tpu.vector_store %arg8[%swap3A_70, %swap3A_71], %max3A_69 {strides = array<i32>} : memref<520x64xf32, #tpu.memory_space<vmem>>, vector<16xf32>,
      %get3A_73 = arith.index_cast %reduce_max3A_30 : i32 to index
      %get3A_74 = arith.constant 32 : index
      %get3A_75 = tpu.vector_load %arg9[%get3A_73, %get3A_74] {strides = array<i32>} : memref<520x64xf32, #tpu.memory_space<vmem>>, vector<16xf32>,
      %add3A_76 = arith.addf %get3A_75, %get3A_65 : vector<16xf32>
      %swap3A_77 = arith.index_cast %reduce_max3A_30 : i32 to index
      %swap3A_78 = arith.constant 32 : index
      %swap3A_79 = tpu.vector_load %arg9[%swap3A_77, %swap3A_78] {strides = array<i32>} : memref<520x64xf32, #tpu.memory_space<vmem>>, vector<16xf32>,
      tpu.vector_store %arg9[%swap3A_77, %swap3A_78], %add3A_76 {strides = array<i32>} : memref<520x64xf32, #tpu.memory_space<vmem>>, vector<16xf32>,
      %get3A_80 = arith.index_cast %add3A_21 : i32 to index
      %get3A_81 = arith.constant 48 : index
      %get3A_82 = tpu.vector_load %arg6[%get3A_80, %get3A_81] {strides = array<i32>} : memref<320x64xf32, #tpu.memory_space<vmem>>, vector<16xf32>,
      %get3A_83 = arith.index_cast %reduce_max3A_30 : i32 to index
      %get3A_84 = arith.constant 48 : index
      %get3A_85 = tpu.vector_load %arg8[%get3A_83, %get3A_84] {strides = array<i32>} : memref<520x64xf32, #tpu.memory_space<vmem>>, vector<16xf32>,
      %max3A_86 = arith.maximumf %get3A_85, %get3A_82 : vector<16xf32>
      %swap3A_87 = arith.index_cast %reduce_max3A_30 : i32 to index
      %swap3A_88 = arith.constant 48 : index
      %swap3A_89 = tpu.vector_load %arg8[%swap3A_87, %swap3A_88] {strides = array<i32>} : memref<520x64xf32, #tpu.memory_space<vmem>>, vector<16xf32>,
      tpu.vector_store %arg8[%swap3A_87, %swap3A_88], %max3A_86 {strides = array<i32>} : memref<520x64xf32, #tpu.memory_space<vmem>>, vector<16xf32>,
      %get3A_90 = arith.index_cast %reduce_max3A_30 : i32 to index
      %get3A_91 = arith.constant 48 : index
      %get3A_92 = tpu.vector_load %arg9[%get3A_90, %get3A_91] {strides = array<i32>} : memref<520x64xf32, #tpu.memory_space<vmem>>, vector<16xf32>,
      %add3A_93 = arith.addf %get3A_92, %get3A_82 : vector<16xf32>
      %swap3A_94 = arith.index_cast %reduce_max3A_30 : i32 to index
      %swap3A_95 = arith.constant 48 : index
      %swap3A_96 = tpu.vector_load %arg9[%swap3A_94, %swap3A_95] {strides = array<i32>} : memref<520x64xf32, #tpu.memory_space<vmem>>, vector<16xf32>,
      tpu.vector_store %arg9[%swap3A_94, %swap3A_95], %add3A_93 {strides = array<i32>} : memref<520x64xf32, #tpu.memory_space<vmem>>, vector<16xf32>,
    }
    %scan3A_16 = arith.constant 320 : i32
    "tpu.region"() ({
      %run_scoped3A = tpu.sem_alloc : memref<!tpu.dma_semaphore, #tpu.memory_space<semaphore_mem>>
      %dma_start3A = arith.constant 0 : i32
      %dma_start3A_17 = arith.constant 0 : i32
      %dma_start3A_18 = tpu.memref_slice %arg8[%dma_start3A, %dma_start3A_17] : memref<520x64xf32, #tpu.memory_space<vmem>> -> memref<512x64xf32, #tpu.memory_space<vmem>>
      %dma_start3A_19 = arith.constant 0 : i32
      %dma_start3A_20 = arith.constant 0 : i32
      %dma_start3A_21 = tpu.memref_slice %arg4[%add3A, %dma_start3A_19, %dma_start3A_20] : memref<32x512x64xf32, #tpu.memory_space<hbm>> -> memref<1x512x64xf32, #tpu.memory_space<hbm>>
      %dma_start3A_22 = tpu.memref_squeeze %dma_start3A_21 : memref<1x512x64xf32, #tpu.memory_space<hbm>> -> memref<512x64xf32, #tpu.memory_space<hbm>>
      %dma_start3A_23 = arith.constant 0 : i32
      %dma_start3A_24 = arith.constant 0 : i32
      %dma_start3A_25 = tpu.memref_slice %arg4[%add3A, %dma_start3A_23, %dma_start3A_24] : memref<32x512x64xf32, #tpu.memory_space<hbm>> -> memref<1x512x64xf32, #tpu.memory_space<hbm>>
      %dma_start3A_26 = tpu.memref_squeeze %dma_start3A_25 : memref<1x512x64xf32, #tpu.memory_space<hbm>> -> memref<512x64xf32, #tpu.memory_space<hbm>>
      %dma_start3A_27 = arith.constant 0 : i32
      %dma_start3A_28 = arith.constant 0 : i32
      %dma_start3A_29 = tpu.memref_slice %arg8[%dma_start3A_27, %dma_start3A_28] : memref<520x64xf32, #tpu.memory_space<vmem>> -> memref<512x64xf32, #tpu.memory_space<vmem>>
      tpu.enqueue_dma source(%dma_start3A_29 : memref<512x64xf32, #tpu.memory_space<vmem>>) target(%dma_start3A_26 : memref<512x64xf32, #tpu.memory_space<hbm>>) target_semaphore(%run_scoped3A : memref<!tpu.dma_semaphore, #tpu.memory_space<semaphore_mem>>)
      %dma_wait3A = arith.constant 0 : i32
      %dma_wait3A_30 = arith.constant 0 : i32
      %dma_wait3A_31 = tpu.memref_slice %arg8[%dma_wait3A, %dma_wait3A_30] : memref<520x64xf32, #tpu.memory_space<vmem>> -> memref<512x64xf32, #tpu.memory_space<vmem>>
      %dma_wait3A_32 = arith.constant 0 : i32
      %dma_wait3A_33 = arith.constant 0 : i32
      %dma_wait3A_34 = tpu.memref_slice %arg4[%add3A, %dma_wait3A_32, %dma_wait3A_33] : memref<32x512x64xf32, #tpu.memory_space<hbm>> -> memref<1x512x64xf32, #tpu.memory_space<hbm>>
      %dma_wait3A_35 = tpu.memref_squeeze %dma_wait3A_34 : memref<1x512x64xf32, #tpu.memory_space<hbm>> -> memref<512x64xf32, #tpu.memory_space<hbm>>
      %dma_wait3A_36 = arith.constant 0 : i32
      %dma_wait3A_37 = arith.constant 0 : i32
      %dma_wait3A_38 = tpu.memref_slice %arg4[%add3A, %dma_wait3A_36, %dma_wait3A_37] : memref<32x512x64xf32, #tpu.memory_space<hbm>> -> memref<1x512x64xf32, #tpu.memory_space<hbm>>
      %dma_wait3A_39 = tpu.memref_squeeze %dma_wait3A_38 : memref<1x512x64xf32, #tpu.memory_space<hbm>> -> memref<512x64xf32, #tpu.memory_space<hbm>>
      %dma_wait3A_40 = arith.constant 0 : i32
      %dma_wait3A_41 = arith.constant 0 : i32
      %dma_wait3A_42 = tpu.memref_slice %arg8[%dma_wait3A_40, %dma_wait3A_41] : memref<520x64xf32, #tpu.memory_space<vmem>> -> memref<512x64xf32, #tpu.memory_space<vmem>>
      tpu.wait_dma2 semaphore(%run_scoped3A : memref<!tpu.dma_semaphore, #tpu.memory_space<semaphore_mem>>) src(%dma_wait3A_42 : memref<512x64xf32, #tpu.memory_space<vmem>>) dst(%dma_wait3A_39 : memref<512x64xf32, #tpu.memory_space<hbm>>)
      tpu.yield
    }) : () -> ()
    "tpu.region"() ({
      %run_scoped3A = tpu.sem_alloc : memref<!tpu.dma_semaphore, #tpu.memory_space<semaphore_mem>>
      %dma_start3A = arith.constant 0 : i32
      %dma_start3A_17 = arith.constant 0 : i32
      %dma_start3A_18 = tpu.memref_slice %arg9[%dma_start3A, %dma_start3A_17] : memref<520x64xf32, #tpu.memory_space<vmem>> -> memref<512x64xf32, #tpu.memory_space<vmem>>
      %dma_start3A_19 = arith.constant 0 : i32
      %dma_start3A_20 = arith.constant 0 : i32
      %dma_start3A_21 = tpu.memref_slice %arg5[%add3A, %dma_start3A_19, %dma_start3A_20] : memref<32x512x64xf32, #tpu.memory_space<hbm>> -> memref<1x512x64xf32, #tpu.memory_space<hbm>>
      %dma_start3A_22 = tpu.memref_squeeze %dma_start3A_21 : memref<1x512x64xf32, #tpu.memory_space<hbm>> -> memref<512x64xf32, #tpu.memory_space<hbm>>
      %dma_start3A_23 = arith.constant 0 : i32
      %dma_start3A_24 = arith.constant 0 : i32
      %dma_start3A_25 = tpu.memref_slice %arg5[%add3A, %dma_start3A_23, %dma_start3A_24] : memref<32x512x64xf32, #tpu.memory_space<hbm>> -> memref<1x512x64xf32, #tpu.memory_space<hbm>>
      %dma_start3A_26 = tpu.memref_squeeze %dma_start3A_25 : memref<1x512x64xf32, #tpu.memory_space<hbm>> -> memref<512x64xf32, #tpu.memory_space<hbm>>
      %dma_start3A_27 = arith.constant 0 : i32
      %dma_start3A_28 = arith.constant 0 : i32
      %dma_start3A_29 = tpu.memref_slice %arg9[%dma_start3A_27, %dma_start3A_28] : memref<520x64xf32, #tpu.memory_space<vmem>> -> memref<512x64xf32, #tpu.memory_space<vmem>>
      tpu.enqueue_dma source(%dma_start3A_29 : memref<512x64xf32, #tpu.memory_space<vmem>>) target(%dma_start3A_26 : memref<512x64xf32, #tpu.memory_space<hbm>>) target_semaphore(%run_scoped3A : memref<!tpu.dma_semaphore, #tpu.memory_space<semaphore_mem>>)
      %dma_wait3A = arith.constant 0 : i32
      %dma_wait3A_30 = arith.constant 0 : i32
      %dma_wait3A_31 = tpu.memref_slice %arg9[%dma_wait3A, %dma_wait3A_30] : memref<520x64xf32, #tpu.memory_space<vmem>> -> memref<512x64xf32, #tpu.memory_space<vmem>>
      %dma_wait3A_32 = arith.constant 0 : i32
      %dma_wait3A_33 = arith.constant 0 : i32
      %dma_wait3A_34 = tpu.memref_slice %arg5[%add3A, %dma_wait3A_32, %dma_wait3A_33] : memref<32x512x64xf32, #tpu.memory_space<hbm>> -> memref<1x512x64xf32, #tpu.memory_space<hbm>>
      %dma_wait3A_35 = tpu.memref_squeeze %dma_wait3A_34 : memref<1x512x64xf32, #tpu.memory_space<hbm>> -> memref<512x64xf32, #tpu.memory_space<hbm>>
      %dma_wait3A_36 = arith.constant 0 : i32
      %dma_wait3A_37 = arith.constant 0 : i32
      %dma_wait3A_38 = tpu.memref_slice %arg5[%add3A, %dma_wait3A_36, %dma_wait3A_37] : memref<32x512x64xf32, #tpu.memory_space<hbm>> -> memref<1x512x64xf32, #tpu.memory_space<hbm>>
      %dma_wait3A_39 = tpu.memref_squeeze %dma_wait3A_38 : memref<1x512x64xf32, #tpu.memory_space<hbm>> -> memref<512x64xf32, #tpu.memory_space<hbm>>
      %dma_wait3A_40 = arith.constant 0 : i32
      %dma_wait3A_41 = arith.constant 0 : i32
      %dma_wait3A_42 = tpu.memref_slice %arg9[%dma_wait3A_40, %dma_wait3A_41] : memref<520x64xf32, #tpu.memory_space<vmem>> -> memref<512x64xf32, #tpu.memory_space<vmem>>
      tpu.wait_dma2 semaphore(%run_scoped3A : memref<!tpu.dma_semaphore, #tpu.memory_space<semaphore_mem>>) src(%dma_wait3A_42 : memref<512x64xf32, #tpu.memory_space<vmem>>) dst(%dma_wait3A_39 : memref<512x64xf32, #tpu.memory_space<hbm>>)
      tpu.yield
    }) : () -> ()
    return
  }
}

</mosaic_0001>

<sc_bundles>
// kernel: kernel.12.cloned.1.call-start
scs
__scs_entry_jumppad:
0x0: {  	(pc) =	sbr.rel $0x88, $3  }
0x1: {  	(tag) =	ssettag $0x0;
	lr =	simm.s32 $0x1  }
0x2: {  	[smem:$0x3F89] =	sst lr;
	_ =	strace $0xD0000000  }
0x3: {  	_ = 	snop  }
0x4: {  	_ = 	snop  }
0x5: {  	_ = 	snop  }
0x6: {  	_ = 	snop  }
0x7: {  	_ = 	snop  }
__scs_overlays_trampoline_lowered:
0x8: {  	[smem:$0x3F98] =	sst s0  }
0x9: {  	[smem:$0x3F99] =	sst s1  }
0xa: {  	[smem:$0x3F9A] =	sst s2  }
0xb: {  	[smem:$0x3F9B] =	sst s3  }
0xc: {  	[smem:$0x3F9C] =	sst s4  }
0xd: {  	[smem:$0x3F9D] =	sst s5  }
0xe: {  	[smem:$0x3F9E] =	sst s6  }
0xf: {  	[smem:$0x3F9F] =	sst s7  }
0x10: {  	[smem:$0x3FA0] =	sst s8  }
0x11: {  	[smem:$0x3FA1] =	sst s9;
	s0 =	simm.s32 @!p0 $0x0  }
0x12: {  	s1 =	sld [smem:$0x3F87];
	s0 =	simm.s32 @p0 $0x1  }
0x13: {  	[smem:$0x3FA2] =	sst s0;
	s0 =	simm.s32 @!p1 $0x0  }
0x14: {  	s2 =	sld [smem:$0x3F86];
	s0 =	simm.s32 @p1 $0x1  }
0x15: {  	[smem:$0x3FA3] =	sst s0;
	s0 =	simm.s32 @!p2 $0x0  }
0x16: {  	s3 =	sld [smem:$0x3FDB];
	s0 =	simm.s32 @p2 $0x1  }
0x17: {  	s4 =	simm.s32 $0x1BF5;
	[smem:$0x3FA5] =	sst s0  }
0x18: {  	s0 =	sld [smem:$0x3F88];
	_ =	swait.ge [sflag:s4], $0x0  }
0x19: {  	s7 =	sld [smem:$0x3F89]  }
0x1a: {  	s8 =	sadd.s32 $0xFFFFE003, lr  }
0x1b: {  	s9 =	sadd.s32 $0xFFFFFEF7, lr;
	s5 =	simm.s32 $0xFFFFFFFF;
	p2 =	slt.u32 s8, $0xFFFFF086  }
0x1c: {  	p1 =	slt.u32 s9, $0xF7A;
	s5 =	simm.s32 @!p2 $0x0  }
0x1d: {  	s5 =	simm.s32 @p1 $0x1;
	p0 =	seq.s32 s7, s2  }
0x1e: {  	s7 =	smul.u32 @!p0 $0xF7A, s2;
	p2 =	seq.s32 @!p0 s5, $0x0  }
0x1f: {  	s9 =	smul.u32 $0xF7A, s1;
	s8 =	simm.s32 @!p0 $0x1BF5;
	p2 =	por !p2, p0  }
0x20: {  	[sflag:s8] =	ssyncset.s32 @!p0 $0xFFFFF086;
	s6 =	sadd.s32 @!p0 s3, s7;
	s7 =	simm.s32 @!p0 $0x108  }
0x21: {  	s3 =	sadd.s32 s3, s9;
	s6 =	sadd.s32 @!p0 $0x88, s6;
	s7 =	simm.s32 @p2 $0x1082  }
0x22: {  	[simem:s7], [sflag:s8] =	dma.local @!p0 [hbm:s6], $0xF7A  }
0x23: {  	s9 =	sor.u32 $0xD0000000, s2;
	s6 =	simm.s32 $0x108;
	_ =	swait.ge @!p0 [sflag:s8], $0x0  }
0x24: {  	s3 =	sadd.s32 $0x88, s3;
	s6 =	simm.s32 @!p1 $0x1082;
	[sflag:s4] =	ssyncset.s32 $0xFFFFF086  }
0x25: {  	[simem:s6], [sflag:s4] =	dma.local [hbm:s3], $0xF7A  }
0x26: {  	[smem:$0x3F89] =	sst s1;
	(tag) =	ssettag s2;
	_ =	strace s9  }
0x27: {  	s1 =	sld [smem:$0x3F99]  }
0x28: {  	s2 =	sld [smem:$0x3F9A]  }
0x29: {  	s4 =	sld [smem:$0x3F9C]  }
0x2a: {  	p0 =	seq.s32 s5, $0x0;
	s5 =	sld [smem:$0x3F9D]  }
0x2b: {  	s6 =	sld [smem:$0x3F9E]  }
0x2c: {  	s7 =	sld [smem:$0x3F9F]  }
0x2d: {  	s3 =	simm.s32 $0x108;
	s8 =	sld [smem:$0x3FA0]  }
0x2e: {  	s3 =	simm.s32 @!p0 $0x1082;
	s9 =	sld [smem:$0x3FA1]  }
0x2f: {  	lr =	sadd.s32 s0, s3;
	s0 =	sld [smem:$0x3F98]  }
0x30: {  	s3 =	sld [smem:$0x3F9B]  }
0x31: {  	[smem:$0x3FA4] =	sst s10  }
0x32: {  	s10 =	sld [smem:$0x3FA2];
	_ =	sdelay $0x3  }
0x33: {  	p0 =	seq.s32 s10, $0x1;
	s10 =	sld [smem:$0x3FA4];
	_ =	sdelay $0x3  }
0x34: {  	[smem:$0x3FA4] =	sst s10  }
0x35: {  	s10 =	sld [smem:$0x3FA3];
	_ =	sdelay $0x3  }
0x36: {  	p1 =	seq.s32 s10, $0x1;
	s10 =	sld [smem:$0x3FA4];
	_ =	sdelay $0x3  }
0x37: {  	[smem:$0x3FA4] =	sst s10  }
0x38: {  	s10 =	sld [smem:$0x3FA5]  }
0x39: {  	_ = 	snop;
	(pc) =	sbr.ind lr, $3  }
0x3a: {  	_ = 	snop  }
0x3b: {  	_ = 	snop  }
0x3c: {  	p2 =	seq.s32 s10, $0x1;
	s10 =	sld [smem:$0x3FA4]  }
0x3d: {  	_ =	shalt  }
0x3e: {  	_ =	shalt  }
0x3f: {  	_ =	shalt  }
0x40: {  	_ =	shalt  }
0x41: {  	_ =	shalt  }
0x42: {  	_ =	shalt  }
0x43: {  	_ =	shalt  }
0x44: {  	_ =	shalt  }
0x45: {  	_ =	shalt  }
0x46: {  	_ =	shalt  }
0x47: {  	_ =	shalt  }
0x48: {  	_ =	shalt  }
0x49: {  	_ =	shalt  }
0x4a: {  	_ =	shalt  }
0x4b: {  	_ =	shalt  }
0x4c: {  	_ =	shalt  }
0x4d: {  	_ =	shalt  }
0x4e: {  	_ =	shalt  }
0x4f: {  	_ =	shalt  }
0x50: {  	_ =	shalt  }
0x51: {  	_ =	shalt  }
0x52: {  	_ =	shalt  }
0x53: {  	_ =	shalt  }
0x54: {  	_ =	shalt  }
0x55: {  	_ =	shalt  }
0x56: {  	_ =	shalt  }
0x57: {  	_ =	shalt  }
0x58: {  	_ =	shalt  }
0x59: {  	_ =	shalt  }
0x5a: {  	_ =	shalt  }
0x5b: {  	_ =	shalt  }
0x5c: {  	_ =	shalt  }
0x5d: {  	_ =	shalt  }
0x5e: {  	_ =	shalt  }
0x5f: {  	_ =	shalt  }
0x60: {  	_ =	shalt  }
0x61: {  	_ =	shalt  }
0x62: {  	_ =	shalt  }
0x63: {  	_ =	shalt  }
0x64: {  	_ =	shalt  }
0x65: {  	_ =	shalt  }
0x66: {  	_ =	shalt  }
0x67: {  	_ =	shalt  }
0x68: {  	_ =	shalt  }
0x69: {  	_ =	shalt  }
0x6a: {  	_ =	shalt  }
0x6b: {  	_ =	shalt  }
0x6c: {  	_ =	shalt  }
0x6d: {  	_ =	shalt  }
0x6e: {  	_ =	shalt  }
0x6f: {  	_ =	shalt  }
0x70: {  	_ =	shalt  }
0x71: {  	_ =	shalt  }
0x72: {  	_ =	shalt  }
0x73: {  	_ =	shalt  }
0x74: {  	_ =	shalt  }
0x75: {  	_ =	shalt  }
0x76: {  	_ =	shalt  }
0x77: {  	_ =	shalt  }
0x78: {  	_ =	shalt  }
0x79: {  	_ =	shalt  }
0x7a: {  	_ =	shalt  }
0x7b: {  	_ =	shalt  }
0x7c: {  	_ =	shalt  }
0x7d: {  	_ =	shalt  }
0x7e: {  	_ =	shalt  }
0x7f: {  	_ =	shalt  }
0x80: {  	_ =	shalt  }
0x81: {  	_ =	shalt  }
0x82: {  	_ =	shalt  }
0x83: {  	_ =	shalt  }
0x84: {  	_ =	shalt  }
0x85: {  	_ =	shalt  }
0x86: {  	_ =	shalt  }
0x87: {  	_ =	shalt  }
.Lfunc_end0:
.L_simem_size_0:
called_computation.5_lowered:
.L_overlay_start_0:
0x88: {  	s2 =	sld [smem:$0x3FD9]  }
0x89: {  	s3 =	sld [smem:$0x3FFE];
	_ =	sdelay $0x1  }
0x8a: {  	s1 =	srdreg.scid  }
0x8b: {  	s0 =	sand.u32 $0x1, s1  }
0x8c: {  	s16 =	sshll.u32 s0, $0xA;
	s2 =	sadd.s32 s3, s2  }
0x8d: {  	s2 =	sadd.s32 s2, s16  }
0x8e: {  	[smem:$0x3FB0] =	sst s2  }
0x8f: {  	_ = 	snop  }
0x90: {  	(tm) =	ssettm $0x1  }
0x91: {  	s17 =	sld [smem:$0x3FFB];
	_ =	sdelay $0x3  }
0x92: {  	_ =	strace s17  }
0x93: {  	s2 =	sld [smem:$0x3FFC];
	_ =	sdelay $0x3  }
0x94: {  	_ =	strace s2  }
0x95: {  	s2 =	sld [smem:$0x3FFD];
	_ =	sdelay $0x3  }
0x96: {  	_ =	strace s2  }
0x97: {  	_ =	strace $0x8FFFFFFF  }
0x98: {  	s18 =	sld [smem:$0x3FDB];
	_ =	sdelay $0x1  }
0x99: {  	s19 =	simm.s32 $_scs_section_size  }
0x9a: {  	s4 =	simm.s32 $_size__tile_overlayer_lowered;
	s5 =	simm.s32 $_tile_overlayer_lowered  }
0x9b: {  	s22 =	simm.s32 $0x1BFF;
	s21 =	sshll.u32 s5, $0x1;
	s2 =	sadd.s32 s19, s18  }
0x9c: {  	s6 =	simm.s32 $0x0;
	s20 =	sshll.u32 s4, $0x1;
	s4 =	sadd.s32 s21, s2  }
0x9d: {  	[timem:s6], [sflag:s22] =	dma.local [hbm:s4], s20  }
0x9e: {  	_ =	swait.ge [sflag:s22], s20  }
0x9f: {  	s3 =	ssub.s32 $0x0, s20;
	[sflag:s22] =	ssyncset.done $0x0  }
0xa0: {  	[sflag:s22] =	ssyncadd.s32 s3;
	_ =	sdelay $0x1  }
0xa1: {  	s23 =	simm.s32 $0x1B8B  }
0xa2: {  	_ =	swait.ge [sflag:s23], $0x1  }
0xa3: {  	[sflag:s23] =	ssyncset.done $0x0  }
0xa4: {  	s25 =	simm.s32 $0x1B8E;
	s24 =	sld [smem:$0x3FFE];
	[sflag:s23] =	ssyncadd.s32 $0xFFFFFFFF  }
0xa5: {  	s26 =	simm.s32 $execute0_lowered;
	[smem:$0x3FD2] =	sst s25  }
0xa6: {  	s4 =	sshll.u32 s26, $0x1;
	_ =	strace $0x8000004F;
	[dreg:$0x1] =	wrdreg $0xFFFFFFFF  }
0xa7: {  	s28 =	simm.s32 $_size_execute0_lowered;
	s2 =	sadd.s32 s2, s4;
	[dreg:$0x0] =	wrdreg $0x0  }
0xa8: {  	s4 =	sshll.u32 s28, $0x1;
	[dreg:$0x2] =	wrdreg s2  }
0xa9: {  	[dreg:$0x3] =	wrdreg s4  }
0xaa: {  	[dreg:$0x4] =	wrdreg $0xC0  }
0xab: {  	_ =	task [dreg:s6], $0x5FFFF  }
0xac: {  	[dreg:$0x1] =	wrdreg $0xFFFFFFFF  }
0xad: {  	[dreg:$0x0] =	wrdreg $0x60  }
0xae: {  	[dreg:$0x2] =	wrdreg s24  }
0xaf: {  	[dreg:$0x3] =	wrdreg $0xB4500  }
0xb0: {  	[dreg:$0x4] =	wrdreg $0x9  }
0xb1: {  	_ =	task.clear_ibuf [dreg:s6], $0x5FFFF;
	_ =	strace $0x9000004F  }
0xb2: {  	s29 =	simm.s32 $0x9;
	_ =	strace $0x80000051  }
0xb3: {  	_ =	swait.ge [sflag:s29], $0x1  }
0xb4: {  	[sflag:s29] =	ssyncadd.s32 $0xFFFFFFFF  }
0xb5: {  	_ =	strace $0x90000051  }
0xb6: {  	_ =	sfence  }
0xb7: {  	s30 =	sld [smem:$0x0];
	_ =	sdelay $0x2  }
0xb8: {  	s31 =	sshll.u32 s1, $0xD;
	s1 =	sshrl.u32 s1, $0x2  }
0xb9: {  	s3 =	sand.u32 $0x4000, s31;
	s1 =	sadd.s32 s1, s30  }
0xba: {  	s0 =	sor.u32 s3, s0;
	s1 =	sshll.u32 s1, $0x11  }
0xbb: {  	s0 =	sor.u32 s1, s0  }
0xbc: {  	s0 =	sadd.s32 $0x8F2B, s0  }
0xbd: {  	[sflag:s0] =	ssyncadd.remote.s32 $0x1  }
0xbe: {  	_ =	sfence.sel $0xFFFF  }
0xbf: {  	[dreg:$0x0] =	wrdreg $0xFFFFFFFF;
	(pc) =	sbr.abs _section_cstart, $3  }
0xc0: {  	[dreg:$0x1] =	wrdreg $0xFFFFFFFF  }
0xc1: {  	_ =	task.clear_ibuf [dreg:s6], $0x2FFFF;
	_ =	strace $0x9FFFFFFF  }
0xc2: {  	(tm) =	ssettm $0x7FFFFFFF  }
0xc3: {  	_ =	shalt  }
tec
execute0_lowered:
.L_overlay_start_1:
0x0: {  	(tag) =	ssettag $0x1  }
0x1: {  	s0 =	srdreg.scid  }
0x2: {  	s4 =	sand.u32 $0x1, s0  }
0x3: {  	s5 =	rddreg [dreg:$0x0];
	s6 =	smul.u32 $0x138800, s4  }
0x4: {  	s0 =	stileid.u32;
	s7 =	smul.u32 $0x27100, s4  }
0x5: {  	s2 =	rddreg [dreg:$0x1];
	s8 =	smul.u32 $0x2710, s0  }
0x6: {  	s1 =	rddreg [dreg:$0x2];
	s3 =	simm.s32 $0x0;
	s9 =	smul.u32 $0xA000, s0  }
0x7: {  	s14 =	simm.s32 $0x0;
	[smem:$0x7FF] =	sst s3;
	s24 =	smul.u32 $0xA0000, s4  }
0x8: {  	_ =	strace $0x80000050;
	s4 =	ssub.s32 $0x2, s4;
	s12 =	sshll.u32 s0, $0x6  }
0x9: {  	s29 =	smul.u32 $0x13880, s0;
	s28 =	sshrl.u32 s4, $0x1;
	s12 =	sor.u32 $0x1C01, s12  }
0xa: {  	s7 =	sadd.s32 s8, s7;
	s10 =	sadd.s32 s6, s5;
	s26 =	sadd.s32 s9, s24  }
0xb: {  	s30 =	ssub.s32 s4, s28;
	s4 =	sadd.s32 s9, s2;
	s9 =	simm.s32 $0x1450  }
0xc: {  	s25 =	sshrl.u32 s7, $0x3;
	s6 =	sshrl.u32 s26, $0x3;
	s31 =	sadd.s32 s29, s10  }
0xd: {  	s10 =	simm.s32 $0x1;
	s13 =	sshrl.u32 s4, $0x3;
	s11 =	sadd.s32 s25, s5  }
0xe: {  	s5 =	sadd.s32 s6, s5;
	s6 =	smax.u32 s30, $0x1;
	s7 =	sadd.s32 $0x42400, s31  }
0xf: {  	v0 =	vimm.f32 $0.0e+00;
	s5 =	sadd.s32 $0x2B3400, s5;
	s8 =	sadd.s32 $0x10600, s11;
	s11 =	simm.s32 $0x50  }
.LBB2_1:
0x10: {  	s16 =	simm.s32 $0x100;
	s15 =	simm.s32 $0x0  }
.LBB2_2:
0x11: {  	p0 =	sne.s32 s16, $0x27F00;
	[tilespmem:s15+$0x1480] =	vst v0;
	s17 =	smov.u32 s16;
	s16 =	sadd.s32 $0x100, s16  }
.Ltmp0:
0x12: {  	[tilespmem:s15+$0x1470] =	vst v0;
	(pc) =	sbr.rel @p0 .LBB2_2-.Ltmp0, $3  }
0x13: {  	[tilespmem:s15+$0x1450] =	vst v0  }
0x14: {  	[tilespmem:s15+$0x1460] =	vst v0;
	_ =	sdelay $0x1  }
0x15: {  	s15 =	sshra.s32 s17, $0x2  }
0x16: {  	[tilespmem:s15+$0x1480] =	vst v0  }
0x17: {  	[tilespmem:s15+$0x1470] =	vst v0  }
0x18: {  	[tilespmem:s15+$0x1450] =	vst v0  }
0x19: {  	[tilespmem:s15+$0x1460] =	vst v0  }
0x1a: {  	[spmem:s4] =	stream.linear.scatter [tilespmem:s9], [sflag:$0x1], $0xA000, $0x38;
	[tilespmem:$0x15450] =	vst v63  }
0x1b: {  	_ =	swait.ge [sflag:s10], $0xA000  }
0x1c: {  	[sflag:s10] =	ssyncset.done $0x0  }
0x1d: {  	[sflag:s10] =	ssyncadd.s32 $0xFFFF6000  }
0x1e: {  	s31 =	sadd.s32 $0x0, s8;
	[bflag:$0x0] =	sbarrier.arrive $0xFFFF  }
0x1f: {  	[tilespmem:s3], [sflag:$0x1] =	stream.linear.gather [hbm4b:s31+s3], $0x50, $0x38;
	[tilespmem:$0x15450] =	vst v63  }
0x20: {  	_ =	swait.ge [sflag:s10], $0x50  }
0x21: {  	[sflag:s10] =	ssyncset.done $0x0  }
0x22: {  	[sflag:s10] =	ssyncadd.s32 $0xFFFFFFB0  }
0x23: {  	[tilespmem:s11], [sflag:$0x1] =	stream.linear.gather [hbm4b:s7+s3], $0x1400, $0x38;
	[tilespmem:$0x15450] =	vst v63  }
0x24: {  	_ =	swait.ge [sflag:s10], $0x1400  }
0x25: {  	[sflag:s10] =	ssyncset.done $0x0  }
0x26: {  	[sflag:s10] =	ssyncadd.s32 $0xFFFFEC00  }
0x27: {  	[spmem:s2] =	stream.indirect.scatter.add.f32 [tilespmem:s11], [sflag:$0x1], $0x40, s3, s11, $0xb8;
	[tilespmem:$0x15450] =	vst v63  }
0x28: {  	s16 =	simm.s32 $0xA;
	_ =	swait.ge [sflag:s10], $0x1400  }
0x29: {  	s17 =	simm.s32 $0x14;
	s15 =	sadd.s32 $0x280, s7;
	[sflag:s10] =	ssyncset.done $0x0  }
.LBB2_4:
0x2a: {  	s18 =	sadd.s32 s16, s8  }
0x2b: {  	[sflag:s10] =	ssyncadd.s32 $0xFFFFEC00;
	s16 =	smov.u32 s17;
	s19 =	sadd.s32 $0xA, s17  }
0x2c: {  	[tilespmem:s3], [sflag:$0x1] =	stream.linear.gather [hbm4b:s18+s3], $0x50, $0x38;
	[tilespmem:$0x15450] =	vst v63  }
0x2d: {  	p0 =	sne.s32 s17, $0x4D8;
	_ =	swait.ge [sflag:s10], $0x50  }
0x2e: {  	[sflag:s10] =	ssyncset.done $0x0  }
0x2f: {  	[sflag:s10] =	ssyncadd.s32 $0xFFFFFFB0  }
0x30: {  	[tilespmem:s11], [sflag:$0x1] =	stream.linear.gather [hbm4b:s15+s3], $0x1400, $0x38;
	[tilespmem:$0x15450] =	vst v63  }
0x31: {  	_ =	swait.ge [sflag:s10], $0x1400  }
.Ltmp1:
0x32: {  	[sflag:s10] =	ssyncset.done $0x0;
	(pc) =	sbr.rel @p0 .LBB2_4-.Ltmp1, $4  }
0x33: {  	[sflag:s10] =	ssyncadd.s32 $0xFFFFEC00  }
0x34: {  	[spmem:s2] =	stream.indirect.scatter.add.f32 [tilespmem:s11], [sflag:$0x1], $0x40, s3, s11, $0xb8;
	[tilespmem:$0x15450] =	vst v63  }
0x35: {  	_ =	swait.ge [sflag:s10], $0x1400  }
0x36: {  	s17 =	smov.u32 s19;
	s15 =	sadd.s32 $0x280, s15;
	[sflag:s10] =	ssyncset.done $0x0  }
0x37: {  	s16 =	sadd.s32 s16, s8;
	[sflag:s10] =	ssyncadd.s32 $0xFFFFEC00  }
0x38: {  	[tilespmem:s3], [sflag:$0x1] =	stream.linear.gather [hbm4b:s16+s3], $0x50, $0x38;
	[tilespmem:$0x15450] =	vst v63  }
0x39: {  	_ =	swait.ge [sflag:s10], $0x50  }
0x3a: {  	[sflag:s10] =	ssyncset.done $0x0  }
0x3b: {  	[sflag:s10] =	ssyncadd.s32 $0xFFFFFFB0  }
0x3c: {  	[tilespmem:s11], [sflag:$0x1] =	stream.linear.gather [hbm4b:s15+s3], $0x1400, $0x38;
	[tilespmem:$0x15450] =	vst v63  }
0x3d: {  	_ =	swait.ge [sflag:s10], $0x1400  }
0x3e: {  	[sflag:s10] =	ssyncset.done $0x0  }
0x3f: {  	[sflag:s10] =	ssyncadd.s32 $0xFFFFEC00  }
0x40: {  	[spmem:s2] =	stream.indirect.scatter.add.f32 [tilespmem:s11], [sflag:$0x1], $0x40, s3, s11, $0xb8;
	[tilespmem:$0x15450] =	vst v63  }
0x41: {  	_ =	swait.ge [sflag:s10], $0x1400  }
0x42: {  	s14 =	sadd.s32 $0x1, s14;
	[sflag:s10] =	ssyncset.done $0x0  }
0x43: {  	p0 =	sne.s32 s14, s6;
	[sflag:s10] =	ssyncadd.s32 $0xFFFFEC00  }
.Ltmp2:
0x44: {  	[bflag:$0x0] =	sbarrier.arrive $0xFFFF;
	(pc) =	sbr.rel @p0 .LBB2_1-.Ltmp2, $4  }
0x45: {  	[hbm:s5], [sflag:s12] =	dma.local [spmem:s13], $0x1400  }
0x46: {  	_ =	swait.ge [sflag:s10], $0x1400  }
0x47: {  	[sflag:s10] =	ssyncset.done $0x0  }
0x48: {  	[sflag:s10] =	ssyncadd.s32 $0xFFFFEC00  }
0x49: {  	_ =	sfence.sel $0x180000  }
0x4a: {  	[bflag:$0x0] =	sbarrier.arrive $0xFFFF  }
0x4b: {  	p0 =	sne.s32 s0, $0x0;
	_ =	strace $0x90000050  }
0x4c: {  	s0 =	sadd.s32 @!p0 $0x100000, s1;
	[bflag:$0x2] =	sbarrier.arrive $0xFFFF  }
0x4d: {  	[sflag:s0] =	ssyncadd.tile.s32 @!p0 $0x1;
	_ =	shalt  }
.Lfunc_end2:
_tile_overlayer_lowered:
.L_overlay_start_2:
0x4e: {  	(tag) =	ssettag $0x2  }
0x4f: {  	s0 =	rddreg [dreg:$0x0];
	s2 =	stileid.u32  }
0x50: {  	s1 =	rddreg [dreg:$0x1];
	p0 =	sne.s32 s2, $0x0  }
0x51: {  	s3 =	rddreg [dreg:$0x2];
	[bflag:$0x3] =	sbarrier.arrive $0xFFFF;
	s2 =	simm.s32 @!p0 $0x1C01  }
0x52: {  	[timem:s3], [sflag:s2] =	dma.local @!p0 [hbm:s0], s1  }
0x53: {  	s0 =	simm.s32 @!p0 $0x1  }
0x54: {  	_ =	swait.ge @!p0 [sflag:s0], s1  }
0x55: {  	s1 =	ssub.s32 @!p0 $0x0, s1;
	[sflag:s0] =	ssyncset.done @!p0 $0x0  }
0x56: {  	[sflag:s0] =	ssyncadd.s32 @!p0 s1  }
0x57: {  	[bflag:$0x3] =	sbarrier.arrive $0xFFFF  }
0x58: {  	_ =	shalt  }

// kernel: kernel.15.cloned.1.call-start
scs
__scs_entry_jumppad:
0x0: {  	(pc) =	sbr.rel $0x88, $3  }
0x1: {  	(tag) =	ssettag $0x0;
	lr =	simm.s32 $0x1  }
0x2: {  	[smem:$0x3F89] =	sst lr;
	_ =	strace $0xD0000000  }
0x3: {  	_ = 	snop  }
0x4: {  	_ = 	snop  }
0x5: {  	_ = 	snop  }
0x6: {  	_ = 	snop  }
0x7: {  	_ = 	snop  }
__scs_overlays_trampoline_lowered:
0x8: {  	[smem:$0x3F98] =	sst s0  }
0x9: {  	[smem:$0x3F99] =	sst s1  }
0xa: {  	[smem:$0x3F9A] =	sst s2  }
0xb: {  	[smem:$0x3F9B] =	sst s3  }
0xc: {  	[smem:$0x3F9C] =	sst s4  }
0xd: {  	[smem:$0x3F9D] =	sst s5  }
0xe: {  	[smem:$0x3F9E] =	sst s6  }
0xf: {  	[smem:$0x3F9F] =	sst s7  }
0x10: {  	[smem:$0x3FA0] =	sst s8  }
0x11: {  	[smem:$0x3FA1] =	sst s9;
	s0 =	simm.s32 @!p0 $0x0  }
0x12: {  	s1 =	sld [smem:$0x3F87];
	s0 =	simm.s32 @p0 $0x1  }
0x13: {  	[smem:$0x3FA2] =	sst s0;
	s0 =	simm.s32 @!p1 $0x0  }
0x14: {  	s2 =	sld [smem:$0x3F86];
	s0 =	simm.s32 @p1 $0x1  }
0x15: {  	[smem:$0x3FA3] =	sst s0;
	s0 =	simm.s32 @!p2 $0x0  }
0x16: {  	s3 =	sld [smem:$0x3FDB];
	s0 =	simm.s32 @p2 $0x1  }
0x17: {  	s4 =	simm.s32 $0x1BF5;
	[smem:$0x3FA5] =	sst s0  }
0x18: {  	s0 =	sld [smem:$0x3F88];
	_ =	swait.ge [sflag:s4], $0x0  }
0x19: {  	s7 =	sld [smem:$0x3F89]  }
0x1a: {  	s8 =	sadd.s32 $0xFFFFE003, lr  }
0x1b: {  	s9 =	sadd.s32 $0xFFFFFEF7, lr;
	s5 =	simm.s32 $0xFFFFFFFF;
	p2 =	slt.u32 s8, $0xFFFFF086  }
0x1c: {  	p1 =	slt.u32 s9, $0xF7A;
	s5 =	simm.s32 @!p2 $0x0  }
0x1d: {  	s5 =	simm.s32 @p1 $0x1;
	p0 =	seq.s32 s7, s2  }
0x1e: {  	s7 =	smul.u32 @!p0 $0xF7A, s2;
	p2 =	seq.s32 @!p0 s5, $0x0  }
0x1f: {  	s9 =	smul.u32 $0xF7A, s1;
	s8 =	simm.s32 @!p0 $0x1BF5;
	p2 =	por !p2, p0  }
0x20: {  	[sflag:s8] =	ssyncset.s32 @!p0 $0xFFFFF086;
	s6 =	sadd.s32 @!p0 s3, s7;
	s7 =	simm.s32 @!p0 $0x108  }
0x21: {  	s3 =	sadd.s32 s3, s9;
	s6 =	sadd.s32 @!p0 $0x88, s6;
	s7 =	simm.s32 @p2 $0x1082  }
0x22: {  	[simem:s7], [sflag:s8] =	dma.local @!p0 [hbm:s6], $0xF7A  }
0x23: {  	s9 =	sor.u32 $0xD0000000, s2;
	s6 =	simm.s32 $0x108;
	_ =	swait.ge @!p0 [sflag:s8], $0x0  }
0x24: {  	s3 =	sadd.s32 $0x88, s3;
	s6 =	simm.s32 @!p1 $0x1082;
	[sflag:s4] =	ssyncset.s32 $0xFFFFF086  }
0x25: {  	[simem:s6], [sflag:s4] =	dma.local [hbm:s3], $0xF7A  }
0x26: {  	[smem:$0x3F89] =	sst s1;
	(tag) =	ssettag s2;
	_ =	strace s9  }
0x27: {  	s1 =	sld [smem:$0x3F99]  }
0x28: {  	s2 =	sld [smem:$0x3F9A]  }
0x29: {  	s4 =	sld [smem:$0x3F9C]  }
0x2a: {  	p0 =	seq.s32 s5, $0x0;
	s5 =	sld [smem:$0x3F9D]  }
0x2b: {  	s6 =	sld [smem:$0x3F9E]  }
0x2c: {  	s7 =	sld [smem:$0x3F9F]  }
0x2d: {  	s3 =	simm.s32 $0x108;
	s8 =	sld [smem:$0x3FA0]  }
0x2e: {  	s3 =	simm.s32 @!p0 $0x1082;
	s9 =	sld [smem:$0x3FA1]  }
0x2f: {  	lr =	sadd.s32 s0, s3;
	s0 =	sld [smem:$0x3F98]  }
0x30: {  	s3 =	sld [smem:$0x3F9B]  }
0x31: {  	[smem:$0x3FA4] =	sst s10  }
0x32: {  	s10 =	sld [smem:$0x3FA2];
	_ =	sdelay $0x3  }
0x33: {  	p0 =	seq.s32 s10, $0x1;
	s10 =	sld [smem:$0x3FA4];
	_ =	sdelay $0x3  }
0x34: {  	[smem:$0x3FA4] =	sst s10  }
0x35: {  	s10 =	sld [smem:$0x3FA3];
	_ =	sdelay $0x3  }
0x36: {  	p1 =	seq.s32 s10, $0x1;
	s10 =	sld [smem:$0x3FA4];
	_ =	sdelay $0x3  }
0x37: {  	[smem:$0x3FA4] =	sst s10  }
0x38: {  	s10 =	sld [smem:$0x3FA5]  }
0x39: {  	_ = 	snop;
	(pc) =	sbr.ind lr, $3  }
0x3a: {  	_ = 	snop  }
0x3b: {  	_ = 	snop  }
0x3c: {  	p2 =	seq.s32 s10, $0x1;
	s10 =	sld [smem:$0x3FA4]  }
0x3d: {  	_ =	shalt  }
0x3e: {  	_ =	shalt  }
0x3f: {  	_ =	shalt  }
0x40: {  	_ =	shalt  }
0x41: {  	_ =	shalt  }
0x42: {  	_ =	shalt  }
0x43: {  	_ =	shalt  }
0x44: {  	_ =	shalt  }
0x45: {  	_ =	shalt  }
0x46: {  	_ =	shalt  }
0x47: {  	_ =	shalt  }
0x48: {  	_ =	shalt  }
0x49: {  	_ =	shalt  }
0x4a: {  	_ =	shalt  }
0x4b: {  	_ =	shalt  }
0x4c: {  	_ =	shalt  }
0x4d: {  	_ =	shalt  }
0x4e: {  	_ =	shalt  }
0x4f: {  	_ =	shalt  }
0x50: {  	_ =	shalt  }
0x51: {  	_ =	shalt  }
0x52: {  	_ =	shalt  }
0x53: {  	_ =	shalt  }
0x54: {  	_ =	shalt  }
0x55: {  	_ =	shalt  }
0x56: {  	_ =	shalt  }
0x57: {  	_ =	shalt  }
0x58: {  	_ =	shalt  }
0x59: {  	_ =	shalt  }
0x5a: {  	_ =	shalt  }
0x5b: {  	_ =	shalt  }
0x5c: {  	_ =	shalt  }
0x5d: {  	_ =	shalt  }
0x5e: {  	_ =	shalt  }
0x5f: {  	_ =	shalt  }
0x60: {  	_ =	shalt  }
0x61: {  	_ =	shalt  }
0x62: {  	_ =	shalt  }
0x63: {  	_ =	shalt  }
0x64: {  	_ =	shalt  }
0x65: {  	_ =	shalt  }
0x66: {  	_ =	shalt  }
0x67: {  	_ =	shalt  }
0x68: {  	_ =	shalt  }
0x69: {  	_ =	shalt  }
0x6a: {  	_ =	shalt  }
0x6b: {  	_ =	shalt  }
0x6c: {  	_ =	shalt  }
0x6d: {  	_ =	shalt  }
0x6e: {  	_ =	shalt  }
0x6f: {  	_ =	shalt  }
0x70: {  	_ =	shalt  }
0x71: {  	_ =	shalt  }
0x72: {  	_ =	shalt  }
0x73: {  	_ =	shalt  }
0x74: {  	_ =	shalt  }
0x75: {  	_ =	shalt  }
0x76: {  	_ =	shalt  }
0x77: {  	_ =	shalt  }
0x78: {  	_ =	shalt  }
0x79: {  	_ =	shalt  }
0x7a: {  	_ =	shalt  }
0x7b: {  	_ =	shalt  }
0x7c: {  	_ =	shalt  }
0x7d: {  	_ =	shalt  }
0x7e: {  	_ =	shalt  }
0x7f: {  	_ =	shalt  }
0x80: {  	_ =	shalt  }
0x81: {  	_ =	shalt  }
0x82: {  	_ =	shalt  }
0x83: {  	_ =	shalt  }
0x84: {  	_ =	shalt  }
0x85: {  	_ =	shalt  }
0x86: {  	_ =	shalt  }
0x87: {  	_ =	shalt  }
.Lfunc_end0:
.L_simem_size_0:
called_computation.6_lowered:
.L_overlay_start_0:
0x88: {  	s2 =	sld [smem:$0x3FD9]  }
0x89: {  	s3 =	sld [smem:$0x3FFE];
	_ =	sdelay $0x1  }
0x8a: {  	s1 =	srdreg.scid  }
0x8b: {  	s0 =	sand.u32 $0x1, s1  }
0x8c: {  	s16 =	sshll.u32 s0, $0xA;
	s2 =	sadd.s32 s3, s2  }
0x8d: {  	s2 =	sadd.s32 s2, s16  }
0x8e: {  	[smem:$0x3FB0] =	sst s2  }
0x8f: {  	_ = 	snop  }
0x90: {  	(tm) =	ssettm $0x1  }
0x91: {  	s17 =	sld [smem:$0x3FFB];
	_ =	sdelay $0x3  }
0x92: {  	_ =	strace s17  }
0x93: {  	s2 =	sld [smem:$0x3FFC];
	_ =	sdelay $0x3  }
0x94: {  	_ =	strace s2  }
0x95: {  	s2 =	sld [smem:$0x3FFD];
	_ =	sdelay $0x3  }
0x96: {  	_ =	strace s2  }
0x97: {  	_ =	strace $0x8FFFFFFF  }
0x98: {  	s18 =	sld [smem:$0x3FDB];
	_ =	sdelay $0x1  }
0x99: {  	s19 =	simm.s32 $_scs_section_size  }
0x9a: {  	s4 =	simm.s32 $_size__tile_overlayer_lowered;
	s5 =	simm.s32 $_tile_overlayer_lowered  }
0x9b: {  	s22 =	simm.s32 $0x1BFF;
	s21 =	sshll.u32 s5, $0x1;
	s2 =	sadd.s32 s19, s18  }
0x9c: {  	s6 =	simm.s32 $0x0;
	s20 =	sshll.u32 s4, $0x1;
	s4 =	sadd.s32 s21, s2  }
0x9d: {  	[timem:s6], [sflag:s22] =	dma.local [hbm:s4], s20  }
0x9e: {  	_ =	swait.ge [sflag:s22], s20  }
0x9f: {  	s3 =	ssub.s32 $0x0, s20;
	[sflag:s22] =	ssyncset.done $0x0  }
0xa0: {  	[sflag:s22] =	ssyncadd.s32 s3;
	_ =	sdelay $0x1  }
0xa1: {  	s23 =	simm.s32 $0x1B8B  }
0xa2: {  	_ =	swait.ge [sflag:s23], $0x1  }
0xa3: {  	[sflag:s23] =	ssyncset.done $0x0  }
0xa4: {  	s25 =	simm.s32 $0x1B8E;
	s24 =	sld [smem:$0x3FFE];
	[sflag:s23] =	ssyncadd.s32 $0xFFFFFFFF  }
0xa5: {  	s26 =	simm.s32 $execute0_lowered;
	[smem:$0x3FD2] =	sst s25  }
0xa6: {  	s4 =	sshll.u32 s26, $0x1;
	_ =	strace $0x80000052;
	[dreg:$0x1] =	wrdreg $0xFFFFFFFF  }
0xa7: {  	s28 =	simm.s32 $_size_execute0_lowered;
	s2 =	sadd.s32 s2, s4;
	[dreg:$0x0] =	wrdreg $0x0  }
0xa8: {  	s4 =	sshll.u32 s28, $0x1;
	[dreg:$0x2] =	wrdreg s2  }
0xa9: {  	[dreg:$0x3] =	wrdreg s4  }
0xaa: {  	[dreg:$0x4] =	wrdreg $0xC0  }
0xab: {  	_ =	task [dreg:s6], $0x5FFFF  }
0xac: {  	[dreg:$0x1] =	wrdreg $0xFFFFFFFF  }
0xad: {  	[dreg:$0x0] =	wrdreg $0x60  }
0xae: {  	[dreg:$0x2] =	wrdreg s24  }
0xaf: {  	[dreg:$0x3] =	wrdreg $0x9  }
0xb0: {  	_ =	task.clear_ibuf [dreg:s6], $0x4FFFF;
	_ =	strace $0x90000052  }
0xb1: {  	s29 =	simm.s32 $0x9;
	_ =	strace $0x80000054  }
0xb2: {  	_ =	swait.ge [sflag:s29], $0x1  }
0xb3: {  	[sflag:s29] =	ssyncadd.s32 $0xFFFFFFFF  }
0xb4: {  	_ =	strace $0x90000054  }
0xb5: {  	_ =	sfence  }
0xb6: {  	s30 =	sld [smem:$0x0];
	_ =	sdelay $0x2  }
0xb7: {  	s31 =	sshll.u32 s1, $0xD;
	s1 =	sshrl.u32 s1, $0x2  }
0xb8: {  	s3 =	sand.u32 $0x4000, s31;
	s1 =	sadd.s32 s1, s30  }
0xb9: {  	s0 =	sor.u32 s3, s0;
	s1 =	sshll.u32 s1, $0x11  }
0xba: {  	s0 =	sor.u32 s1, s0  }
0xbb: {  	s0 =	sadd.s32 $0x8F2B, s0  }
0xbc: {  	[sflag:s0] =	ssyncadd.remote.s32 $0x1  }
0xbd: {  	_ =	sfence.sel $0xFFFF  }
0xbe: {  	[dreg:$0x0] =	wrdreg $0xFFFFFFFF;
	(pc) =	sbr.abs _section_cstart, $3  }
0xbf: {  	[dreg:$0x1] =	wrdreg $0xFFFFFFFF  }
0xc0: {  	_ =	task.clear_ibuf [dreg:s6], $0x2FFFF;
	_ =	strace $0x9FFFFFFF  }
0xc1: {  	(tm) =	ssettm $0x7FFFFFFF  }
tec
execute0_lowered:
.L_overlay_start_1:
0x0: {  	(tag) =	ssettag $0x1  }
0x1: {  	s1 =	srdreg.scid;
	s0 =	stileid.u32  }
0x2: {  	s4 =	rddreg [dreg:$0x0];
	s2 =	simm.s32 $0x0;
	s10 =	simm.s32 $0x5150  }
0x3: {  	s3 =	sand.u32 $0x1, s1;
	s29 =	sshll.u32 s0, $0x1;
	s1 =	rddreg [dreg:$0x1]  }
0x4: {  	s11 =	simm.s32 $0xD350;
	[smem:$0x7FF] =	sst s2;
	s5 =	sor.u32 s3, s29  }
0x5: {  	_ =	strace $0x80000053;
	s30 =	ssub.s32 $0x2, s3;
	s6 =	smul.u32 $0xA00, s5  }
0x6: {  	s7 =	smul.u32 $0x28, s5;
	s5 =	sshll.u32 s5, $0xC;
	s9 =	sshrl.u32 s30, $0x1  }
0x7: {  	s8 =	sadd.s32 s5, s4;
	s31 =	ssub.s32 s30, s9;
	s9 =	simm.s32 $0x5000  }
0x8: {  	s6 =	sadd.s32 s6, s4;
	s7 =	sadd.s32 s7, s4;
	s5 =	sadd.s32 $0x2EFA00, s8  }
0x9: {  	s12 =	simm.s32 $0x0;
	s3 =	sadd.s32 $0x2DBA00, s6;
	s4 =	sadd.s32 $0x2DB400, s7  }
0xa: {  	v0 =	vimm.f32 $-Inf;
	v1 =	vimm.f32 $0.0e+00;
	vm0 =	vmmov $0x1;
	s6 =	sadd.s32 $0x30FA00, s8;
	s7 =	smax.u32 s31, $0x1;
	s8 =	simm.s32 $0x1  }
.LBB2_1:
0xb: {  	[tilespmem:s2], [sflag:$0x1] =	stream.linear.gather [hbm4b:s3+s2], $0x5000, $0x38;
	[tilespmem:$0x15550] =	vst v63  }
0xc: {  	_ =	swait.ge [sflag:s8], $0x5000  }
0xd: {  	[sflag:s8] =	ssyncset.done $0x0  }
0xe: {  	[sflag:s8] =	ssyncadd.s32 $0xFFFFB000  }
0xf: {  	[tilespmem:s9], [sflag:$0x1] =	stream.linear.gather [hbm4b:s4+s2], $0x140, $0x38;
	[tilespmem:$0x15550] =	vst v63  }
0x10: {  	_ =	swait.ge [sflag:s8], $0x140  }
0x11: {  	[sflag:s8] =	ssyncset.done $0x0  }
0x12: {  	s13 =	simm.s32 $0x0;
	s14 =	simm.s32 $0x100;
	[sflag:s8] =	ssyncadd.s32 $0xFFFFFEC0  }
.LBB2_2:
0x13: {  	p0 =	sne.s32 s14, $0x20700;
	[tilespmem:s13+$0xD380] =	vst v1  }
0x14: {  	[tilespmem:s13+$0x5150] =	vst v0  }
0x15: {  	[tilespmem:s13+$0xD350] =	vst v1  }
.Ltmp0:
0x16: {  	[tilespmem:s13+$0x5160] =	vst v0;
	(pc) =	sbr.rel @p0 .LBB2_2-.Ltmp0, $4  }
0x17: {  	[tilespmem:s13+$0xD360] =	vst v1  }
0x18: {  	[tilespmem:s13+$0x5170] =	vst v0  }
0x19: {  	[tilespmem:s13+$0xD370] =	vst v1  }
0x1a: {  	[tilespmem:s13+$0x5180] =	vst v0;
	s13 =	sshra.s32 s14, $0x2;
	s14 =	sadd.s32 $0x100, s14  }
0x1b: {  	[tilespmem:s13+$0xD380] =	vst v1  }
0x1c: {  	[tilespmem:s13+$0x5150] =	vst v0  }
0x1d: {  	[tilespmem:s13+$0xD350] =	vst v1  }
0x1e: {  	[tilespmem:s13+$0x5160] =	vst v0  }
0x1f: {  	[tilespmem:s13+$0xD360] =	vst v1  }
0x20: {  	[tilespmem:s13+$0x5170] =	vst v0  }
0x21: {  	[tilespmem:s13+$0xD370] =	vst v1  }
0x22: {  	[tilespmem:s13+$0x5180] =	vst v0;
	s31 =	simm.s32 $0x0  }
0x23: {  	v2 =	vld [tilespmem:s31+$0x5000];
	_ =	sdelay $0x4  }
0x24: {  	v2 =	vnsel vm0, $0xFFFFFFFF, v2  }
0x25: {  	v2 =	vxor.u32 $0x80000000, v2  }
0x26: {  	(xrf0) =	vmax.scan.msk.u32 $0xffff, v2;
	_ =	sdelay $0x5  }
0x27: {  	v2, _, _ =	vpop (xrf0)  }
0x28: {  	(v2sf) =	vpush v2, $0xF;
	_ =	sdelay $0xe  }
0x29: {  	s13 =	simm.s32 $0x20;
	s14 =	spop (v2sf)  }
0x2a: {  	v2 =	vld [tilespmem:s13+$0xFFFFFFE0];
	s14 =	sshll.u32 s14, $0x6  }
0x2b: {  	v3 =	vld [tilespmem:s14+$0x5150]  }
0x2c: {  	v4 =	vld [tilespmem:s14+$0xD350];
	_ =	sdelay $0x4  }
0x2d: {  	v3 =	vmax.f32 v3, v2;
	v2 =	vadd.f32 v4, v2  }
0x2e: {  	[tilespmem:s14+$0x5150] =	vst v3;
	v3 =	vld [tilespmem:s14+$0x5160]  }
0x2f: {  	[tilespmem:s14+$0xD350] =	vst v2;
	v2 =	vld [tilespmem:s14+$0xD360]  }
0x30: {  	v61 =	vld [tilespmem:s13+$0xFFFFFFF0];
	_ =	sdelay $0x4  }
0x31: {  	v3 =	vmax.f32 v3, v61;
	v2 =	vadd.f32 v2, v61  }
0x32: {  	v62 =	vld [tilespmem:s14+$0x5170];
	[tilespmem:s14+$0x5160] =	vst v3  }
0x33: {  	[tilespmem:s14+$0xD360] =	vst v2;
	v2 =	vld [tilespmem:s14+$0xD370]  }
0x34: {  	v3 =	vld [tilespmem:s13+$0x0];
	_ =	sdelay $0x4  }
0x35: {  	v4 =	vmax.f32 v62, v3;
	v2 =	vadd.f32 v2, v3  }
0x36: {  	v63 =	vld [tilespmem:s14+$0x5180];
	[tilespmem:s14+$0x5170] =	vst v4  }
0x37: {  	v3 =	vld [tilespmem:s14+$0xD380];
	[tilespmem:s14+$0xD370] =	vst v2  }
0x38: {  	v2 =	vld [tilespmem:s13+$0x10];
	_ =	sdelay $0x4  }
0x39: {  	v4 =	vmax.f32 v63, v2;
	v2 =	vadd.f32 v3, v2  }
0x3a: {  	[tilespmem:s14+$0x5180] =	vst v4  }
0x3b: {  	s15 =	simm.s32 $0x1;
	[tilespmem:s14+$0xD380] =	vst v2  }
0x3c: {  	s14 =	simm.s32 $0x8;
	v2 =	vld [tilespmem:s15+$0x5000]  }
.LBB2_4:
0x3d: {  	p0 =	sne.s32 s14, $0x4FC;
	_ =	sdelay $0x3  }
0x3e: {  	v2 =	vnsel vm0, $0xFFFFFFFF, v2  }
0x3f: {  	v2 =	vxor.u32 $0x80000000, v2  }
0x40: {  	(xrf0) =	vmax.scan.msk.u32 $0xffff, v2;
	_ =	sdelay $0x5  }
0x41: {  	v2, _, _ =	vpop (xrf0)  }
0x42: {  	(v2sf) =	vpush v2, $0xF;
	_ =	sdelay $0xe  }
0x43: {  	s13 =	sadd.s32 $0x40, s13;
	s15 =	spop (v2sf)  }
0x44: {  	v2 =	vld [tilespmem:s13+$0xFFFFFFE0];
	s15 =	sshll.u32 s15, $0x6  }
0x45: {  	v3 =	vld [tilespmem:s15+$0x5150]  }
0x46: {  	v4 =	vld [tilespmem:s15+$0xD350]  }
0x47: {  	v5 =	vld [tilespmem:s15+$0x5170]  }
0x48: {  	v6 =	vld [tilespmem:s15+$0xD380]  }
0x49: {  	v7 =	vld [tilespmem:s15+$0x5180];
	_ =	sdelay $0x1  }
0x4a: {  	v3 =	vmax.f32 v3, v2;
	v2 =	vadd.f32 v4, v2  }
0x4b: {  	[tilespmem:s15+$0x5150] =	vst v3;
	v3 =	vld [tilespmem:s15+$0x5160]  }
0x4c: {  	[tilespmem:s15+$0xD350] =	vst v2;
	v2 =	vld [tilespmem:s15+$0xD360]  }
0x4d: {  	v4 =	vld [tilespmem:s13+$0xFFFFFFF0];
	_ =	sdelay $0x4  }
0x4e: {  	v3 =	vmax.f32 v3, v4;
	v2 =	vadd.f32 v2, v4  }
0x4f: {  	[tilespmem:s15+$0x5160] =	vst v3  }
0x50: {  	[tilespmem:s15+$0xD360] =	vst v2;
	v2 =	vld [tilespmem:s15+$0xD370]  }
0x51: {  	v3 =	vld [tilespmem:s13+$0x0];
	_ =	sdelay $0x4  }
0x52: {  	v4 =	vmax.f32 v5, v3;
	v2 =	vadd.f32 v2, v3  }
0x53: {  	[tilespmem:s15+$0x5170] =	vst v4  }
0x54: {  	[tilespmem:s15+$0xD370] =	vst v2  }
0x55: {  	v2 =	vld [tilespmem:s13+$0x10];
	_ =	sdelay $0x3  }
.Ltmp1:
0x56: {  	(pc) =	sbr.rel @p0 .LBB2_4-.Ltmp1, $4  }
0x57: {  	v3 =	vmax.f32 v7, v2;
	v2 =	vadd.f32 v6, v2  }
0x58: {  	[tilespmem:s15+$0x5180] =	vst v3  }
0x59: {  	s16 =	sshra.s32 s14, $0x2;
	[tilespmem:s15+$0xD380] =	vst v2  }
0x5a: {  	s14 =	sadd.s32 $0x4, s14;
	v2 =	vld [tilespmem:s16+$0x5000]  }
0x5b: {  	_ =	sdelay $0x3  }
0x5c: {  	v2 =	vnsel vm0, $0xFFFFFFFF, v2  }
0x5d: {  	v2 =	vxor.u32 $0x80000000, v2  }
0x5e: {  	(xrf0) =	vmax.scan.msk.u32 $0xffff, v2;
	_ =	sdelay $0x5  }
0x5f: {  	v2, _, _ =	vpop (xrf0)  }
0x60: {  	(v2sf) =	vpush v2, $0xF;
	_ =	sdelay $0xe  }
0x61: {  	s13 =	sadd.s32 $0x40, s13;
	s14 =	spop (v2sf)  }
0x62: {  	v2 =	vld [tilespmem:s13+$0xFFFFFFE0];
	s14 =	sshll.u32 s14, $0x6  }
0x63: {  	v3 =	vld [tilespmem:s14+$0x5150]  }
0x64: {  	v4 =	vld [tilespmem:s14+$0xD350];
	_ =	sdelay $0x4  }
0x65: {  	v3 =	vmax.f32 v3, v2;
	v2 =	vadd.f32 v4, v2  }
0x66: {  	[tilespmem:s14+$0x5150] =	vst v3;
	v3 =	vld [tilespmem:s14+$0x5160]  }
0x67: {  	[tilespmem:s14+$0xD350] =	vst v2;
	v2 =	vld [tilespmem:s14+$0xD360]  }
0x68: {  	v61 =	vld [tilespmem:s13+$0xFFFFFFF0];
	_ =	sdelay $0x4  }
0x69: {  	v3 =	vmax.f32 v3, v61;
	v2 =	vadd.f32 v2, v61  }
0x6a: {  	v62 =	vld [tilespmem:s14+$0x5170];
	[tilespmem:s14+$0x5160] =	vst v3  }
0x6b: {  	[tilespmem:s14+$0xD360] =	vst v2;
	v2 =	vld [tilespmem:s14+$0xD370]  }
0x6c: {  	v3 =	vld [tilespmem:s13+$0x0];
	_ =	sdelay $0x4  }
0x6d: {  	v4 =	vmax.f32 v62, v3;
	v2 =	vadd.f32 v2, v3  }
0x6e: {  	v63 =	vld [tilespmem:s14+$0x5180];
	[tilespmem:s14+$0x5170] =	vst v4  }
0x6f: {  	v3 =	vld [tilespmem:s14+$0xD380];
	[tilespmem:s14+$0xD370] =	vst v2  }
0x70: {  	v2 =	vld [tilespmem:s13+$0x10];
	_ =	sdelay $0x4  }
0x71: {  	v4 =	vmax.f32 v63, v2;
	v2 =	vadd.f32 v3, v2  }
0x72: {  	[tilespmem:s14+$0x5180] =	vst v4  }
0x73: {  	[tilespmem:s14+$0xD380] =	vst v2  }
0x74: {  	[hbm4b:s5+s2] =	stream.linear.scatter [tilespmem:s10], [sflag:$0x1], $0x8000, $0x38;
	[tilespmem:$0x15550] =	vst v63  }
0x75: {  	s12 =	sadd.s32 $0x1, s12;
	_ =	swait.ge [sflag:s8], $0x8000  }
0x76: {  	p0 =	sne.s32 s12, s7;
	[sflag:s8] =	ssyncset.done $0x0  }
.Ltmp2:
0x77: {  	[sflag:s8] =	ssyncadd.s32 $0xFFFF8000;
	(pc) =	sbr.rel @p0 .LBB2_1-.Ltmp2, $4  }
0x78: {  	[hbm4b:s6+s2] =	stream.linear.scatter [tilespmem:s11], [sflag:$0x1], $0x8000, $0x38;
	[tilespmem:$0x15550] =	vst v63  }
0x79: {  	_ =	swait.ge [sflag:s8], $0x8000  }
0x7a: {  	[sflag:s8] =	ssyncset.done $0x0  }
0x7b: {  	[sflag:s8] =	ssyncadd.s32 $0xFFFF8000  }
0x7c: {  	_ =	sfence.sel $0x180000  }
0x7d: {  	[bflag:$0x0] =	sbarrier.arrive $0xFFFF  }
0x7e: {  	p0 =	sne.s32 s0, $0x0;
	_ =	strace $0x90000053  }
0x7f: {  	s0 =	sadd.s32 @!p0 $0x100000, s1;
	[bflag:$0x2] =	sbarrier.arrive $0xFFFF  }
0x80: {  	[sflag:s0] =	ssyncadd.tile.s32 @!p0 $0x1;
	_ =	shalt  }
.Lfunc_end2:
_tile_overlayer_lowered:
.L_overlay_start_2:
0x81: {  	(tag) =	ssettag $0x2  }
0x82: {  	s0 =	rddreg [dreg:$0x0];
	s2 =	stileid.u32  }
0x83: {  	s1 =	rddreg [dreg:$0x1];
	p0 =	sne.s32 s2, $0x0  }
0x84: {  	s3 =	rddreg [dreg:$0x2];
	[bflag:$0x3] =	sbarrier.arrive $0xFFFF;
	s2 =	simm.s32 @!p0 $0x1C01  }
0x85: {  	[timem:s3], [sflag:s2] =	dma.local @!p0 [hbm:s0], s1  }
0x86: {  	s0 =	simm.s32 @!p0 $0x1  }
0x87: {  	_ =	swait.ge @!p0 [sflag:s0], s1  }
0x88: {  	s1 =	ssub.s32 @!p0 $0x0, s1;
	[sflag:s0] =	ssyncset.done @!p0 $0x0  }
0x89: {  	[sflag:s0] =	ssyncadd.s32 @!p0 s1  }
0x8a: {  	[bflag:$0x3] =	sbarrier.arrive $0xFFFF  }
0x8b: {  	_ =	shalt  }

// kernel: kernel.18.cloned.1.call-start
scs
__scs_entry_jumppad:
0x0: {  	(pc) =	sbr.rel $0x88, $3  }
0x1: {  	(tag) =	ssettag $0x0;
	lr =	simm.s32 $0x1  }
0x2: {  	[smem:$0x3F89] =	sst lr;
	_ =	strace $0xD0000000  }
0x3: {  	_ = 	snop  }
0x4: {  	_ = 	snop  }
0x5: {  	_ = 	snop  }
0x6: {  	_ = 	snop  }
0x7: {  	_ = 	snop  }
__scs_overlays_trampoline_lowered:
0x8: {  	[smem:$0x3F98] =	sst s0  }
0x9: {  	[smem:$0x3F99] =	sst s1  }
0xa: {  	[smem:$0x3F9A] =	sst s2  }
0xb: {  	[smem:$0x3F9B] =	sst s3  }
0xc: {  	[smem:$0x3F9C] =	sst s4  }
0xd: {  	[smem:$0x3F9D] =	sst s5  }
0xe: {  	[smem:$0x3F9E] =	sst s6  }
0xf: {  	[smem:$0x3F9F] =	sst s7  }
0x10: {  	[smem:$0x3FA0] =	sst s8  }
0x11: {  	[smem:$0x3FA1] =	sst s9;
	s0 =	simm.s32 @!p0 $0x0  }
0x12: {  	s1 =	sld [smem:$0x3F87];
	s0 =	simm.s32 @p0 $0x1  }
0x13: {  	[smem:$0x3FA2] =	sst s0;
	s0 =	simm.s32 @!p1 $0x0  }
0x14: {  	s2 =	sld [smem:$0x3F86];
	s0 =	simm.s32 @p1 $0x1  }
0x15: {  	[smem:$0x3FA3] =	sst s0;
	s0 =	simm.s32 @!p2 $0x0  }
0x16: {  	s3 =	sld [smem:$0x3FDB];
	s0 =	simm.s32 @p2 $0x1  }
0x17: {  	s4 =	simm.s32 $0x1BF5;
	[smem:$0x3FA5] =	sst s0  }
0x18: {  	s0 =	sld [smem:$0x3F88];
	_ =	swait.ge [sflag:s4], $0x0  }
0x19: {  	s7 =	sld [smem:$0x3F89]  }
0x1a: {  	s8 =	sadd.s32 $0xFFFFE003, lr  }
0x1b: {  	s9 =	sadd.s32 $0xFFFFFEF7, lr;
	s5 =	simm.s32 $0xFFFFFFFF;
	p2 =	slt.u32 s8, $0xFFFFF086  }
0x1c: {  	p1 =	slt.u32 s9, $0xF7A;
	s5 =	simm.s32 @!p2 $0x0  }
0x1d: {  	s5 =	simm.s32 @p1 $0x1;
	p0 =	seq.s32 s7, s2  }
0x1e: {  	s7 =	smul.u32 @!p0 $0xF7A, s2;
	p2 =	seq.s32 @!p0 s5, $0x0  }
0x1f: {  	s9 =	smul.u32 $0xF7A, s1;
	s8 =	simm.s32 @!p0 $0x1BF5;
	p2 =	por !p2, p0  }
0x20: {  	[sflag:s8] =	ssyncset.s32 @!p0 $0xFFFFF086;
	s6 =	sadd.s32 @!p0 s3, s7;
	s7 =	simm.s32 @!p0 $0x108  }
0x21: {  	s3 =	sadd.s32 s3, s9;
	s6 =	sadd.s32 @!p0 $0x88, s6;
	s7 =	simm.s32 @p2 $0x1082  }
0x22: {  	[simem:s7], [sflag:s8] =	dma.local @!p0 [hbm:s6], $0xF7A  }
0x23: {  	s9 =	sor.u32 $0xD0000000, s2;
	s6 =	simm.s32 $0x108;
	_ =	swait.ge @!p0 [sflag:s8], $0x0  }
0x24: {  	s3 =	sadd.s32 $0x88, s3;
	s6 =	simm.s32 @!p1 $0x1082;
	[sflag:s4] =	ssyncset.s32 $0xFFFFF086  }
0x25: {  	[simem:s6], [sflag:s4] =	dma.local [hbm:s3], $0xF7A  }
0x26: {  	[smem:$0x3F89] =	sst s1;
	(tag) =	ssettag s2;
	_ =	strace s9  }
0x27: {  	s1 =	sld [smem:$0x3F99]  }
0x28: {  	s2 =	sld [smem:$0x3F9A]  }
0x29: {  	s4 =	sld [smem:$0x3F9C]  }
0x2a: {  	p0 =	seq.s32 s5, $0x0;
	s5 =	sld [smem:$0x3F9D]  }
0x2b: {  	s6 =	sld [smem:$0x3F9E]  }
0x2c: {  	s7 =	sld [smem:$0x3F9F]  }
0x2d: {  	s3 =	simm.s32 $0x108;
	s8 =	sld [smem:$0x3FA0]  }
0x2e: {  	s3 =	simm.s32 @!p0 $0x1082;
	s9 =	sld [smem:$0x3FA1]  }
0x2f: {  	lr =	sadd.s32 s0, s3;
	s0 =	sld [smem:$0x3F98]  }
0x30: {  	s3 =	sld [smem:$0x3F9B]  }
0x31: {  	[smem:$0x3FA4] =	sst s10  }
0x32: {  	s10 =	sld [smem:$0x3FA2];
	_ =	sdelay $0x3  }
0x33: {  	p0 =	seq.s32 s10, $0x1;
	s10 =	sld [smem:$0x3FA4];
	_ =	sdelay $0x3  }
0x34: {  	[smem:$0x3FA4] =	sst s10  }
0x35: {  	s10 =	sld [smem:$0x3FA3];
	_ =	sdelay $0x3  }
0x36: {  	p1 =	seq.s32 s10, $0x1;
	s10 =	sld [smem:$0x3FA4];
	_ =	sdelay $0x3  }
0x37: {  	[smem:$0x3FA4] =	sst s10  }
0x38: {  	s10 =	sld [smem:$0x3FA5]  }
0x39: {  	_ = 	snop;
	(pc) =	sbr.ind lr, $3  }
0x3a: {  	_ = 	snop  }
0x3b: {  	_ = 	snop  }
0x3c: {  	p2 =	seq.s32 s10, $0x1;
	s10 =	sld [smem:$0x3FA4]  }
0x3d: {  	_ =	shalt  }
0x3e: {  	_ =	shalt  }
0x3f: {  	_ =	shalt  }
0x40: {  	_ =	shalt  }
0x41: {  	_ =	shalt  }
0x42: {  	_ =	shalt  }
0x43: {  	_ =	shalt  }
0x44: {  	_ =	shalt  }
0x45: {  	_ =	shalt  }
0x46: {  	_ =	shalt  }
0x47: {  	_ =	shalt  }
0x48: {  	_ =	shalt  }
0x49: {  	_ =	shalt  }
0x4a: {  	_ =	shalt  }
0x4b: {  	_ =	shalt  }
0x4c: {  	_ =	shalt  }
0x4d: {  	_ =	shalt  }
0x4e: {  	_ =	shalt  }
0x4f: {  	_ =	shalt  }
0x50: {  	_ =	shalt  }
0x51: {  	_ =	shalt  }
0x52: {  	_ =	shalt  }
0x53: {  	_ =	shalt  }
0x54: {  	_ =	shalt  }
0x55: {  	_ =	shalt  }
0x56: {  	_ =	shalt  }
0x57: {  	_ =	shalt  }
0x58: {  	_ =	shalt  }
0x59: {  	_ =	shalt  }
0x5a: {  	_ =	shalt  }
0x5b: {  	_ =	shalt  }
0x5c: {  	_ =	shalt  }
0x5d: {  	_ =	shalt  }
0x5e: {  	_ =	shalt  }
0x5f: {  	_ =	shalt  }
0x60: {  	_ =	shalt  }
0x61: {  	_ =	shalt  }
0x62: {  	_ =	shalt  }
0x63: {  	_ =	shalt  }
0x64: {  	_ =	shalt  }
0x65: {  	_ =	shalt  }
0x66: {  	_ =	shalt  }
0x67: {  	_ =	shalt  }
0x68: {  	_ =	shalt  }
0x69: {  	_ =	shalt  }
0x6a: {  	_ =	shalt  }
0x6b: {  	_ =	shalt  }
0x6c: {  	_ =	shalt  }
0x6d: {  	_ =	shalt  }
0x6e: {  	_ =	shalt  }
0x6f: {  	_ =	shalt  }
0x70: {  	_ =	shalt  }
0x71: {  	_ =	shalt  }
0x72: {  	_ =	shalt  }
0x73: {  	_ =	shalt  }
0x74: {  	_ =	shalt  }
0x75: {  	_ =	shalt  }
0x76: {  	_ =	shalt  }
0x77: {  	_ =	shalt  }
0x78: {  	_ =	shalt  }
0x79: {  	_ =	shalt  }
0x7a: {  	_ =	shalt  }
0x7b: {  	_ =	shalt  }
0x7c: {  	_ =	shalt  }
0x7d: {  	_ =	shalt  }
0x7e: {  	_ =	shalt  }
0x7f: {  	_ =	shalt  }
0x80: {  	_ =	shalt  }
0x81: {  	_ =	shalt  }
0x82: {  	_ =	shalt  }
0x83: {  	_ =	shalt  }
0x84: {  	_ =	shalt  }
0x85: {  	_ =	shalt  }
0x86: {  	_ =	shalt  }
0x87: {  	_ =	shalt  }
.Lfunc_end0:
.L_simem_size_0:
called_computation.7_lowered:
.L_overlay_start_0:
0x88: {  	s2 =	sld [smem:$0x3FD9]  }
0x89: {  	s3 =	sld [smem:$0x3FFE];
	_ =	sdelay $0x1  }
0x8a: {  	s1 =	srdreg.scid  }
0x8b: {  	s0 =	sand.u32 $0x1, s1  }
0x8c: {  	s16 =	sshll.u32 s0, $0xA;
	s2 =	sadd.s32 s3, s2  }
0x8d: {  	s2 =	sadd.s32 s2, s16  }
0x8e: {  	[smem:$0x3FB0] =	sst s2  }
0x8f: {  	_ = 	snop  }
0x90: {  	(tm) =	ssettm $0x1  }
0x91: {  	s17 =	sld [smem:$0x3FFB];
	_ =	sdelay $0x3  }
0x92: {  	_ =	strace s17  }
0x93: {  	s2 =	sld [smem:$0x3FFC];
	_ =	sdelay $0x3  }
0x94: {  	_ =	strace s2  }
0x95: {  	s2 =	sld [smem:$0x3FFD];
	_ =	sdelay $0x3  }
0x96: {  	_ =	strace s2  }
0x97: {  	_ =	strace $0x8FFFFFFF  }
0x98: {  	s18 =	sld [smem:$0x3FDB];
	_ =	sdelay $0x1  }
0x99: {  	s19 =	simm.s32 $_scs_section_size  }
0x9a: {  	s4 =	simm.s32 $_size__tile_overlayer_lowered;
	s5 =	simm.s32 $_tile_overlayer_lowered  }
0x9b: {  	s22 =	simm.s32 $0x1BFF;
	s21 =	sshll.u32 s5, $0x1;
	s2 =	sadd.s32 s19, s18  }
0x9c: {  	s6 =	simm.s32 $0x0;
	s20 =	sshll.u32 s4, $0x1;
	s4 =	sadd.s32 s21, s2  }
0x9d: {  	[timem:s6], [sflag:s22] =	dma.local [hbm:s4], s20  }
0x9e: {  	_ =	swait.ge [sflag:s22], s20  }
0x9f: {  	s3 =	ssub.s32 $0x0, s20;
	[sflag:s22] =	ssyncset.done $0x0  }
0xa0: {  	[sflag:s22] =	ssyncadd.s32 s3;
	_ =	sdelay $0x1  }
0xa1: {  	s23 =	simm.s32 $0x1B8B  }
0xa2: {  	_ =	swait.ge [sflag:s23], $0x1  }
0xa3: {  	[sflag:s23] =	ssyncset.done $0x0  }
0xa4: {  	s25 =	simm.s32 $0x1B8E;
	s24 =	sld [smem:$0x3FFE];
	[sflag:s23] =	ssyncadd.s32 $0xFFFFFFFF  }
0xa5: {  	s26 =	simm.s32 $execute0_lowered;
	[smem:$0x3FD2] =	sst s25  }
0xa6: {  	s4 =	sshll.u32 s26, $0x1;
	_ =	strace $0x80000055;
	[dreg:$0x1] =	wrdreg $0xFFFFFFFF  }
0xa7: {  	s28 =	simm.s32 $_size_execute0_lowered;
	s2 =	sadd.s32 s2, s4;
	[dreg:$0x0] =	wrdreg $0x0  }
0xa8: {  	s4 =	sshll.u32 s28, $0x1;
	[dreg:$0x2] =	wrdreg s2  }
0xa9: {  	[dreg:$0x3] =	wrdreg s4  }
0xaa: {  	[dreg:$0x4] =	wrdreg $0xC0  }
0xab: {  	_ =	task [dreg:s6], $0x5FFFF  }
0xac: {  	[dreg:$0x1] =	wrdreg $0xFFFFFFFF  }
0xad: {  	[dreg:$0x0] =	wrdreg $0x60  }
0xae: {  	[dreg:$0x2] =	wrdreg s24  }
0xaf: {  	[dreg:$0x3] =	wrdreg $0x9  }
0xb0: {  	_ =	task.clear_ibuf [dreg:s6], $0x4FFFF;
	_ =	strace $0x90000055  }
0xb1: {  	s29 =	simm.s32 $0x9;
	_ =	strace $0x80000057  }
0xb2: {  	_ =	swait.ge [sflag:s29], $0x1  }
0xb3: {  	[sflag:s29] =	ssyncadd.s32 $0xFFFFFFFF  }
0xb4: {  	_ =	strace $0x90000057  }
0xb5: {  	_ =	sfence  }
0xb6: {  	s30 =	sld [smem:$0x0];
	_ =	sdelay $0x2  }
0xb7: {  	s31 =	sshll.u32 s1, $0xD;
	s1 =	sshrl.u32 s1, $0x2  }
0xb8: {  	s3 =	sand.u32 $0x4000, s31;
	s1 =	sadd.s32 s1, s30  }
0xb9: {  	s0 =	sor.u32 s3, s0;
	s1 =	sshll.u32 s1, $0x11  }
0xba: {  	s0 =	sor.u32 s1, s0  }
0xbb: {  	s0 =	sadd.s32 $0x8F2B, s0  }
0xbc: {  	[sflag:s0] =	ssyncadd.remote.s32 $0x1  }
0xbd: {  	_ =	sfence.sel $0xFFFF  }
0xbe: {  	[dreg:$0x0] =	wrdreg $0xFFFFFFFF;
	(pc) =	sbr.abs _section_cstart, $3  }
0xbf: {  	[dreg:$0x1] =	wrdreg $0xFFFFFFFF  }
0xc0: {  	_ =	task.clear_ibuf [dreg:s6], $0x2FFFF;
	_ =	strace $0x9FFFFFFF  }
0xc1: {  	(tm) =	ssettm $0x7FFFFFFF  }
tec
execute0_lowered:
.L_overlay_start_1:
0x0: {  	(tag) =	ssettag $0x1  }
0x1: {  	s1 =	srdreg.scid;
	s0 =	stileid.u32  }
0x2: {  	s14 =	sand.u32 $0x1, s1;
	s28 =	sshll.u32 s0, $0x1  }
0x3: {  	s8 =	sor.u32 s14, s28  }
0x4: {  	s9 =	rddreg [dreg:$0x0];
	s13 =	smul.u32 $0x140, s8  }
0x5: {  	s2 =	simm.s32 $0x0;
	s1 =	rddreg [dreg:$0x1]  }
0x6: {  	[smem:$0x7FF] =	sst s2;
	s15 =	sadd.s32 $0x2DB400, s9;
	s3 =	sshrl.u32 s13, $0x3  }
0x7: {  	_ =	strace $0x80000056;
	s4 =	sadd.s32 s15, s3;
	s3 =	simm.s32 $0x2  }
0x8: {  	[tilespmem:s2], [sflag:$0x2] =	stream.linear.gather [hbm4b:s4+s2], $0x50, $0x38;
	[tilespmem:$0x1450] =	vst v63  }
0x9: {  	_ =	swait.ge [sflag:s3], $0x50  }
0xa: {  	s6 =	simm.s32 $0x50;
	[sflag:s3] =	ssyncset.done $0x0  }
0xb: {  	s7 =	simm.s32 $0x1;
	s5 =	sadd.s32 $0x2DBA00, s9;
	[sflag:s3] =	ssyncadd.s32 $0xFFFFFFB0  }
0xc: {  	[tilespmem:s6], [sflag:$0x1] =	stream.indirect.gather [hbm4b:s5+s6], $0x40, s2, s6, $0xb8;
	[tilespmem:$0x1450] =	vst v63  }
0xd: {  	s8 =	smul.u32 $0xA00, s8;
	_ =	swait.ge [sflag:s7], $0x1400  }
0xe: {  	s16 =	sadd.s32 $0x2DCC00, s9;
	[sflag:s7] =	ssyncset.done $0x0  }
0xf: {  	s8 =	sadd.s32 s16, s8;
	[sflag:s7] =	ssyncadd.s32 $0xFFFFEC00  }
0x10: {  	[hbm4b:s8+s2] =	stream.linear.scatter [tilespmem:s6], [sflag:$0x2], $0x1400, $0x38;
	[tilespmem:$0x1450] =	vst v63  }
0x11: {  	s10 =	sadd.s32 $0x50, s13;
	_ =	swait.ge [sflag:s3], $0x1400  }
0x12: {  	s29 =	sshrl.u32 s10, $0x3;
	[sflag:s3] =	ssyncset.done $0x0  }
0x13: {  	s9 =	sadd.s32 s15, s29;
	[sflag:s3] =	ssyncadd.s32 $0xFFFFEC00  }
0x14: {  	[tilespmem:s2], [sflag:$0x2] =	stream.linear.gather [hbm4b:s9+s2], $0x50, $0x38;
	[tilespmem:$0x1450] =	vst v63  }
0x15: {  	_ =	swait.ge [sflag:s3], $0x50  }
0x16: {  	[sflag:s3] =	ssyncset.done $0x0  }
0x17: {  	[sflag:s3] =	ssyncadd.s32 $0xFFFFFFB0  }
0x18: {  	[tilespmem:s6], [sflag:$0x1] =	stream.indirect.gather [hbm4b:s5+s6], $0x40, s2, s6, $0xb8;
	[tilespmem:$0x1450] =	vst v63  }
0x19: {  	_ =	swait.ge [sflag:s7], $0x1400  }
0x1a: {  	s10 =	sshll.u32 s10, $0x3;
	[sflag:s7] =	ssyncset.done $0x0  }
0x1b: {  	s10 =	sadd.s32 s16, s10;
	[sflag:s7] =	ssyncadd.s32 $0xFFFFEC00  }
0x1c: {  	[hbm4b:s10+s2] =	stream.linear.scatter [tilespmem:s6], [sflag:$0x2], $0x1400, $0x38;
	[tilespmem:$0x1450] =	vst v63  }
0x1d: {  	s12 =	sadd.s32 $0xA0, s13;
	_ =	swait.ge [sflag:s3], $0x1400  }
0x1e: {  	s11 =	sshrl.u32 s12, $0x3;
	[sflag:s3] =	ssyncset.done $0x0  }
0x1f: {  	s11 =	sadd.s32 s15, s11;
	[sflag:s3] =	ssyncadd.s32 $0xFFFFEC00  }
0x20: {  	[tilespmem:s2], [sflag:$0x2] =	stream.linear.gather [hbm4b:s11+s2], $0x50, $0x38;
	[tilespmem:$0x1450] =	vst v63  }
0x21: {  	_ =	swait.ge [sflag:s3], $0x50  }
0x22: {  	[sflag:s3] =	ssyncset.done $0x0  }
0x23: {  	[sflag:s3] =	ssyncadd.s32 $0xFFFFFFB0  }
0x24: {  	[tilespmem:s6], [sflag:$0x1] =	stream.indirect.gather [hbm4b:s5+s6], $0x40, s2, s6, $0xb8;
	[tilespmem:$0x1450] =	vst v63  }
0x25: {  	_ =	swait.ge [sflag:s7], $0x1400  }
0x26: {  	s12 =	sshll.u32 s12, $0x3;
	[sflag:s7] =	ssyncset.done $0x0  }
0x27: {  	s12 =	sadd.s32 s16, s12;
	[sflag:s7] =	ssyncadd.s32 $0xFFFFEC00  }
0x28: {  	[hbm4b:s12+s2] =	stream.linear.scatter [tilespmem:s6], [sflag:$0x2], $0x1400, $0x38;
	[tilespmem:$0x1450] =	vst v63  }
0x29: {  	s17 =	sadd.s32 $0xF0, s13;
	_ =	swait.ge [sflag:s3], $0x1400  }
0x2a: {  	s13 =	sshrl.u32 s17, $0x3;
	[sflag:s3] =	ssyncset.done $0x0  }
0x2b: {  	s14 =	ssub.s32 $0x2, s14;
	s13 =	sadd.s32 s15, s13;
	[sflag:s3] =	ssyncadd.s32 $0xFFFFEC00  }
0x2c: {  	[tilespmem:s2], [sflag:$0x2] =	stream.linear.gather [hbm4b:s13+s2], $0x50, $0x38;
	[tilespmem:$0x1450] =	vst v63  }
0x2d: {  	s30 =	sshrl.u32 s14, $0x1;
	_ =	swait.ge [sflag:s3], $0x50  }
0x2e: {  	s15 =	ssub.s32 s14, s30;
	[sflag:s3] =	ssyncset.done $0x0  }
0x2f: {  	s15 =	smax.u32 s15, $0x1;
	[sflag:s3] =	ssyncadd.s32 $0xFFFFFFB0  }
0x30: {  	[tilespmem:s6], [sflag:$0x1] =	stream.indirect.gather [hbm4b:s5+s6], $0x40, s2, s6, $0xb8;
	[tilespmem:$0x1450] =	vst v63  }
0x31: {  	p0 =	sne.s32 s15, $0x1;
	_ =	swait.ge [sflag:s7], $0x1400  }
.Ltmp0:
0x32: {  	s31 =	sshll.u32 s17, $0x3;
	[sflag:s7] =	ssyncset.done $0x0;
	(pc) =	sbr.rel @!p0 .LBB2_2-.Ltmp0, $4  }
0x33: {  	s14 =	sadd.s32 s16, s31;
	[sflag:s7] =	ssyncadd.s32 $0xFFFFEC00  }
0x34: {  	[hbm4b:s14+s2] =	stream.linear.scatter [tilespmem:s6], [sflag:$0x2], $0x1400, $0x38;
	[tilespmem:$0x1450] =	vst v63  }
0x35: {  	_ =	swait.ge [sflag:s3], $0x1400  }
0x36: {  	s15 =	sadd.s32 $0xFFFFFFFF, s15;
	[sflag:s3] =	ssyncset.done $0x0  }
.LBB2_1:
0x37: {  	p0 =	sne.s32 s15, $0x1;
	s15 =	sadd.s32 $0xFFFFFFFF, s15;
	[sflag:s3] =	ssyncadd.s32 $0xFFFFEC00  }
0x38: {  	[tilespmem:s2], [sflag:$0x2] =	stream.linear.gather [hbm4b:s4+s2], $0x50, $0x38;
	[tilespmem:$0x1450] =	vst v63  }
0x39: {  	_ =	swait.ge [sflag:s3], $0x50  }
0x3a: {  	[sflag:s3] =	ssyncset.done $0x0  }
0x3b: {  	[sflag:s3] =	ssyncadd.s32 $0xFFFFFFB0  }
0x3c: {  	[tilespmem:s6], [sflag:$0x1] =	stream.indirect.gather [hbm4b:s5+s6], $0x40, s2, s6, $0xb8;
	[tilespmem:$0x1450] =	vst v63  }
0x3d: {  	_ =	swait.ge [sflag:s7], $0x1400  }
0x3e: {  	[sflag:s7] =	ssyncset.done $0x0  }
0x3f: {  	[sflag:s7] =	ssyncadd.s32 $0xFFFFEC00  }
0x40: {  	[hbm4b:s8+s2] =	stream.linear.scatter [tilespmem:s6], [sflag:$0x2], $0x1400, $0x38;
	[tilespmem:$0x1450] =	vst v63  }
0x41: {  	_ =	swait.ge [sflag:s3], $0x1400  }
0x42: {  	[sflag:s3] =	ssyncset.done $0x0  }
0x43: {  	[sflag:s3] =	ssyncadd.s32 $0xFFFFEC00  }
0x44: {  	[tilespmem:s2], [sflag:$0x2] =	stream.linear.gather [hbm4b:s9+s2], $0x50, $0x38;
	[tilespmem:$0x1450] =	vst v63  }
0x45: {  	_ =	swait.ge [sflag:s3], $0x50  }
0x46: {  	[sflag:s3] =	ssyncset.done $0x0  }
0x47: {  	[sflag:s3] =	ssyncadd.s32 $0xFFFFFFB0  }
0x48: {  	[tilespmem:s6], [sflag:$0x1] =	stream.indirect.gather [hbm4b:s5+s6], $0x40, s2, s6, $0xb8;
	[tilespmem:$0x1450] =	vst v63  }
0x49: {  	_ =	swait.ge [sflag:s7], $0x1400  }
0x4a: {  	[sflag:s7] =	ssyncset.done $0x0  }
0x4b: {  	[sflag:s7] =	ssyncadd.s32 $0xFFFFEC00  }
0x4c: {  	[hbm4b:s10+s2] =	stream.linear.scatter [tilespmem:s6], [sflag:$0x2], $0x1400, $0x38;
	[tilespmem:$0x1450] =	vst v63  }
0x4d: {  	_ =	swait.ge [sflag:s3], $0x1400  }
0x4e: {  	[sflag:s3] =	ssyncset.done $0x0  }
0x4f: {  	[sflag:s3] =	ssyncadd.s32 $0xFFFFEC00  }
0x50: {  	[tilespmem:s2], [sflag:$0x2] =	stream.linear.gather [hbm4b:s11+s2], $0x50, $0x38;
	[tilespmem:$0x1450] =	vst v63  }
0x51: {  	_ =	swait.ge [sflag:s3], $0x50  }
0x52: {  	[sflag:s3] =	ssyncset.done $0x0  }
0x53: {  	[sflag:s3] =	ssyncadd.s32 $0xFFFFFFB0  }
0x54: {  	[tilespmem:s6], [sflag:$0x1] =	stream.indirect.gather [hbm4b:s5+s6], $0x40, s2, s6, $0xb8;
	[tilespmem:$0x1450] =	vst v63  }
0x55: {  	_ =	swait.ge [sflag:s7], $0x1400  }
0x56: {  	[sflag:s7] =	ssyncset.done $0x0  }
0x57: {  	[sflag:s7] =	ssyncadd.s32 $0xFFFFEC00  }
0x58: {  	[hbm4b:s12+s2] =	stream.linear.scatter [tilespmem:s6], [sflag:$0x2], $0x1400, $0x38;
	[tilespmem:$0x1450] =	vst v63  }
0x59: {  	_ =	swait.ge [sflag:s3], $0x1400  }
0x5a: {  	[sflag:s3] =	ssyncset.done $0x0  }
0x5b: {  	[sflag:s3] =	ssyncadd.s32 $0xFFFFEC00  }
0x5c: {  	[tilespmem:s2], [sflag:$0x2] =	stream.linear.gather [hbm4b:s13+s2], $0x50, $0x38;
	[tilespmem:$0x1450] =	vst v63  }
0x5d: {  	_ =	swait.ge [sflag:s3], $0x50  }
0x5e: {  	[sflag:s3] =	ssyncset.done $0x0  }
0x5f: {  	[sflag:s3] =	ssyncadd.s32 $0xFFFFFFB0  }
0x60: {  	[tilespmem:s6], [sflag:$0x1] =	stream.indirect.gather [hbm4b:s5+s6], $0x40, s2, s6, $0xb8;
	[tilespmem:$0x1450] =	vst v63  }
0x61: {  	_ =	swait.ge [sflag:s7], $0x1400  }
.Ltmp1:
0x62: {  	[sflag:s7] =	ssyncset.done $0x0;
	(pc) =	sbr.rel @p0 .LBB2_1-.Ltmp1, $4  }
0x63: {  	[sflag:s7] =	ssyncadd.s32 $0xFFFFEC00  }
0x64: {  	[hbm4b:s14+s2] =	stream.linear.scatter [tilespmem:s6], [sflag:$0x2], $0x1400, $0x38;
	[tilespmem:$0x1450] =	vst v63  }
0x65: {  	_ =	swait.ge [sflag:s3], $0x1400  }
0x66: {  	[sflag:s3] =	ssyncset.done $0x0  }
.LBB2_2:
0x67: {  	[sflag:s3] =	ssyncadd.s32 $0xFFFFEC00  }
0x68: {  	_ =	sfence.sel $0x180000  }
0x69: {  	[bflag:$0x0] =	sbarrier.arrive $0xFFFF  }
0x6a: {  	p0 =	sne.s32 s0, $0x0;
	_ =	strace $0x90000056  }
0x6b: {  	s0 =	sadd.s32 @!p0 $0x100000, s1;
	[bflag:$0x2] =	sbarrier.arrive $0xFFFF  }
0x6c: {  	[sflag:s0] =	ssyncadd.tile.s32 @!p0 $0x1;
	_ =	shalt  }
.Lfunc_end2:
_tile_overlayer_lowered:
.L_overlay_start_2:
0x6d: {  	(tag) =	ssettag $0x2  }
0x6e: {  	s0 =	rddreg [dreg:$0x0];
	s2 =	stileid.u32  }
0x6f: {  	s1 =	rddreg [dreg:$0x1];
	p0 =	sne.s32 s2, $0x0  }
0x70: {  	s3 =	rddreg [dreg:$0x2];
	[bflag:$0x3] =	sbarrier.arrive $0xFFFF;
	s2 =	simm.s32 @!p0 $0x1C02  }
0x71: {  	[timem:s3], [sflag:s2] =	dma.local @!p0 [hbm:s0], s1  }
0x72: {  	s0 =	simm.s32 @!p0 $0x2  }
0x73: {  	_ =	swait.ge @!p0 [sflag:s0], s1  }
0x74: {  	s1 =	ssub.s32 @!p0 $0x0, s1;
	[sflag:s0] =	ssyncset.done @!p0 $0x0  }
0x75: {  	[sflag:s0] =	ssyncadd.s32 @!p0 s1  }
0x76: {  	[bflag:$0x3] =	sbarrier.arrive $0xFFFF  }
0x77: {  	_ =	shalt  }

// kernel: kernel.21.cloned.1.call-start
scs
__scs_entry_jumppad:
0x0: {  	(pc) =	sbr.rel $0x88, $3  }
0x1: {  	(tag) =	ssettag $0x0;
	lr =	simm.s32 $0x1  }
0x2: {  	[smem:$0x3F89] =	sst lr;
	_ =	strace $0xD0000000  }
0x3: {  	_ = 	snop  }
0x4: {  	_ = 	snop  }
0x5: {  	_ = 	snop  }
0x6: {  	_ = 	snop  }
0x7: {  	_ = 	snop  }
__scs_overlays_trampoline_lowered:
0x8: {  	[smem:$0x3F98] =	sst s0  }
0x9: {  	[smem:$0x3F99] =	sst s1  }
0xa: {  	[smem:$0x3F9A] =	sst s2  }
0xb: {  	[smem:$0x3F9B] =	sst s3  }
0xc: {  	[smem:$0x3F9C] =	sst s4  }
0xd: {  	[smem:$0x3F9D] =	sst s5  }
0xe: {  	[smem:$0x3F9E] =	sst s6  }
0xf: {  	[smem:$0x3F9F] =	sst s7  }
0x10: {  	[smem:$0x3FA0] =	sst s8  }
0x11: {  	[smem:$0x3FA1] =	sst s9;
	s0 =	simm.s32 @!p0 $0x0  }
0x12: {  	s1 =	sld [smem:$0x3F87];
	s0 =	simm.s32 @p0 $0x1  }
0x13: {  	[smem:$0x3FA2] =	sst s0;
	s0 =	simm.s32 @!p1 $0x0  }
0x14: {  	s2 =	sld [smem:$0x3F86];
	s0 =	simm.s32 @p1 $0x1  }
0x15: {  	[smem:$0x3FA3] =	sst s0;
	s0 =	simm.s32 @!p2 $0x0  }
0x16: {  	s3 =	sld [smem:$0x3FDB];
	s0 =	simm.s32 @p2 $0x1  }
0x17: {  	s4 =	simm.s32 $0x1BF5;
	[smem:$0x3FA5] =	sst s0  }
0x18: {  	s0 =	sld [smem:$0x3F88];
	_ =	swait.ge [sflag:s4], $0x0  }
0x19: {  	s7 =	sld [smem:$0x3F89]  }
0x1a: {  	s8 =	sadd.s32 $0xFFFFE003, lr  }
0x1b: {  	s9 =	sadd.s32 $0xFFFFFEF7, lr;
	s5 =	simm.s32 $0xFFFFFFFF;
	p2 =	slt.u32 s8, $0xFFFFF086  }
0x1c: {  	p1 =	slt.u32 s9, $0xF7A;
	s5 =	simm.s32 @!p2 $0x0  }
0x1d: {  	s5 =	simm.s32 @p1 $0x1;
	p0 =	seq.s32 s7, s2  }
0x1e: {  	s7 =	smul.u32 @!p0 $0xF7A, s2;
	p2 =	seq.s32 @!p0 s5, $0x0  }
0x1f: {  	s9 =	smul.u32 $0xF7A, s1;
	s8 =	simm.s32 @!p0 $0x1BF5;
	p2 =	por !p2, p0  }
0x20: {  	[sflag:s8] =	ssyncset.s32 @!p0 $0xFFFFF086;
	s6 =	sadd.s32 @!p0 s3, s7;
	s7 =	simm.s32 @!p0 $0x108  }
0x21: {  	s3 =	sadd.s32 s3, s9;
	s6 =	sadd.s32 @!p0 $0x88, s6;
	s7 =	simm.s32 @p2 $0x1082  }
0x22: {  	[simem:s7], [sflag:s8] =	dma.local @!p0 [hbm:s6], $0xF7A  }
0x23: {  	s9 =	sor.u32 $0xD0000000, s2;
	s6 =	simm.s32 $0x108;
	_ =	swait.ge @!p0 [sflag:s8], $0x0  }
0x24: {  	s3 =	sadd.s32 $0x88, s3;
	s6 =	simm.s32 @!p1 $0x1082;
	[sflag:s4] =	ssyncset.s32 $0xFFFFF086  }
0x25: {  	[simem:s6], [sflag:s4] =	dma.local [hbm:s3], $0xF7A  }
0x26: {  	[smem:$0x3F89] =	sst s1;
	(tag) =	ssettag s2;
	_ =	strace s9  }
0x27: {  	s1 =	sld [smem:$0x3F99]  }
0x28: {  	s2 =	sld [smem:$0x3F9A]  }
0x29: {  	s4 =	sld [smem:$0x3F9C]  }
0x2a: {  	p0 =	seq.s32 s5, $0x0;
	s5 =	sld [smem:$0x3F9D]  }
0x2b: {  	s6 =	sld [smem:$0x3F9E]  }
0x2c: {  	s7 =	sld [smem:$0x3F9F]  }
0x2d: {  	s3 =	simm.s32 $0x108;
	s8 =	sld [smem:$0x3FA0]  }
0x2e: {  	s3 =	simm.s32 @!p0 $0x1082;
	s9 =	sld [smem:$0x3FA1]  }
0x2f: {  	lr =	sadd.s32 s0, s3;
	s0 =	sld [smem:$0x3F98]  }
0x30: {  	s3 =	sld [smem:$0x3F9B]  }
0x31: {  	[smem:$0x3FA4] =	sst s10  }
0x32: {  	s10 =	sld [smem:$0x3FA2];
	_ =	sdelay $0x3  }
0x33: {  	p0 =	seq.s32 s10, $0x1;
	s10 =	sld [smem:$0x3FA4];
	_ =	sdelay $0x3  }
0x34: {  	[smem:$0x3FA4] =	sst s10  }
0x35: {  	s10 =	sld [smem:$0x3FA3];
	_ =	sdelay $0x3  }
0x36: {  	p1 =	seq.s32 s10, $0x1;
	s10 =	sld [smem:$0x3FA4];
	_ =	sdelay $0x3  }
0x37: {  	[smem:$0x3FA4] =	sst s10  }
0x38: {  	s10 =	sld [smem:$0x3FA5]  }
0x39: {  	_ = 	snop;
	(pc) =	sbr.ind lr, $3  }
0x3a: {  	_ = 	snop  }
0x3b: {  	_ = 	snop  }
0x3c: {  	p2 =	seq.s32 s10, $0x1;
	s10 =	sld [smem:$0x3FA4]  }
0x3d: {  	_ =	shalt  }
0x3e: {  	_ =	shalt  }
0x3f: {  	_ =	shalt  }
0x40: {  	_ =	shalt  }
0x41: {  	_ =	shalt  }
0x42: {  	_ =	shalt  }
0x43: {  	_ =	shalt  }
0x44: {  	_ =	shalt  }
0x45: {  	_ =	shalt  }
0x46: {  	_ =	shalt  }
0x47: {  	_ =	shalt  }
0x48: {  	_ =	shalt  }
0x49: {  	_ =	shalt  }
0x4a: {  	_ =	shalt  }
0x4b: {  	_ =	shalt  }
0x4c: {  	_ =	shalt  }
0x4d: {  	_ =	shalt  }
0x4e: {  	_ =	shalt  }
0x4f: {  	_ =	shalt  }
0x50: {  	_ =	shalt  }
0x51: {  	_ =	shalt  }
0x52: {  	_ =	shalt  }
0x53: {  	_ =	shalt  }
0x54: {  	_ =	shalt  }
0x55: {  	_ =	shalt  }
0x56: {  	_ =	shalt  }
0x57: {  	_ =	shalt  }
0x58: {  	_ =	shalt  }
0x59: {  	_ =	shalt  }
0x5a: {  	_ =	shalt  }
0x5b: {  	_ =	shalt  }
0x5c: {  	_ =	shalt  }
0x5d: {  	_ =	shalt  }
0x5e: {  	_ =	shalt  }
0x5f: {  	_ =	shalt  }
0x60: {  	_ =	shalt  }
0x61: {  	_ =	shalt  }
0x62: {  	_ =	shalt  }
0x63: {  	_ =	shalt  }
0x64: {  	_ =	shalt  }
0x65: {  	_ =	shalt  }
0x66: {  	_ =	shalt  }
0x67: {  	_ =	shalt  }
0x68: {  	_ =	shalt  }
0x69: {  	_ =	shalt  }
0x6a: {  	_ =	shalt  }
0x6b: {  	_ =	shalt  }
0x6c: {  	_ =	shalt  }
0x6d: {  	_ =	shalt  }
0x6e: {  	_ =	shalt  }
0x6f: {  	_ =	shalt  }
0x70: {  	_ =	shalt  }
0x71: {  	_ =	shalt  }
0x72: {  	_ =	shalt  }
0x73: {  	_ =	shalt  }
0x74: {  	_ =	shalt  }
0x75: {  	_ =	shalt  }
0x76: {  	_ =	shalt  }
0x77: {  	_ =	shalt  }
0x78: {  	_ =	shalt  }
0x79: {  	_ =	shalt  }
0x7a: {  	_ =	shalt  }
0x7b: {  	_ =	shalt  }
0x7c: {  	_ =	shalt  }
0x7d: {  	_ =	shalt  }
0x7e: {  	_ =	shalt  }
0x7f: {  	_ =	shalt  }
0x80: {  	_ =	shalt  }
0x81: {  	_ =	shalt  }
0x82: {  	_ =	shalt  }
0x83: {  	_ =	shalt  }
0x84: {  	_ =	shalt  }
0x85: {  	_ =	shalt  }
0x86: {  	_ =	shalt  }
0x87: {  	_ =	shalt  }
.Lfunc_end0:
.L_simem_size_0:
called_computation.8_lowered:
.L_overlay_start_0:
0x88: {  	s2 =	sld [smem:$0x3FD9]  }
0x89: {  	s3 =	sld [smem:$0x3FFE];
	_ =	sdelay $0x1  }
0x8a: {  	s1 =	srdreg.scid  }
0x8b: {  	s0 =	sand.u32 $0x1, s1  }
0x8c: {  	s16 =	sshll.u32 s0, $0xA;
	s2 =	sadd.s32 s3, s2  }
0x8d: {  	s2 =	sadd.s32 s2, s16  }
0x8e: {  	[smem:$0x3FB0] =	sst s2  }
0x8f: {  	_ = 	snop  }
0x90: {  	(tm) =	ssettm $0x1  }
0x91: {  	s17 =	sld [smem:$0x3FFB];
	_ =	sdelay $0x3  }
0x92: {  	_ =	strace s17  }
0x93: {  	s2 =	sld [smem:$0x3FFC];
	_ =	sdelay $0x3  }
0x94: {  	_ =	strace s2  }
0x95: {  	s2 =	sld [smem:$0x3FFD];
	_ =	sdelay $0x3  }
0x96: {  	_ =	strace s2  }
0x97: {  	_ =	strace $0x8FFFFFFF  }
0x98: {  	s18 =	sld [smem:$0x3FDB];
	_ =	sdelay $0x1  }
0x99: {  	s19 =	simm.s32 $_scs_section_size  }
0x9a: {  	s4 =	simm.s32 $_size__tile_overlayer_lowered;
	s5 =	simm.s32 $_tile_overlayer_lowered  }
0x9b: {  	s22 =	simm.s32 $0x1BFF;
	s21 =	sshll.u32 s5, $0x1;
	s2 =	sadd.s32 s19, s18  }
0x9c: {  	s6 =	simm.s32 $0x0;
	s20 =	sshll.u32 s4, $0x1;
	s4 =	sadd.s32 s21, s2  }
0x9d: {  	[timem:s6], [sflag:s22] =	dma.local [hbm:s4], s20  }
0x9e: {  	_ =	swait.ge [sflag:s22], s20  }
0x9f: {  	s3 =	ssub.s32 $0x0, s20;
	[sflag:s22] =	ssyncset.done $0x0  }
0xa0: {  	[sflag:s22] =	ssyncadd.s32 s3;
	_ =	sdelay $0x1  }
0xa1: {  	s23 =	simm.s32 $0x1B8B  }
0xa2: {  	_ =	swait.ge [sflag:s23], $0x1  }
0xa3: {  	[sflag:s23] =	ssyncset.done $0x0  }
0xa4: {  	s25 =	simm.s32 $0x1B8E;
	s24 =	sld [smem:$0x3FFE];
	[sflag:s23] =	ssyncadd.s32 $0xFFFFFFFF  }
0xa5: {  	s26 =	simm.s32 $execute0_lowered;
	[smem:$0x3FD2] =	sst s25  }
0xa6: {  	s4 =	sshll.u32 s26, $0x1;
	_ =	strace $0x80000058;
	[dreg:$0x1] =	wrdreg $0xFFFFFFFF  }
0xa7: {  	s28 =	simm.s32 $_size_execute0_lowered;
	s2 =	sadd.s32 s2, s4;
	[dreg:$0x0] =	wrdreg $0x0  }
0xa8: {  	s4 =	sshll.u32 s28, $0x1;
	[dreg:$0x2] =	wrdreg s2  }
0xa9: {  	[dreg:$0x3] =	wrdreg s4  }
0xaa: {  	[dreg:$0x4] =	wrdreg $0xC0  }
0xab: {  	_ =	task [dreg:s6], $0x5FFFF  }
0xac: {  	[dreg:$0x1] =	wrdreg $0xFFFFFFFF  }
0xad: {  	[dreg:$0x0] =	wrdreg $0x60  }
0xae: {  	[dreg:$0x2] =	wrdreg s24  }
0xaf: {  	[dreg:$0x3] =	wrdreg $0x9  }
0xb0: {  	_ =	task.clear_ibuf [dreg:s6], $0x4FFFF;
	_ =	strace $0x90000058  }
0xb1: {  	s29 =	simm.s32 $0x9;
	_ =	strace $0x8000005A  }
0xb2: {  	_ =	swait.ge [sflag:s29], $0x1  }
0xb3: {  	[sflag:s29] =	ssyncadd.s32 $0xFFFFFFFF  }
0xb4: {  	_ =	strace $0x9000005A  }
0xb5: {  	_ =	sfence  }
0xb6: {  	s30 =	sld [smem:$0x0];
	_ =	sdelay $0x2  }
0xb7: {  	s31 =	sshll.u32 s1, $0xD;
	s1 =	sshrl.u32 s1, $0x2  }
0xb8: {  	s3 =	sand.u32 $0x4000, s31;
	s1 =	sadd.s32 s1, s30  }
0xb9: {  	s0 =	sor.u32 s3, s0;
	s1 =	sshll.u32 s1, $0x11  }
0xba: {  	s0 =	sor.u32 s1, s0  }
0xbb: {  	s0 =	sadd.s32 $0x8F2B, s0  }
0xbc: {  	[sflag:s0] =	ssyncadd.remote.s32 $0x1  }
0xbd: {  	_ =	sfence.sel $0xFFFF  }
0xbe: {  	[dreg:$0x0] =	wrdreg $0xFFFFFFFF;
	(pc) =	sbr.abs _section_cstart, $3  }
0xbf: {  	[dreg:$0x1] =	wrdreg $0xFFFFFFFF  }
0xc0: {  	_ =	task.clear_ibuf [dreg:s6], $0x2FFFF;
	_ =	strace $0x9FFFFFFF  }
0xc1: {  	(tm) =	ssettm $0x7FFFFFFF  }
tec
execute0_lowered:
.L_overlay_start_1:
0x0: {  	(tag) =	ssettag $0x1  }
0x1: {  	s4 =	rddreg [dreg:$0x0]  }
0x2: {  	s0 =	rddreg [dreg:$0x1];
	s2 =	simm.s32 $0x0  }
0x3: {  	s3 =	srdreg.scid;
	s1 =	stileid.u32;
	s11 =	simm.s32 $0xA0  }
0x4: {  	s12 =	simm.s32 $0x14A0;
	s13 =	simm.s32 $0x1;
	s6 =	smul.u32 $0x4E20, s1  }
0x5: {  	s14 =	simm.s32 $0x2;
	s5 =	sand.u32 $0x1, s3;
	s8 =	smul.u32 $0x27100, s1  }
0x6: {  	s15 =	simm.s32 $0x0;
	[smem:$0x7FF] =	sst s2;
	s7 =	smul.u32 $0x2710, s5  }
0x7: {  	s3 =	sadd.s32 $0x303A00, s4;
	s29 =	ssub.s32 $0x2, s5;
	s5 =	smul.u32 $0x13880, s5  }
0x8: {  	_ =	strace $0x80000059;
	s8 =	sadd.s32 s8, s4;
	s9 =	sshrl.u32 s29, $0x1  }
0x9: {  	s6 =	sadd.s32 s7, s6;
	s30 =	ssub.s32 s29, s9;
	s31 =	sadd.s32 s5, s8  }
0xa: {  	s9 =	simm.s32 $0x50;
	s6 =	sshrl.u32 s6, $0x3;
	s5 =	sadd.s32 $0x1A400, s31  }
0xb: {  	s10 =	sadd.s32 s6, s4;
	s4 =	smax.u32 s30, $0x1;
	s6 =	sadd.s32 $0x670E00, s31  }
0xc: {  	s7 =	sadd.s32 $0x6800, s10;
	s8 =	sadd.s32 $0x10600, s10;
	s10 =	simm.s32 $0x3  }
.LBB2_1:
0xd: {  	s16 =	sadd.s32 $0x0, s8  }
0xe: {  	[tilespmem:s9], [sflag:$0x3] =	stream.linear.gather [hbm4b:s16+s2], $0x50, $0x38;
	[tilespmem:$0x28A0] =	vst v63  }
0xf: {  	_ =	swait.ge [sflag:s10], $0x50  }
0x10: {  	[sflag:s10] =	ssyncset.done $0x0  }
0x11: {  	s31 =	sadd.s32 $0x0, s7;
	[sflag:s10] =	ssyncadd.s32 $0xFFFFFFB0  }
0x12: {  	[tilespmem:s2], [sflag:$0x3] =	stream.linear.gather [hbm4b:s31+s2], $0x50, $0x38;
	[tilespmem:$0x28A0] =	vst v63  }
0x13: {  	_ =	swait.ge [sflag:s10], $0x50  }
0x14: {  	[sflag:s10] =	ssyncset.done $0x0  }
0x15: {  	[sflag:s10] =	ssyncadd.s32 $0xFFFFFFB0  }
0x16: {  	[tilespmem:s11], [sflag:$0x1] =	stream.indirect.gather [hbm4b:s3+s9], $0x40, s9, s9, $0xb8;
	[tilespmem:$0x28A0] =	vst v63  }
0x17: {  	_ = 	snop  }
0x18: {  	[tilespmem:s12], [sflag:$0x2] =	stream.indirect.gather [hbm4b:s3+s9], $0x40, s2, s9, $0xb8;
	[tilespmem:$0x28A0] =	vst v63  }
0x19: {  	_ =	swait.ge [sflag:s13], $0x1400  }
0x1a: {  	[sflag:s13] =	ssyncset.done $0x0  }
0x1b: {  	[sflag:s13] =	ssyncadd.s32 $0xFFFFEC00  }
0x1c: {  	_ =	swait.ge [sflag:s14], $0x1400  }
0x1d: {  	[sflag:s14] =	ssyncset.done $0x0  }
0x1e: {  	[sflag:s14] =	ssyncadd.s32 $0xFFFFEC00  }
0x1f: {  	[hbm4b:s6+s2] =	stream.linear.scatter [tilespmem:s11], [sflag:$0x3], $0x1400, $0x38;
	[tilespmem:$0x28A0] =	vst v63  }
0x20: {  	_ =	swait.ge [sflag:s10], $0x1400  }
0x21: {  	[sflag:s10] =	ssyncset.done $0x0  }
0x22: {  	[sflag:s10] =	ssyncadd.s32 $0xFFFFEC00  }
0x23: {  	[hbm4b:s5+s2] =	stream.linear.scatter [tilespmem:s12], [sflag:$0x3], $0x1400, $0x38;
	[tilespmem:$0x28A0] =	vst v63  }
0x24: {  	s18 =	simm.s32 $0xA;
	s19 =	simm.s32 $0x14;
	_ =	swait.ge [sflag:s10], $0x1400  }
0x25: {  	s17 =	sadd.s32 $0x280, s6;
	s16 =	sadd.s32 $0x280, s5;
	[sflag:s10] =	ssyncset.done $0x0  }
.LBB2_2:
0x26: {  	s20 =	sadd.s32 s18, s8  }
0x27: {  	[sflag:s10] =	ssyncadd.s32 $0xFFFFEC00;
	s21 =	smov.u32 s19;
	s22 =	sadd.s32 $0xA, s19  }
0x28: {  	[tilespmem:s9], [sflag:$0x3] =	stream.linear.gather [hbm4b:s20+s2], $0x50, $0x38;
	[tilespmem:$0x28A0] =	vst v63  }
0x29: {  	p0 =	sne.s32 s19, $0x4D8;
	_ =	swait.ge [sflag:s10], $0x50  }
0x2a: {  	[sflag:s10] =	ssyncset.done $0x0  }
0x2b: {  	s19 =	sadd.s32 s18, s7;
	s18 =	smov.u32 s21;
	[sflag:s10] =	ssyncadd.s32 $0xFFFFFFB0  }
0x2c: {  	[tilespmem:s2], [sflag:$0x3] =	stream.linear.gather [hbm4b:s19+s2], $0x50, $0x38;
	[tilespmem:$0x28A0] =	vst v63  }
0x2d: {  	_ =	swait.ge [sflag:s10], $0x50  }
0x2e: {  	[sflag:s10] =	ssyncset.done $0x0  }
0x2f: {  	[sflag:s10] =	ssyncadd.s32 $0xFFFFFFB0  }
0x30: {  	[tilespmem:s11], [sflag:$0x1] =	stream.indirect.gather [hbm4b:s3+s9], $0x40, s9, s9, $0xb8;
	[tilespmem:$0x28A0] =	vst v63  }
0x31: {  	_ = 	snop  }
0x32: {  	[tilespmem:s12], [sflag:$0x2] =	stream.indirect.gather [hbm4b:s3+s9], $0x40, s2, s9, $0xb8;
	[tilespmem:$0x28A0] =	vst v63  }
0x33: {  	_ =	swait.ge [sflag:s13], $0x1400  }
0x34: {  	[sflag:s13] =	ssyncset.done $0x0  }
0x35: {  	[sflag:s13] =	ssyncadd.s32 $0xFFFFEC00  }
0x36: {  	_ =	swait.ge [sflag:s14], $0x1400  }
0x37: {  	[sflag:s14] =	ssyncset.done $0x0  }
0x38: {  	[sflag:s14] =	ssyncadd.s32 $0xFFFFEC00  }
0x39: {  	[hbm4b:s17+s2] =	stream.linear.scatter [tilespmem:s11], [sflag:$0x3], $0x1400, $0x38;
	[tilespmem:$0x28A0] =	vst v63  }
0x3a: {  	_ =	swait.ge [sflag:s10], $0x1400  }
.Ltmp0:
0x3b: {  	[sflag:s10] =	ssyncset.done $0x0;
	(pc) =	sbr.rel @p0 .LBB2_2-.Ltmp0, $4  }
0x3c: {  	[sflag:s10] =	ssyncadd.s32 $0xFFFFEC00  }
0x3d: {  	[hbm4b:s16+s2] =	stream.linear.scatter [tilespmem:s12], [sflag:$0x3], $0x1400, $0x38;
	[tilespmem:$0x28A0] =	vst v63  }
0x3e: {  	s19 =	smov.u32 s22;
	_ =	swait.ge [sflag:s10], $0x1400  }
0x3f: {  	s17 =	sadd.s32 $0x280, s17;
	s16 =	sadd.s32 $0x280, s16;
	[sflag:s10] =	ssyncset.done $0x0  }
0x40: {  	s19 =	sadd.s32 s18, s8;
	[sflag:s10] =	ssyncadd.s32 $0xFFFFEC00  }
0x41: {  	[tilespmem:s9], [sflag:$0x3] =	stream.linear.gather [hbm4b:s19+s2], $0x50, $0x38;
	[tilespmem:$0x28A0] =	vst v63  }
0x42: {  	_ =	swait.ge [sflag:s10], $0x50  }
0x43: {  	[sflag:s10] =	ssyncset.done $0x0  }
0x44: {  	s31 =	sadd.s32 s18, s7;
	[sflag:s10] =	ssyncadd.s32 $0xFFFFFFB0  }
0x45: {  	[tilespmem:s2], [sflag:$0x3] =	stream.linear.gather [hbm4b:s31+s2], $0x50, $0x38;
	[tilespmem:$0x28A0] =	vst v63  }
0x46: {  	_ =	swait.ge [sflag:s10], $0x50  }
0x47: {  	[sflag:s10] =	ssyncset.done $0x0  }
0x48: {  	[sflag:s10] =	ssyncadd.s32 $0xFFFFFFB0  }
0x49: {  	[tilespmem:s11], [sflag:$0x1] =	stream.indirect.gather [hbm4b:s3+s9], $0x40, s9, s9, $0xb8;
	[tilespmem:$0x28A0] =	vst v63  }
0x4a: {  	_ = 	snop  }
0x4b: {  	[tilespmem:s12], [sflag:$0x2] =	stream.indirect.gather [hbm4b:s3+s9], $0x40, s2, s9, $0xb8;
	[tilespmem:$0x28A0] =	vst v63  }
0x4c: {  	_ =	swait.ge [sflag:s13], $0x1400  }
0x4d: {  	[sflag:s13] =	ssyncset.done $0x0  }
0x4e: {  	[sflag:s13] =	ssyncadd.s32 $0xFFFFEC00  }
0x4f: {  	_ =	swait.ge [sflag:s14], $0x1400  }
0x50: {  	[sflag:s14] =	ssyncset.done $0x0  }
0x51: {  	[sflag:s14] =	ssyncadd.s32 $0xFFFFEC00  }
0x52: {  	[hbm4b:s17+s2] =	stream.linear.scatter [tilespmem:s11], [sflag:$0x3], $0x1400, $0x38;
	[tilespmem:$0x28A0] =	vst v63  }
0x53: {  	s15 =	sadd.s32 $0x1, s15;
	_ =	swait.ge [sflag:s10], $0x1400  }
0x54: {  	p0 =	sne.s32 s15, s4;
	[sflag:s10] =	ssyncset.done $0x0  }
.Ltmp1:
0x55: {  	[sflag:s10] =	ssyncadd.s32 $0xFFFFEC00;
	(pc) =	sbr.rel @p0 .LBB2_1-.Ltmp1, $4  }
0x56: {  	[hbm4b:s16+s2] =	stream.linear.scatter [tilespmem:s12], [sflag:$0x3], $0x1400, $0x38;
	[tilespmem:$0x28A0] =	vst v63  }
0x57: {  	_ =	swait.ge [sflag:s10], $0x1400  }
0x58: {  	[sflag:s10] =	ssyncset.done $0x0  }
0x59: {  	[sflag:s10] =	ssyncadd.s32 $0xFFFFEC00  }
0x5a: {  	_ =	sfence.sel $0x180000  }
0x5b: {  	[bflag:$0x0] =	sbarrier.arrive $0xFFFF  }
0x5c: {  	p0 =	sne.s32 s1, $0x0;
	_ =	strace $0x90000059  }
0x5d: {  	s0 =	sadd.s32 @!p0 $0x100000, s0;
	[bflag:$0x2] =	sbarrier.arrive $0xFFFF  }
0x5e: {  	[sflag:s0] =	ssyncadd.tile.s32 @!p0 $0x1;
	_ =	shalt  }
.Lfunc_end2:
_tile_overlayer_lowered:
.L_overlay_start_2:
0x5f: {  	(tag) =	ssettag $0x2  }
0x60: {  	s0 =	rddreg [dreg:$0x0];
	s2 =	stileid.u32  }
0x61: {  	s1 =	rddreg [dreg:$0x1];
	p0 =	sne.s32 s2, $0x0  }
0x62: {  	s3 =	rddreg [dreg:$0x2];
	[bflag:$0x3] =	sbarrier.arrive $0xFFFF;
	s2 =	simm.s32 @!p0 $0x1C03  }
0x63: {  	[timem:s3], [sflag:s2] =	dma.local @!p0 [hbm:s0], s1  }
0x64: {  	s0 =	simm.s32 @!p0 $0x3  }
0x65: {  	_ =	swait.ge @!p0 [sflag:s0], s1  }
0x66: {  	s1 =	ssub.s32 @!p0 $0x0, s1;
	[sflag:s0] =	ssyncset.done @!p0 $0x0  }
0x67: {  	[sflag:s0] =	ssyncadd.s32 @!p0 s1  }
0x68: {  	[bflag:$0x3] =	sbarrier.arrive $0xFFFF  }
0x69: {  	_ =	shalt  }

// kernel: kernel.24.cloned.1.call-start
scs
__scs_entry_jumppad:
0x0: {  	(pc) =	sbr.rel $0x88, $3  }
0x1: {  	(tag) =	ssettag $0x0;
	lr =	simm.s32 $0x1  }
0x2: {  	[smem:$0x3F89] =	sst lr;
	_ =	strace $0xD0000000  }
0x3: {  	_ = 	snop  }
0x4: {  	_ = 	snop  }
0x5: {  	_ = 	snop  }
0x6: {  	_ = 	snop  }
0x7: {  	_ = 	snop  }
__scs_overlays_trampoline_lowered:
0x8: {  	[smem:$0x3F98] =	sst s0  }
0x9: {  	[smem:$0x3F99] =	sst s1  }
0xa: {  	[smem:$0x3F9A] =	sst s2  }
0xb: {  	[smem:$0x3F9B] =	sst s3  }
0xc: {  	[smem:$0x3F9C] =	sst s4  }
0xd: {  	[smem:$0x3F9D] =	sst s5  }
0xe: {  	[smem:$0x3F9E] =	sst s6  }
0xf: {  	[smem:$0x3F9F] =	sst s7  }
0x10: {  	[smem:$0x3FA0] =	sst s8  }
0x11: {  	[smem:$0x3FA1] =	sst s9;
	s0 =	simm.s32 @!p0 $0x0  }
0x12: {  	s1 =	sld [smem:$0x3F87];
	s0 =	simm.s32 @p0 $0x1  }
0x13: {  	[smem:$0x3FA2] =	sst s0;
	s0 =	simm.s32 @!p1 $0x0  }
0x14: {  	s2 =	sld [smem:$0x3F86];
	s0 =	simm.s32 @p1 $0x1  }
0x15: {  	[smem:$0x3FA3] =	sst s0;
	s0 =	simm.s32 @!p2 $0x0  }
0x16: {  	s3 =	sld [smem:$0x3FDB];
	s0 =	simm.s32 @p2 $0x1  }
0x17: {  	s4 =	simm.s32 $0x1BF5;
	[smem:$0x3FA5] =	sst s0  }
0x18: {  	s0 =	sld [smem:$0x3F88];
	_ =	swait.ge [sflag:s4], $0x0  }
0x19: {  	s7 =	sld [smem:$0x3F89]  }
0x1a: {  	s8 =	sadd.s32 $0xFFFFE003, lr  }
0x1b: {  	s9 =	sadd.s32 $0xFFFFFEF7, lr;
	s5 =	simm.s32 $0xFFFFFFFF;
	p2 =	slt.u32 s8, $0xFFFFF086  }
0x1c: {  	p1 =	slt.u32 s9, $0xF7A;
	s5 =	simm.s32 @!p2 $0x0  }
0x1d: {  	s5 =	simm.s32 @p1 $0x1;
	p0 =	seq.s32 s7, s2  }
0x1e: {  	s7 =	smul.u32 @!p0 $0xF7A, s2;
	p2 =	seq.s32 @!p0 s5, $0x0  }
0x1f: {  	s9 =	smul.u32 $0xF7A, s1;
	s8 =	simm.s32 @!p0 $0x1BF5;
	p2 =	por !p2, p0  }
0x20: {  	[sflag:s8] =	ssyncset.s32 @!p0 $0xFFFFF086;
	s6 =	sadd.s32 @!p0 s3, s7;
	s7 =	simm.s32 @!p0 $0x108  }
0x21: {  	s3 =	sadd.s32 s3, s9;
	s6 =	sadd.s32 @!p0 $0x88, s6;
	s7 =	simm.s32 @p2 $0x1082  }
0x22: {  	[simem:s7], [sflag:s8] =	dma.local @!p0 [hbm:s6], $0xF7A  }
0x23: {  	s9 =	sor.u32 $0xD0000000, s2;
	s6 =	simm.s32 $0x108;
	_ =	swait.ge @!p0 [sflag:s8], $0x0  }
0x24: {  	s3 =	sadd.s32 $0x88, s3;
	s6 =	simm.s32 @!p1 $0x1082;
	[sflag:s4] =	ssyncset.s32 $0xFFFFF086  }
0x25: {  	[simem:s6], [sflag:s4] =	dma.local [hbm:s3], $0xF7A  }
0x26: {  	[smem:$0x3F89] =	sst s1;
	(tag) =	ssettag s2;
	_ =	strace s9  }
0x27: {  	s1 =	sld [smem:$0x3F99]  }
0x28: {  	s2 =	sld [smem:$0x3F9A]  }
0x29: {  	s4 =	sld [smem:$0x3F9C]  }
0x2a: {  	p0 =	seq.s32 s5, $0x0;
	s5 =	sld [smem:$0x3F9D]  }
0x2b: {  	s6 =	sld [smem:$0x3F9E]  }
0x2c: {  	s7 =	sld [smem:$0x3F9F]  }
0x2d: {  	s3 =	simm.s32 $0x108;
	s8 =	sld [smem:$0x3FA0]  }
0x2e: {  	s3 =	simm.s32 @!p0 $0x1082;
	s9 =	sld [smem:$0x3FA1]  }
0x2f: {  	lr =	sadd.s32 s0, s3;
	s0 =	sld [smem:$0x3F98]  }
0x30: {  	s3 =	sld [smem:$0x3F9B]  }
0x31: {  	[smem:$0x3FA4] =	sst s10  }
0x32: {  	s10 =	sld [smem:$0x3FA2];
	_ =	sdelay $0x3  }
0x33: {  	p0 =	seq.s32 s10, $0x1;
	s10 =	sld [smem:$0x3FA4];
	_ =	sdelay $0x3  }
0x34: {  	[smem:$0x3FA4] =	sst s10  }
0x35: {  	s10 =	sld [smem:$0x3FA3];
	_ =	sdelay $0x3  }
0x36: {  	p1 =	seq.s32 s10, $0x1;
	s10 =	sld [smem:$0x3FA4];
	_ =	sdelay $0x3  }
0x37: {  	[smem:$0x3FA4] =	sst s10  }
0x38: {  	s10 =	sld [smem:$0x3FA5]  }
0x39: {  	_ = 	snop;
	(pc) =	sbr.ind lr, $3  }
0x3a: {  	_ = 	snop  }
0x3b: {  	_ = 	snop  }
0x3c: {  	p2 =	seq.s32 s10, $0x1;
	s10 =	sld [smem:$0x3FA4]  }
0x3d: {  	_ =	shalt  }
0x3e: {  	_ =	shalt  }
0x3f: {  	_ =	shalt  }
0x40: {  	_ =	shalt  }
0x41: {  	_ =	shalt  }
0x42: {  	_ =	shalt  }
0x43: {  	_ =	shalt  }
0x44: {  	_ =	shalt  }
0x45: {  	_ =	shalt  }
0x46: {  	_ =	shalt  }
0x47: {  	_ =	shalt  }
0x48: {  	_ =	shalt  }
0x49: {  	_ =	shalt  }
0x4a: {  	_ =	shalt  }
0x4b: {  	_ =	shalt  }
0x4c: {  	_ =	shalt  }
0x4d: {  	_ =	shalt  }
0x4e: {  	_ =	shalt  }
0x4f: {  	_ =	shalt  }
0x50: {  	_ =	shalt  }
0x51: {  	_ =	shalt  }
0x52: {  	_ =	shalt  }
0x53: {  	_ =	shalt  }
0x54: {  	_ =	shalt  }
0x55: {  	_ =	shalt  }
0x56: {  	_ =	shalt  }
0x57: {  	_ =	shalt  }
0x58: {  	_ =	shalt  }
0x59: {  	_ =	shalt  }
0x5a: {  	_ =	shalt  }
0x5b: {  	_ =	shalt  }
0x5c: {  	_ =	shalt  }
0x5d: {  	_ =	shalt  }
0x5e: {  	_ =	shalt  }
0x5f: {  	_ =	shalt  }
0x60: {  	_ =	shalt  }
0x61: {  	_ =	shalt  }
0x62: {  	_ =	shalt  }
0x63: {  	_ =	shalt  }
0x64: {  	_ =	shalt  }
0x65: {  	_ =	shalt  }
0x66: {  	_ =	shalt  }
0x67: {  	_ =	shalt  }
0x68: {  	_ =	shalt  }
0x69: {  	_ =	shalt  }
0x6a: {  	_ =	shalt  }
0x6b: {  	_ =	shalt  }
0x6c: {  	_ =	shalt  }
0x6d: {  	_ =	shalt  }
0x6e: {  	_ =	shalt  }
0x6f: {  	_ =	shalt  }
0x70: {  	_ =	shalt  }
0x71: {  	_ =	shalt  }
0x72: {  	_ =	shalt  }
0x73: {  	_ =	shalt  }
0x74: {  	_ =	shalt  }
0x75: {  	_ =	shalt  }
0x76: {  	_ =	shalt  }
0x77: {  	_ =	shalt  }
0x78: {  	_ =	shalt  }
0x79: {  	_ =	shalt  }
0x7a: {  	_ =	shalt  }
0x7b: {  	_ =	shalt  }
0x7c: {  	_ =	shalt  }
0x7d: {  	_ =	shalt  }
0x7e: {  	_ =	shalt  }
0x7f: {  	_ =	shalt  }
0x80: {  	_ =	shalt  }
0x81: {  	_ =	shalt  }
0x82: {  	_ =	shalt  }
0x83: {  	_ =	shalt  }
0x84: {  	_ =	shalt  }
0x85: {  	_ =	shalt  }
0x86: {  	_ =	shalt  }
0x87: {  	_ =	shalt  }
.Lfunc_end0:
.L_simem_size_0:
called_computation.9_lowered:
.L_overlay_start_0:
0x88: {  	s2 =	sld [smem:$0x3FD9]  }
0x89: {  	s3 =	sld [smem:$0x3FFE];
	_ =	sdelay $0x1  }
0x8a: {  	s1 =	srdreg.scid  }
0x8b: {  	s0 =	sand.u32 $0x1, s1  }
0x8c: {  	s16 =	sshll.u32 s0, $0xA;
	s2 =	sadd.s32 s3, s2  }
0x8d: {  	s2 =	sadd.s32 s2, s16  }
0x8e: {  	[smem:$0x3FB0] =	sst s2  }
0x8f: {  	_ = 	snop  }
0x90: {  	(tm) =	ssettm $0x1  }
0x91: {  	s17 =	sld [smem:$0x3FFB];
	_ =	sdelay $0x3  }
0x92: {  	_ =	strace s17  }
0x93: {  	s2 =	sld [smem:$0x3FFC];
	_ =	sdelay $0x3  }
0x94: {  	_ =	strace s2  }
0x95: {  	s2 =	sld [smem:$0x3FFD];
	_ =	sdelay $0x3  }
0x96: {  	_ =	strace s2  }
0x97: {  	_ =	strace $0x8FFFFFFF  }
0x98: {  	s18 =	sld [smem:$0x3FDB];
	_ =	sdelay $0x1  }
0x99: {  	s19 =	simm.s32 $_scs_section_size  }
0x9a: {  	s4 =	simm.s32 $_size__tile_overlayer_lowered;
	s5 =	simm.s32 $_tile_overlayer_lowered  }
0x9b: {  	s22 =	simm.s32 $0x1BFF;
	s21 =	sshll.u32 s5, $0x1;
	s2 =	sadd.s32 s19, s18  }
0x9c: {  	s6 =	simm.s32 $0x0;
	s20 =	sshll.u32 s4, $0x1;
	s4 =	sadd.s32 s21, s2  }
0x9d: {  	[timem:s6], [sflag:s22] =	dma.local [hbm:s4], s20  }
0x9e: {  	_ =	swait.ge [sflag:s22], s20  }
0x9f: {  	s3 =	ssub.s32 $0x0, s20;
	[sflag:s22] =	ssyncset.done $0x0  }
0xa0: {  	[sflag:s22] =	ssyncadd.s32 s3;
	_ =	sdelay $0x1  }
0xa1: {  	s23 =	simm.s32 $0x1B8B  }
0xa2: {  	_ =	swait.ge [sflag:s23], $0x1  }
0xa3: {  	[sflag:s23] =	ssyncset.done $0x0  }
0xa4: {  	s25 =	simm.s32 $0x1B8E;
	s24 =	sld [smem:$0x3FFE];
	[sflag:s23] =	ssyncadd.s32 $0xFFFFFFFF  }
0xa5: {  	s26 =	simm.s32 $execute0_lowered;
	[smem:$0x3FD2] =	sst s25  }
0xa6: {  	s4 =	sshll.u32 s26, $0x1;
	_ =	strace $0x80000061;
	[dreg:$0x1] =	wrdreg $0xFFFFFFFF  }
0xa7: {  	s28 =	simm.s32 $_size_execute0_lowered;
	s2 =	sadd.s32 s2, s4;
	[dreg:$0x0] =	wrdreg $0x0  }
0xa8: {  	s4 =	sshll.u32 s28, $0x1;
	[dreg:$0x2] =	wrdreg s2  }
0xa9: {  	[dreg:$0x3] =	wrdreg s4  }
0xaa: {  	[dreg:$0x4] =	wrdreg $0xC0  }
0xab: {  	_ =	task [dreg:s6], $0x5FFFF  }
0xac: {  	[dreg:$0x1] =	wrdreg $0xFFFFFFFF  }
0xad: {  	[dreg:$0x0] =	wrdreg $0x60  }
0xae: {  	[dreg:$0x2] =	wrdreg s24  }
0xaf: {  	[dreg:$0x3] =	wrdreg $0xB4500  }
0xb0: {  	[dreg:$0x4] =	wrdreg $0x9  }
0xb1: {  	_ =	task.clear_ibuf [dreg:s6], $0x5FFFF;
	_ =	strace $0x90000061  }
0xb2: {  	s29 =	simm.s32 $0x9;
	_ =	strace $0x80000063  }
0xb3: {  	_ =	swait.ge [sflag:s29], $0x1  }
0xb4: {  	[sflag:s29] =	ssyncadd.s32 $0xFFFFFFFF  }
0xb5: {  	_ =	strace $0x90000063  }
0xb6: {  	_ =	sfence  }
0xb7: {  	s30 =	sld [smem:$0x0];
	_ =	sdelay $0x2  }
0xb8: {  	s31 =	sshll.u32 s1, $0xD;
	s1 =	sshrl.u32 s1, $0x2  }
0xb9: {  	s3 =	sand.u32 $0x4000, s31;
	s1 =	sadd.s32 s1, s30  }
0xba: {  	s0 =	sor.u32 s3, s0;
	s1 =	sshll.u32 s1, $0x11  }
0xbb: {  	s0 =	sor.u32 s1, s0  }
0xbc: {  	s0 =	sadd.s32 $0x8F2B, s0  }
0xbd: {  	[sflag:s0] =	ssyncadd.remote.s32 $0x1  }
0xbe: {  	_ =	sfence.sel $0xFFFF  }
0xbf: {  	[dreg:$0x0] =	wrdreg $0xFFFFFFFF;
	(pc) =	sbr.abs _section_cstart, $3  }
0xc0: {  	[dreg:$0x1] =	wrdreg $0xFFFFFFFF  }
0xc1: {  	_ =	task.clear_ibuf [dreg:s6], $0x2FFFF;
	_ =	strace $0x9FFFFFFF  }
0xc2: {  	(tm) =	ssettm $0x7FFFFFFF  }
0xc3: {  	_ =	shalt  }
tec
execute0_lowered:
.L_overlay_start_1:
0x0: {  	(tag) =	ssettag $0x1  }
0x1: {  	s0 =	srdreg.scid  }
0x2: {  	s4 =	sand.u32 $0x1, s0  }
0x3: {  	s5 =	rddreg [dreg:$0x0];
	s6 =	smul.u32 $0x138800, s4  }
0x4: {  	s0 =	stileid.u32;
	s7 =	smul.u32 $0x27100, s4  }
0x5: {  	s2 =	rddreg [dreg:$0x1];
	s8 =	smul.u32 $0x2710, s0  }
0x6: {  	s1 =	rddreg [dreg:$0x2];
	s3 =	simm.s32 $0x0;
	s9 =	smul.u32 $0xA000, s0  }
0x7: {  	s14 =	simm.s32 $0x0;
	[smem:$0x7FF] =	sst s3;
	s24 =	smul.u32 $0xA0000, s4  }
0x8: {  	_ =	strace $0x80000062;
	s4 =	ssub.s32 $0x2, s4;
	s12 =	sshll.u32 s0, $0x6  }
0x9: {  	s29 =	smul.u32 $0x13880, s0;
	s28 =	sshrl.u32 s4, $0x1;
	s12 =	sor.u32 $0x1C01, s12  }
0xa: {  	s7 =	sadd.s32 s8, s7;
	s10 =	sadd.s32 s6, s5;
	s26 =	sadd.s32 s9, s24  }
0xb: {  	s30 =	ssub.s32 s4, s28;
	s4 =	sadd.s32 s9, s2;
	s9 =	simm.s32 $0x1450  }
0xc: {  	s25 =	sshrl.u32 s7, $0x3;
	s6 =	sshrl.u32 s26, $0x3;
	s31 =	sadd.s32 s29, s10  }
0xd: {  	s10 =	simm.s32 $0x1;
	s13 =	sshrl.u32 s4, $0x3;
	s11 =	sadd.s32 s25, s5  }
0xe: {  	s5 =	sadd.s32 s6, s5;
	s6 =	smax.u32 s30, $0x1;
	s7 =	sadd.s32 $0x1A400, s31  }
0xf: {  	v0 =	vimm.f32 $0.0e+00;
	s5 =	sadd.s32 $0x28B400, s5;
	s8 =	sadd.s32 $0x10600, s11;
	s11 =	simm.s32 $0x50  }
.LBB2_1:
0x10: {  	s16 =	simm.s32 $0x100;
	s15 =	simm.s32 $0x0  }
.LBB2_2:
0x11: {  	p0 =	sne.s32 s16, $0x27F00;
	[tilespmem:s15+$0x1480] =	vst v0;
	s17 =	smov.u32 s16;
	s16 =	sadd.s32 $0x100, s16  }
.Ltmp0:
0x12: {  	[tilespmem:s15+$0x1470] =	vst v0;
	(pc) =	sbr.rel @p0 .LBB2_2-.Ltmp0, $3  }
0x13: {  	[tilespmem:s15+$0x1450] =	vst v0  }
0x14: {  	[tilespmem:s15+$0x1460] =	vst v0;
	_ =	sdelay $0x1  }
0x15: {  	s15 =	sshra.s32 s17, $0x2  }
0x16: {  	[tilespmem:s15+$0x1480] =	vst v0  }
0x17: {  	[tilespmem:s15+$0x1470] =	vst v0  }
0x18: {  	[tilespmem:s15+$0x1450] =	vst v0  }
0x19: {  	[tilespmem:s15+$0x1460] =	vst v0  }
0x1a: {  	[spmem:s4] =	stream.linear.scatter [tilespmem:s9], [sflag:$0x1], $0xA000, $0x38;
	[tilespmem:$0x15450] =	vst v63  }
0x1b: {  	_ =	swait.ge [sflag:s10], $0xA000  }
0x1c: {  	[sflag:s10] =	ssyncset.done $0x0  }
0x1d: {  	[sflag:s10] =	ssyncadd.s32 $0xFFFF6000  }
0x1e: {  	s31 =	sadd.s32 $0x0, s8;
	[bflag:$0x0] =	sbarrier.arrive $0xFFFF  }
0x1f: {  	[tilespmem:s3], [sflag:$0x1] =	stream.linear.gather [hbm4b:s31+s3], $0x50, $0x38;
	[tilespmem:$0x15450] =	vst v63  }
0x20: {  	_ =	swait.ge [sflag:s10], $0x50  }
0x21: {  	[sflag:s10] =	ssyncset.done $0x0  }
0x22: {  	[sflag:s10] =	ssyncadd.s32 $0xFFFFFFB0  }
0x23: {  	[tilespmem:s11], [sflag:$0x1] =	stream.linear.gather [hbm4b:s7+s3], $0x1400, $0x38;
	[tilespmem:$0x15450] =	vst v63  }
0x24: {  	_ =	swait.ge [sflag:s10], $0x1400  }
0x25: {  	[sflag:s10] =	ssyncset.done $0x0  }
0x26: {  	[sflag:s10] =	ssyncadd.s32 $0xFFFFEC00  }
0x27: {  	[spmem:s2] =	stream.indirect.scatter.add.f32 [tilespmem:s11], [sflag:$0x1], $0x40, s3, s11, $0xb8;
	[tilespmem:$0x15450] =	vst v63  }
0x28: {  	s16 =	simm.s32 $0xA;
	_ =	swait.ge [sflag:s10], $0x1400  }
0x29: {  	s17 =	simm.s32 $0x14;
	s15 =	sadd.s32 $0x280, s7;
	[sflag:s10] =	ssyncset.done $0x0  }
.LBB2_4:
0x2a: {  	s18 =	sadd.s32 s16, s8  }
0x2b: {  	[sflag:s10] =	ssyncadd.s32 $0xFFFFEC00;
	s16 =	smov.u32 s17;
	s19 =	sadd.s32 $0xA, s17  }
0x2c: {  	[tilespmem:s3], [sflag:$0x1] =	stream.linear.gather [hbm4b:s18+s3], $0x50, $0x38;
	[tilespmem:$0x15450] =	vst v63  }
0x2d: {  	p0 =	sne.s32 s17, $0x4D8;
	_ =	swait.ge [sflag:s10], $0x50  }
0x2e: {  	[sflag:s10] =	ssyncset.done $0x0  }
0x2f: {  	[sflag:s10] =	ssyncadd.s32 $0xFFFFFFB0  }
0x30: {  	[tilespmem:s11], [sflag:$0x1] =	stream.linear.gather [hbm4b:s15+s3], $0x1400, $0x38;
	[tilespmem:$0x15450] =	vst v63  }
0x31: {  	_ =	swait.ge [sflag:s10], $0x1400  }
.Ltmp1:
0x32: {  	[sflag:s10] =	ssyncset.done $0x0;
	(pc) =	sbr.rel @p0 .LBB2_4-.Ltmp1, $4  }
0x33: {  	[sflag:s10] =	ssyncadd.s32 $0xFFFFEC00  }
0x34: {  	[spmem:s2] =	stream.indirect.scatter.add.f32 [tilespmem:s11], [sflag:$0x1], $0x40, s3, s11, $0xb8;
	[tilespmem:$0x15450] =	vst v63  }
0x35: {  	_ =	swait.ge [sflag:s10], $0x1400  }
0x36: {  	s17 =	smov.u32 s19;
	s15 =	sadd.s32 $0x280, s15;
	[sflag:s10] =	ssyncset.done $0x0  }
0x37: {  	s16 =	sadd.s32 s16, s8;
	[sflag:s10] =	ssyncadd.s32 $0xFFFFEC00  }
0x38: {  	[tilespmem:s3], [sflag:$0x1] =	stream.linear.gather [hbm4b:s16+s3], $0x50, $0x38;
	[tilespmem:$0x15450] =	vst v63  }
0x39: {  	_ =	swait.ge [sflag:s10], $0x50  }
0x3a: {  	[sflag:s10] =	ssyncset.done $0x0  }
0x3b: {  	[sflag:s10] =	ssyncadd.s32 $0xFFFFFFB0  }
0x3c: {  	[tilespmem:s11], [sflag:$0x1] =	stream.linear.gather [hbm4b:s15+s3], $0x1400, $0x38;
	[tilespmem:$0x15450] =	vst v63  }
0x3d: {  	_ =	swait.ge [sflag:s10], $0x1400  }
0x3e: {  	[sflag:s10] =	ssyncset.done $0x0  }
0x3f: {  	[sflag:s10] =	ssyncadd.s32 $0xFFFFEC00  }
0x40: {  	[spmem:s2] =	stream.indirect.scatter.add.f32 [tilespmem:s11], [sflag:$0x1], $0x40, s3, s11, $0xb8;
	[tilespmem:$0x15450] =	vst v63  }
0x41: {  	_ =	swait.ge [sflag:s10], $0x1400  }
0x42: {  	s14 =	sadd.s32 $0x1, s14;
	[sflag:s10] =	ssyncset.done $0x0  }
0x43: {  	p0 =	sne.s32 s14, s6;
	[sflag:s10] =	ssyncadd.s32 $0xFFFFEC00  }
.Ltmp2:
0x44: {  	[bflag:$0x0] =	sbarrier.arrive $0xFFFF;
	(pc) =	sbr.rel @p0 .LBB2_1-.Ltmp2, $4  }
0x45: {  	[hbm:s5], [sflag:s12] =	dma.local [spmem:s13], $0x1400  }
0x46: {  	_ =	swait.ge [sflag:s10], $0x1400  }
0x47: {  	[sflag:s10] =	ssyncset.done $0x0  }
0x48: {  	[sflag:s10] =	ssyncadd.s32 $0xFFFFEC00  }
0x49: {  	_ =	sfence.sel $0x180000  }
0x4a: {  	[bflag:$0x0] =	sbarrier.arrive $0xFFFF  }
0x4b: {  	p0 =	sne.s32 s0, $0x0;
	_ =	strace $0x90000062  }
0x4c: {  	s0 =	sadd.s32 @!p0 $0x100000, s1;
	[bflag:$0x2] =	sbarrier.arrive $0xFFFF  }
0x4d: {  	[sflag:s0] =	ssyncadd.tile.s32 @!p0 $0x1;
	_ =	shalt  }
.Lfunc_end2:
_tile_overlayer_lowered:
.L_overlay_start_2:
0x4e: {  	(tag) =	ssettag $0x2  }
0x4f: {  	s0 =	rddreg [dreg:$0x0];
	s2 =	stileid.u32  }
0x50: {  	s1 =	rddreg [dreg:$0x1];
	p0 =	sne.s32 s2, $0x0  }
0x51: {  	s3 =	rddreg [dreg:$0x2];
	[bflag:$0x3] =	sbarrier.arrive $0xFFFF;
	s2 =	simm.s32 @!p0 $0x1C01  }
0x52: {  	[timem:s3], [sflag:s2] =	dma.local @!p0 [hbm:s0], s1  }
0x53: {  	s0 =	simm.s32 @!p0 $0x1  }
0x54: {  	_ =	swait.ge @!p0 [sflag:s0], s1  }
0x55: {  	s1 =	ssub.s32 @!p0 $0x0, s1;
	[sflag:s0] =	ssyncset.done @!p0 $0x0  }
0x56: {  	[sflag:s0] =	ssyncadd.s32 @!p0 s1  }
0x57: {  	[bflag:$0x3] =	sbarrier.arrive $0xFFFF  }
0x58: {  	_ =	shalt  }

// kernel: kernel.27.cloned.1.call-start
scs
__scs_entry_jumppad:
0x0: {  	(pc) =	sbr.rel $0x88, $3  }
0x1: {  	(tag) =	ssettag $0x0;
	lr =	simm.s32 $0x1  }
0x2: {  	[smem:$0x3F89] =	sst lr;
	_ =	strace $0xD0000000  }
0x3: {  	_ = 	snop  }
0x4: {  	_ = 	snop  }
0x5: {  	_ = 	snop  }
0x6: {  	_ = 	snop  }
0x7: {  	_ = 	snop  }
__scs_overlays_trampoline_lowered:
0x8: {  	[smem:$0x3F98] =	sst s0  }
0x9: {  	[smem:$0x3F99] =	sst s1  }
0xa: {  	[smem:$0x3F9A] =	sst s2  }
0xb: {  	[smem:$0x3F9B] =	sst s3  }
0xc: {  	[smem:$0x3F9C] =	sst s4  }
0xd: {  	[smem:$0x3F9D] =	sst s5  }
0xe: {  	[smem:$0x3F9E] =	sst s6  }
0xf: {  	[smem:$0x3F9F] =	sst s7  }
0x10: {  	[smem:$0x3FA0] =	sst s8  }
0x11: {  	[smem:$0x3FA1] =	sst s9;
	s0 =	simm.s32 @!p0 $0x0  }
0x12: {  	s1 =	sld [smem:$0x3F87];
	s0 =	simm.s32 @p0 $0x1  }
0x13: {  	[smem:$0x3FA2] =	sst s0;
	s0 =	simm.s32 @!p1 $0x0  }
0x14: {  	s2 =	sld [smem:$0x3F86];
	s0 =	simm.s32 @p1 $0x1  }
0x15: {  	[smem:$0x3FA3] =	sst s0;
	s0 =	simm.s32 @!p2 $0x0  }
0x16: {  	s3 =	sld [smem:$0x3FDB];
	s0 =	simm.s32 @p2 $0x1  }
0x17: {  	s4 =	simm.s32 $0x1BF5;
	[smem:$0x3FA5] =	sst s0  }
0x18: {  	s0 =	sld [smem:$0x3F88];
	_ =	swait.ge [sflag:s4], $0x0  }
0x19: {  	s7 =	sld [smem:$0x3F89]  }
0x1a: {  	s8 =	sadd.s32 $0xFFFFE003, lr  }
0x1b: {  	s9 =	sadd.s32 $0xFFFFFEF7, lr;
	s5 =	simm.s32 $0xFFFFFFFF;
	p2 =	slt.u32 s8, $0xFFFFF086  }
0x1c: {  	p1 =	slt.u32 s9, $0xF7A;
	s5 =	simm.s32 @!p2 $0x0  }
0x1d: {  	s5 =	simm.s32 @p1 $0x1;
	p0 =	seq.s32 s7, s2  }
0x1e: {  	s7 =	smul.u32 @!p0 $0xF7A, s2;
	p2 =	seq.s32 @!p0 s5, $0x0  }
0x1f: {  	s9 =	smul.u32 $0xF7A, s1;
	s8 =	simm.s32 @!p0 $0x1BF5;
	p2 =	por !p2, p0  }
0x20: {  	[sflag:s8] =	ssyncset.s32 @!p0 $0xFFFFF086;
	s6 =	sadd.s32 @!p0 s3, s7;
	s7 =	simm.s32 @!p0 $0x108  }
0x21: {  	s3 =	sadd.s32 s3, s9;
	s6 =	sadd.s32 @!p0 $0x88, s6;
	s7 =	simm.s32 @p2 $0x1082  }
0x22: {  	[simem:s7], [sflag:s8] =	dma.local @!p0 [hbm:s6], $0xF7A  }
0x23: {  	s9 =	sor.u32 $0xD0000000, s2;
	s6 =	simm.s32 $0x108;
	_ =	swait.ge @!p0 [sflag:s8], $0x0  }
0x24: {  	s3 =	sadd.s32 $0x88, s3;
	s6 =	simm.s32 @!p1 $0x1082;
	[sflag:s4] =	ssyncset.s32 $0xFFFFF086  }
0x25: {  	[simem:s6], [sflag:s4] =	dma.local [hbm:s3], $0xF7A  }
0x26: {  	[smem:$0x3F89] =	sst s1;
	(tag) =	ssettag s2;
	_ =	strace s9  }
0x27: {  	s1 =	sld [smem:$0x3F99]  }
0x28: {  	s2 =	sld [smem:$0x3F9A]  }
0x29: {  	s4 =	sld [smem:$0x3F9C]  }
0x2a: {  	p0 =	seq.s32 s5, $0x0;
	s5 =	sld [smem:$0x3F9D]  }
0x2b: {  	s6 =	sld [smem:$0x3F9E]  }
0x2c: {  	s7 =	sld [smem:$0x3F9F]  }
0x2d: {  	s3 =	simm.s32 $0x108;
	s8 =	sld [smem:$0x3FA0]  }
0x2e: {  	s3 =	simm.s32 @!p0 $0x1082;
	s9 =	sld [smem:$0x3FA1]  }
0x2f: {  	lr =	sadd.s32 s0, s3;
	s0 =	sld [smem:$0x3F98]  }
0x30: {  	s3 =	sld [smem:$0x3F9B]  }
0x31: {  	[smem:$0x3FA4] =	sst s10  }
0x32: {  	s10 =	sld [smem:$0x3FA2];
	_ =	sdelay $0x3  }
0x33: {  	p0 =	seq.s32 s10, $0x1;
	s10 =	sld [smem:$0x3FA4];
	_ =	sdelay $0x3  }
0x34: {  	[smem:$0x3FA4] =	sst s10  }
0x35: {  	s10 =	sld [smem:$0x3FA3];
	_ =	sdelay $0x3  }
0x36: {  	p1 =	seq.s32 s10, $0x1;
	s10 =	sld [smem:$0x3FA4];
	_ =	sdelay $0x3  }
0x37: {  	[smem:$0x3FA4] =	sst s10  }
0x38: {  	s10 =	sld [smem:$0x3FA5]  }
0x39: {  	_ = 	snop;
	(pc) =	sbr.ind lr, $3  }
0x3a: {  	_ = 	snop  }
0x3b: {  	_ = 	snop  }
0x3c: {  	p2 =	seq.s32 s10, $0x1;
	s10 =	sld [smem:$0x3FA4]  }
0x3d: {  	_ =	shalt  }
0x3e: {  	_ =	shalt  }
0x3f: {  	_ =	shalt  }
0x40: {  	_ =	shalt  }
0x41: {  	_ =	shalt  }
0x42: {  	_ =	shalt  }
0x43: {  	_ =	shalt  }
0x44: {  	_ =	shalt  }
0x45: {  	_ =	shalt  }
0x46: {  	_ =	shalt  }
0x47: {  	_ =	shalt  }
0x48: {  	_ =	shalt  }
0x49: {  	_ =	shalt  }
0x4a: {  	_ =	shalt  }
0x4b: {  	_ =	shalt  }
0x4c: {  	_ =	shalt  }
0x4d: {  	_ =	shalt  }
0x4e: {  	_ =	shalt  }
0x4f: {  	_ =	shalt  }
0x50: {  	_ =	shalt  }
0x51: {  	_ =	shalt  }
0x52: {  	_ =	shalt  }
0x53: {  	_ =	shalt  }
0x54: {  	_ =	shalt  }
0x55: {  	_ =	shalt  }
0x56: {  	_ =	shalt  }
0x57: {  	_ =	shalt  }
0x58: {  	_ =	shalt  }
0x59: {  	_ =	shalt  }
0x5a: {  	_ =	shalt  }
0x5b: {  	_ =	shalt  }
0x5c: {  	_ =	shalt  }
0x5d: {  	_ =	shalt  }
0x5e: {  	_ =	shalt  }
0x5f: {  	_ =	shalt  }
0x60: {  	_ =	shalt  }
0x61: {  	_ =	shalt  }
0x62: {  	_ =	shalt  }
0x63: {  	_ =	shalt  }
0x64: {  	_ =	shalt  }
0x65: {  	_ =	shalt  }
0x66: {  	_ =	shalt  }
0x67: {  	_ =	shalt  }
0x68: {  	_ =	shalt  }
0x69: {  	_ =	shalt  }
0x6a: {  	_ =	shalt  }
0x6b: {  	_ =	shalt  }
0x6c: {  	_ =	shalt  }
0x6d: {  	_ =	shalt  }
0x6e: {  	_ =	shalt  }
0x6f: {  	_ =	shalt  }
0x70: {  	_ =	shalt  }
0x71: {  	_ =	shalt  }
0x72: {  	_ =	shalt  }
0x73: {  	_ =	shalt  }
0x74: {  	_ =	shalt  }
0x75: {  	_ =	shalt  }
0x76: {  	_ =	shalt  }
0x77: {  	_ =	shalt  }
0x78: {  	_ =	shalt  }
0x79: {  	_ =	shalt  }
0x7a: {  	_ =	shalt  }
0x7b: {  	_ =	shalt  }
0x7c: {  	_ =	shalt  }
0x7d: {  	_ =	shalt  }
0x7e: {  	_ =	shalt  }
0x7f: {  	_ =	shalt  }
0x80: {  	_ =	shalt  }
0x81: {  	_ =	shalt  }
0x82: {  	_ =	shalt  }
0x83: {  	_ =	shalt  }
0x84: {  	_ =	shalt  }
0x85: {  	_ =	shalt  }
0x86: {  	_ =	shalt  }
0x87: {  	_ =	shalt  }
.Lfunc_end0:
.L_simem_size_0:
called_computation.10_lowered:
.L_overlay_start_0:
0x88: {  	s2 =	sld [smem:$0x3FD9]  }
0x89: {  	s3 =	sld [smem:$0x3FFE];
	_ =	sdelay $0x1  }
0x8a: {  	s1 =	srdreg.scid  }
0x8b: {  	s0 =	sand.u32 $0x1, s1  }
0x8c: {  	s16 =	sshll.u32 s0, $0xA;
	s2 =	sadd.s32 s3, s2  }
0x8d: {  	s2 =	sadd.s32 s2, s16  }
0x8e: {  	[smem:$0x3FB0] =	sst s2  }
0x8f: {  	_ = 	snop  }
0x90: {  	(tm) =	ssettm $0x1  }
0x91: {  	s17 =	sld [smem:$0x3FFB];
	_ =	sdelay $0x3  }
0x92: {  	_ =	strace s17  }
0x93: {  	s2 =	sld [smem:$0x3FFC];
	_ =	sdelay $0x3  }
0x94: {  	_ =	strace s2  }
0x95: {  	s2 =	sld [smem:$0x3FFD];
	_ =	sdelay $0x3  }
0x96: {  	_ =	strace s2  }
0x97: {  	_ =	strace $0x8FFFFFFF  }
0x98: {  	s18 =	sld [smem:$0x3FDB];
	_ =	sdelay $0x1  }
0x99: {  	s19 =	simm.s32 $_scs_section_size  }
0x9a: {  	s4 =	simm.s32 $_size__tile_overlayer_lowered;
	s5 =	simm.s32 $_tile_overlayer_lowered  }
0x9b: {  	s22 =	simm.s32 $0x1BFF;
	s21 =	sshll.u32 s5, $0x1;
	s2 =	sadd.s32 s19, s18  }
0x9c: {  	s6 =	simm.s32 $0x0;
	s20 =	sshll.u32 s4, $0x1;
	s4 =	sadd.s32 s21, s2  }
0x9d: {  	[timem:s6], [sflag:s22] =	dma.local [hbm:s4], s20  }
0x9e: {  	_ =	swait.ge [sflag:s22], s20  }
0x9f: {  	s3 =	ssub.s32 $0x0, s20;
	[sflag:s22] =	ssyncset.done $0x0  }
0xa0: {  	[sflag:s22] =	ssyncadd.s32 s3;
	_ =	sdelay $0x1  }
0xa1: {  	s23 =	simm.s32 $0x1B8B  }
0xa2: {  	_ =	swait.ge [sflag:s23], $0x1  }
0xa3: {  	[sflag:s23] =	ssyncset.done $0x0  }
0xa4: {  	s25 =	simm.s32 $0x1B8E;
	s24 =	sld [smem:$0x3FFE];
	[sflag:s23] =	ssyncadd.s32 $0xFFFFFFFF  }
0xa5: {  	s26 =	simm.s32 $execute0_lowered;
	[smem:$0x3FD2] =	sst s25  }
0xa6: {  	s4 =	sshll.u32 s26, $0x1;
	_ =	strace $0x80000064;
	[dreg:$0x1] =	wrdreg $0xFFFFFFFF  }
0xa7: {  	s28 =	simm.s32 $_size_execute0_lowered;
	s2 =	sadd.s32 s2, s4;
	[dreg:$0x0] =	wrdreg $0x0  }
0xa8: {  	s4 =	sshll.u32 s28, $0x1;
	[dreg:$0x2] =	wrdreg s2  }
0xa9: {  	[dreg:$0x3] =	wrdreg s4  }
0xaa: {  	[dreg:$0x4] =	wrdreg $0xC0  }
0xab: {  	_ =	task [dreg:s6], $0x5FFFF  }
0xac: {  	[dreg:$0x1] =	wrdreg $0xFFFFFFFF  }
0xad: {  	[dreg:$0x0] =	wrdreg $0x60  }
0xae: {  	[dreg:$0x2] =	wrdreg s24  }
0xaf: {  	[dreg:$0x3] =	wrdreg $0x9  }
0xb0: {  	_ =	task.clear_ibuf [dreg:s6], $0x4FFFF;
	_ =	strace $0x90000064  }
0xb1: {  	s29 =	simm.s32 $0x9;
	_ =	strace $0x80000066  }
0xb2: {  	_ =	swait.ge [sflag:s29], $0x1  }
0xb3: {  	[sflag:s29] =	ssyncadd.s32 $0xFFFFFFFF  }
0xb4: {  	_ =	strace $0x90000066  }
0xb5: {  	_ =	sfence  }
0xb6: {  	s30 =	sld [smem:$0x0];
	_ =	sdelay $0x2  }
0xb7: {  	s31 =	sshll.u32 s1, $0xD;
	s1 =	sshrl.u32 s1, $0x2  }
0xb8: {  	s3 =	sand.u32 $0x4000, s31;
	s1 =	sadd.s32 s1, s30  }
0xb9: {  	s0 =	sor.u32 s3, s0;
	s1 =	sshll.u32 s1, $0x11  }
0xba: {  	s0 =	sor.u32 s1, s0  }
0xbb: {  	s0 =	sadd.s32 $0x8F2B, s0  }
0xbc: {  	[sflag:s0] =	ssyncadd.remote.s32 $0x1  }
0xbd: {  	_ =	sfence.sel $0xFFFF  }
0xbe: {  	[dreg:$0x0] =	wrdreg $0xFFFFFFFF;
	(pc) =	sbr.abs _section_cstart, $3  }
0xbf: {  	[dreg:$0x1] =	wrdreg $0xFFFFFFFF  }
0xc0: {  	_ =	task.clear_ibuf [dreg:s6], $0x2FFFF;
	_ =	strace $0x9FFFFFFF  }
0xc1: {  	(tm) =	ssettm $0x7FFFFFFF  }
tec
execute0_lowered:
.L_overlay_start_1:
0x0: {  	(tag) =	ssettag $0x1  }
0x1: {  	s1 =	srdreg.scid;
	s0 =	stileid.u32  }
0x2: {  	s4 =	rddreg [dreg:$0x0];
	s2 =	simm.s32 $0x0;
	s10 =	simm.s32 $0x5150  }
0x3: {  	s11 =	simm.s32 $0xD350;
	s3 =	sand.u32 $0x1, s1;
	s31 =	sshll.u32 s0, $0x1  }
0x4: {  	s12 =	simm.s32 $0x0;
	s1 =	rddreg [dreg:$0x1];
	s5 =	sor.u32 s3, s31  }
0x5: {  	[smem:$0x7FF] =	sst s2;
	s3 =	ssub.s32 $0x2, s3;
	s6 =	smul.u32 $0xA00, s5  }
0x6: {  	s7 =	smul.u32 $0x28, s5;
	s5 =	sshll.u32 s5, $0xC;
	s8 =	sshrl.u32 s3, $0x1  }
0x7: {  	_ =	strace $0x80000065;
	s9 =	sadd.s32 s5, s4;
	s8 =	ssub.s32 s3, s8  }
0x8: {  	s6 =	sadd.s32 s6, s4;
	s7 =	sadd.s32 s7, s4;
	s5 =	sadd.s32 $0x3A800, s9  }
0x9: {  	s3 =	sadd.s32 $0x6800, s6;
	s4 =	sadd.s32 $0x2DB400, s7;
	s6 =	sadd.s32 $0x1A800, s9  }
0xa: {  	v0 =	vimm.f32 $-Inf;
	v1 =	vimm.f32 $0.0e+00;
	vm0 =	vmmov $0x1;
	s7 =	smax.u32 s8, $0x1;
	s8 =	simm.s32 $0x1;
	s9 =	simm.s32 $0x5000  }
.LBB2_1:
0xb: {  	[tilespmem:s2], [sflag:$0x1] =	stream.linear.gather [hbm4b:s3+s2], $0x5000, $0x38;
	[tilespmem:$0x15550] =	vst v63  }
0xc: {  	_ =	swait.ge [sflag:s8], $0x5000  }
0xd: {  	[sflag:s8] =	ssyncset.done $0x0  }
0xe: {  	[sflag:s8] =	ssyncadd.s32 $0xFFFFB000  }
0xf: {  	[tilespmem:s9], [sflag:$0x1] =	stream.linear.gather [hbm4b:s4+s2], $0x140, $0x38;
	[tilespmem:$0x15550] =	vst v63  }
0x10: {  	_ =	swait.ge [sflag:s8], $0x140  }
0x11: {  	[sflag:s8] =	ssyncset.done $0x0  }
0x12: {  	s13 =	simm.s32 $0x0;
	s14 =	simm.s32 $0x100;
	[sflag:s8] =	ssyncadd.s32 $0xFFFFFEC0  }
.LBB2_2:
0x13: {  	p0 =	sne.s32 s14, $0x20700;
	[tilespmem:s13+$0xD380] =	vst v1  }
0x14: {  	[tilespmem:s13+$0x5150] =	vst v0  }
0x15: {  	[tilespmem:s13+$0xD350] =	vst v1  }
.Ltmp0:
0x16: {  	[tilespmem:s13+$0x5160] =	vst v0;
	(pc) =	sbr.rel @p0 .LBB2_2-.Ltmp0, $4  }
0x17: {  	[tilespmem:s13+$0xD360] =	vst v1  }
0x18: {  	[tilespmem:s13+$0x5170] =	vst v0  }
0x19: {  	[tilespmem:s13+$0xD370] =	vst v1  }
0x1a: {  	[tilespmem:s13+$0x5180] =	vst v0;
	s13 =	sshra.s32 s14, $0x2;
	s14 =	sadd.s32 $0x100, s14  }
0x1b: {  	[tilespmem:s13+$0xD380] =	vst v1  }
0x1c: {  	[tilespmem:s13+$0x5150] =	vst v0  }
0x1d: {  	[tilespmem:s13+$0xD350] =	vst v1  }
0x1e: {  	[tilespmem:s13+$0x5160] =	vst v0  }
0x1f: {  	[tilespmem:s13+$0xD360] =	vst v1  }
0x20: {  	[tilespmem:s13+$0x5170] =	vst v0  }
0x21: {  	[tilespmem:s13+$0xD370] =	vst v1  }
0x22: {  	[tilespmem:s13+$0x5180] =	vst v0;
	s31 =	simm.s32 $0x0  }
0x23: {  	v2 =	vld [tilespmem:s31+$0x5000];
	_ =	sdelay $0x4  }
0x24: {  	v2 =	vnsel vm0, $0xFFFFFFFF, v2  }
0x25: {  	v2 =	vxor.u32 $0x80000000, v2  }
0x26: {  	(xrf0) =	vmax.scan.msk.u32 $0xffff, v2;
	_ =	sdelay $0x5  }
0x27: {  	v2, _, _ =	vpop (xrf0)  }
0x28: {  	(v2sf) =	vpush v2, $0xF;
	_ =	sdelay $0xe  }
0x29: {  	s13 =	simm.s32 $0x20;
	s14 =	spop (v2sf)  }
0x2a: {  	v2 =	vld [tilespmem:s13+$0xFFFFFFE0];
	s14 =	sshll.u32 s14, $0x6  }
0x2b: {  	v3 =	vld [tilespmem:s14+$0x5150]  }
0x2c: {  	v4 =	vld [tilespmem:s14+$0xD350];
	_ =	sdelay $0x4  }
0x2d: {  	v3 =	vmax.f32 v3, v2;
	v2 =	vadd.f32 v4, v2  }
0x2e: {  	[tilespmem:s14+$0x5150] =	vst v3;
	v3 =	vld [tilespmem:s14+$0x5160]  }
0x2f: {  	[tilespmem:s14+$0xD350] =	vst v2;
	v2 =	vld [tilespmem:s14+$0xD360]  }
0x30: {  	v61 =	vld [tilespmem:s13+$0xFFFFFFF0];
	_ =	sdelay $0x4  }
0x31: {  	v3 =	vmax.f32 v3, v61;
	v2 =	vadd.f32 v2, v61  }
0x32: {  	v62 =	vld [tilespmem:s14+$0x5170];
	[tilespmem:s14+$0x5160] =	vst v3  }
0x33: {  	[tilespmem:s14+$0xD360] =	vst v2;
	v2 =	vld [tilespmem:s14+$0xD370]  }
0x34: {  	v3 =	vld [tilespmem:s13+$0x0];
	_ =	sdelay $0x4  }
0x35: {  	v4 =	vmax.f32 v62, v3;
	v2 =	vadd.f32 v2, v3  }
0x36: {  	v63 =	vld [tilespmem:s14+$0x5180];
	[tilespmem:s14+$0x5170] =	vst v4  }
0x37: {  	v3 =	vld [tilespmem:s14+$0xD380];
	[tilespmem:s14+$0xD370] =	vst v2  }
0x38: {  	v2 =	vld [tilespmem:s13+$0x10];
	_ =	sdelay $0x4  }
0x39: {  	v4 =	vmax.f32 v63, v2;
	v2 =	vadd.f32 v3, v2  }
0x3a: {  	[tilespmem:s14+$0x5180] =	vst v4  }
0x3b: {  	s15 =	simm.s32 $0x1;
	[tilespmem:s14+$0xD380] =	vst v2  }
0x3c: {  	s14 =	simm.s32 $0x8;
	v2 =	vld [tilespmem:s15+$0x5000]  }
.LBB2_4:
0x3d: {  	p0 =	sne.s32 s14, $0x4FC;
	_ =	sdelay $0x3  }
0x3e: {  	v2 =	vnsel vm0, $0xFFFFFFFF, v2  }
0x3f: {  	v2 =	vxor.u32 $0x80000000, v2  }
0x40: {  	(xrf0) =	vmax.scan.msk.u32 $0xffff, v2;
	_ =	sdelay $0x5  }
0x41: {  	v2, _, _ =	vpop (xrf0)  }
0x42: {  	(v2sf) =	vpush v2, $0xF;
	_ =	sdelay $0xe  }
0x43: {  	s13 =	sadd.s32 $0x40, s13;
	s15 =	spop (v2sf)  }
0x44: {  	v2 =	vld [tilespmem:s13+$0xFFFFFFE0];
	s15 =	sshll.u32 s15, $0x6  }
0x45: {  	v3 =	vld [tilespmem:s15+$0x5150]  }
0x46: {  	v4 =	vld [tilespmem:s15+$0xD350]  }
0x47: {  	v5 =	vld [tilespmem:s15+$0x5170]  }
0x48: {  	v6 =	vld [tilespmem:s15+$0xD380]  }
0x49: {  	v7 =	vld [tilespmem:s15+$0x5180];
	_ =	sdelay $0x1  }
0x4a: {  	v3 =	vmax.f32 v3, v2;
	v2 =	vadd.f32 v4, v2  }
0x4b: {  	[tilespmem:s15+$0x5150] =	vst v3;
	v3 =	vld [tilespmem:s15+$0x5160]  }
0x4c: {  	[tilespmem:s15+$0xD350] =	vst v2;
	v2 =	vld [tilespmem:s15+$0xD360]  }
0x4d: {  	v4 =	vld [tilespmem:s13+$0xFFFFFFF0];
	_ =	sdelay $0x4  }
0x4e: {  	v3 =	vmax.f32 v3, v4;
	v2 =	vadd.f32 v2, v4  }
0x4f: {  	[tilespmem:s15+$0x5160] =	vst v3  }
0x50: {  	[tilespmem:s15+$0xD360] =	vst v2;
	v2 =	vld [tilespmem:s15+$0xD370]  }
0x51: {  	v3 =	vld [tilespmem:s13+$0x0];
	_ =	sdelay $0x4  }
0x52: {  	v4 =	vmax.f32 v5, v3;
	v2 =	vadd.f32 v2, v3  }
0x53: {  	[tilespmem:s15+$0x5170] =	vst v4  }
0x54: {  	[tilespmem:s15+$0xD370] =	vst v2  }
0x55: {  	v2 =	vld [tilespmem:s13+$0x10];
	_ =	sdelay $0x3  }
.Ltmp1:
0x56: {  	(pc) =	sbr.rel @p0 .LBB2_4-.Ltmp1, $4  }
0x57: {  	v3 =	vmax.f32 v7, v2;
	v2 =	vadd.f32 v6, v2  }
0x58: {  	[tilespmem:s15+$0x5180] =	vst v3  }
0x59: {  	s16 =	sshra.s32 s14, $0x2;
	[tilespmem:s15+$0xD380] =	vst v2  }
0x5a: {  	s14 =	sadd.s32 $0x4, s14;
	v2 =	vld [tilespmem:s16+$0x5000]  }
0x5b: {  	_ =	sdelay $0x3  }
0x5c: {  	v2 =	vnsel vm0, $0xFFFFFFFF, v2  }
0x5d: {  	v2 =	vxor.u32 $0x80000000, v2  }
0x5e: {  	(xrf0) =	vmax.scan.msk.u32 $0xffff, v2;
	_ =	sdelay $0x5  }
0x5f: {  	v2, _, _ =	vpop (xrf0)  }
0x60: {  	(v2sf) =	vpush v2, $0xF;
	_ =	sdelay $0xe  }
0x61: {  	s13 =	sadd.s32 $0x40, s13;
	s14 =	spop (v2sf)  }
0x62: {  	v2 =	vld [tilespmem:s13+$0xFFFFFFE0];
	s14 =	sshll.u32 s14, $0x6  }
0x63: {  	v3 =	vld [tilespmem:s14+$0x5150]  }
0x64: {  	v4 =	vld [tilespmem:s14+$0xD350];
	_ =	sdelay $0x4  }
0x65: {  	v3 =	vmax.f32 v3, v2;
	v2 =	vadd.f32 v4, v2  }
0x66: {  	[tilespmem:s14+$0x5150] =	vst v3;
	v3 =	vld [tilespmem:s14+$0x5160]  }
0x67: {  	[tilespmem:s14+$0xD350] =	vst v2;
	v2 =	vld [tilespmem:s14+$0xD360]  }
0x68: {  	v61 =	vld [tilespmem:s13+$0xFFFFFFF0];
	_ =	sdelay $0x4  }
0x69: {  	v3 =	vmax.f32 v3, v61;
	v2 =	vadd.f32 v2, v61  }
0x6a: {  	v62 =	vld [tilespmem:s14+$0x5170];
	[tilespmem:s14+$0x5160] =	vst v3  }
0x6b: {  	[tilespmem:s14+$0xD360] =	vst v2;
	v2 =	vld [tilespmem:s14+$0xD370]  }
0x6c: {  	v3 =	vld [tilespmem:s13+$0x0];
	_ =	sdelay $0x4  }
0x6d: {  	v4 =	vmax.f32 v62, v3;
	v2 =	vadd.f32 v2, v3  }
0x6e: {  	v63 =	vld [tilespmem:s14+$0x5180];
	[tilespmem:s14+$0x5170] =	vst v4  }
0x6f: {  	v3 =	vld [tilespmem:s14+$0xD380];
	[tilespmem:s14+$0xD370] =	vst v2  }
0x70: {  	v2 =	vld [tilespmem:s13+$0x10];
	_ =	sdelay $0x4  }
0x71: {  	v4 =	vmax.f32 v63, v2;
	v2 =	vadd.f32 v3, v2  }
0x72: {  	[tilespmem:s14+$0x5180] =	vst v4  }
0x73: {  	[tilespmem:s14+$0xD380] =	vst v2  }
0x74: {  	[hbm4b:s5+s2] =	stream.linear.scatter [tilespmem:s10], [sflag:$0x1], $0x8000, $0x38;
	[tilespmem:$0x15550] =	vst v63  }
0x75: {  	s12 =	sadd.s32 $0x1, s12;
	_ =	swait.ge [sflag:s8], $0x8000  }
0x76: {  	p0 =	sne.s32 s12, s7;
	[sflag:s8] =	ssyncset.done $0x0  }
.Ltmp2:
0x77: {  	[sflag:s8] =	ssyncadd.s32 $0xFFFF8000;
	(pc) =	sbr.rel @p0 .LBB2_1-.Ltmp2, $4  }
0x78: {  	[hbm4b:s6+s2] =	stream.linear.scatter [tilespmem:s11], [sflag:$0x1], $0x8000, $0x38;
	[tilespmem:$0x15550] =	vst v63  }
0x79: {  	_ =	swait.ge [sflag:s8], $0x8000  }
0x7a: {  	[sflag:s8] =	ssyncset.done $0x0  }
0x7b: {  	[sflag:s8] =	ssyncadd.s32 $0xFFFF8000  }
0x7c: {  	_ =	sfence.sel $0x180000  }
0x7d: {  	[bflag:$0x0] =	sbarrier.arrive $0xFFFF  }
0x7e: {  	p0 =	sne.s32 s0, $0x0;
	_ =	strace $0x90000065  }
0x7f: {  	s0 =	sadd.s32 @!p0 $0x100000, s1;
	[bflag:$0x2] =	sbarrier.arrive $0xFFFF  }
0x80: {  	[sflag:s0] =	ssyncadd.tile.s32 @!p0 $0x1;
	_ =	shalt  }
.Lfunc_end2:
_tile_overlayer_lowered:
.L_overlay_start_2:
0x81: {  	(tag) =	ssettag $0x2  }
0x82: {  	s0 =	rddreg [dreg:$0x0];
	s2 =	stileid.u32  }
0x83: {  	s1 =	rddreg [dreg:$0x1];
	p0 =	sne.s32 s2, $0x0  }
0x84: {  	s3 =	rddreg [dreg:$0x2];
	[bflag:$0x3] =	sbarrier.arrive $0xFFFF;
	s2 =	simm.s32 @!p0 $0x1C01  }
0x85: {  	[timem:s3], [sflag:s2] =	dma.local @!p0 [hbm:s0], s1  }
0x86: {  	s0 =	simm.s32 @!p0 $0x1  }
0x87: {  	_ =	swait.ge @!p0 [sflag:s0], s1  }
0x88: {  	s1 =	ssub.s32 @!p0 $0x0, s1;
	[sflag:s0] =	ssyncset.done @!p0 $0x0  }
0x89: {  	[sflag:s0] =	ssyncadd.s32 @!p0 s1  }
0x8a: {  	[bflag:$0x3] =	sbarrier.arrive $0xFFFF  }
0x8b: {  	_ =	shalt  }

// kernel: kernel.9.cloned.1.call-start
scs
__scs_entry_jumppad:
0x0: {  	(pc) =	sbr.rel $0x88, $3  }
0x1: {  	(tag) =	ssettag $0x0;
	lr =	simm.s32 $0x1  }
0x2: {  	[smem:$0x3F89] =	sst lr;
	_ =	strace $0xD0000000  }
0x3: {  	_ = 	snop  }
0x4: {  	_ = 	snop  }
0x5: {  	_ = 	snop  }
0x6: {  	_ = 	snop  }
0x7: {  	_ = 	snop  }
__scs_overlays_trampoline_lowered:
0x8: {  	[smem:$0x3F98] =	sst s0  }
0x9: {  	[smem:$0x3F99] =	sst s1  }
0xa: {  	[smem:$0x3F9A] =	sst s2  }
0xb: {  	[smem:$0x3F9B] =	sst s3  }
0xc: {  	[smem:$0x3F9C] =	sst s4  }
0xd: {  	[smem:$0x3F9D] =	sst s5  }
0xe: {  	[smem:$0x3F9E] =	sst s6  }
0xf: {  	[smem:$0x3F9F] =	sst s7  }
0x10: {  	[smem:$0x3FA0] =	sst s8  }
0x11: {  	[smem:$0x3FA1] =	sst s9;
	s0 =	simm.s32 @!p0 $0x0  }
0x12: {  	s1 =	sld [smem:$0x3F87];
	s0 =	simm.s32 @p0 $0x1  }
0x13: {  	[smem:$0x3FA2] =	sst s0;
	s0 =	simm.s32 @!p1 $0x0  }
0x14: {  	s2 =	sld [smem:$0x3F86];
	s0 =	simm.s32 @p1 $0x1  }
0x15: {  	[smem:$0x3FA3] =	sst s0;
	s0 =	simm.s32 @!p2 $0x0  }
0x16: {  	s3 =	sld [smem:$0x3FDB];
	s0 =	simm.s32 @p2 $0x1  }
0x17: {  	s4 =	simm.s32 $0x1BF5;
	[smem:$0x3FA5] =	sst s0  }
0x18: {  	s0 =	sld [smem:$0x3F88];
	_ =	swait.ge [sflag:s4], $0x0  }
0x19: {  	s7 =	sld [smem:$0x3F89]  }
0x1a: {  	s8 =	sadd.s32 $0xFFFFE003, lr  }
0x1b: {  	s9 =	sadd.s32 $0xFFFFFEF7, lr;
	s5 =	simm.s32 $0xFFFFFFFF;
	p2 =	slt.u32 s8, $0xFFFFF086  }
0x1c: {  	p1 =	slt.u32 s9, $0xF7A;
	s5 =	simm.s32 @!p2 $0x0  }
0x1d: {  	s5 =	simm.s32 @p1 $0x1;
	p0 =	seq.s32 s7, s2  }
0x1e: {  	s7 =	smul.u32 @!p0 $0xF7A, s2;
	p2 =	seq.s32 @!p0 s5, $0x0  }
0x1f: {  	s9 =	smul.u32 $0xF7A, s1;
	s8 =	simm.s32 @!p0 $0x1BF5;
	p2 =	por !p2, p0  }
0x20: {  	[sflag:s8] =	ssyncset.s32 @!p0 $0xFFFFF086;
	s6 =	sadd.s32 @!p0 s3, s7;
	s7 =	simm.s32 @!p0 $0x108  }
0x21: {  	s3 =	sadd.s32 s3, s9;
	s6 =	sadd.s32 @!p0 $0x88, s6;
	s7 =	simm.s32 @p2 $0x1082  }
0x22: {  	[simem:s7], [sflag:s8] =	dma.local @!p0 [hbm:s6], $0xF7A  }
0x23: {  	s9 =	sor.u32 $0xD0000000, s2;
	s6 =	simm.s32 $0x108;
	_ =	swait.ge @!p0 [sflag:s8], $0x0  }
0x24: {  	s3 =	sadd.s32 $0x88, s3;
	s6 =	simm.s32 @!p1 $0x1082;
	[sflag:s4] =	ssyncset.s32 $0xFFFFF086  }
0x25: {  	[simem:s6], [sflag:s4] =	dma.local [hbm:s3], $0xF7A  }
0x26: {  	[smem:$0x3F89] =	sst s1;
	(tag) =	ssettag s2;
	_ =	strace s9  }
0x27: {  	s1 =	sld [smem:$0x3F99]  }
0x28: {  	s2 =	sld [smem:$0x3F9A]  }
0x29: {  	s4 =	sld [smem:$0x3F9C]  }
0x2a: {  	p0 =	seq.s32 s5, $0x0;
	s5 =	sld [smem:$0x3F9D]  }
0x2b: {  	s6 =	sld [smem:$0x3F9E]  }
0x2c: {  	s7 =	sld [smem:$0x3F9F]  }
0x2d: {  	s3 =	simm.s32 $0x108;
	s8 =	sld [smem:$0x3FA0]  }
0x2e: {  	s3 =	simm.s32 @!p0 $0x1082;
	s9 =	sld [smem:$0x3FA1]  }
0x2f: {  	lr =	sadd.s32 s0, s3;
	s0 =	sld [smem:$0x3F98]  }
0x30: {  	s3 =	sld [smem:$0x3F9B]  }
0x31: {  	[smem:$0x3FA4] =	sst s10  }
0x32: {  	s10 =	sld [smem:$0x3FA2];
	_ =	sdelay $0x3  }
0x33: {  	p0 =	seq.s32 s10, $0x1;
	s10 =	sld [smem:$0x3FA4];
	_ =	sdelay $0x3  }
0x34: {  	[smem:$0x3FA4] =	sst s10  }
0x35: {  	s10 =	sld [smem:$0x3FA3];
	_ =	sdelay $0x3  }
0x36: {  	p1 =	seq.s32 s10, $0x1;
	s10 =	sld [smem:$0x3FA4];
	_ =	sdelay $0x3  }
0x37: {  	[smem:$0x3FA4] =	sst s10  }
0x38: {  	s10 =	sld [smem:$0x3FA5]  }
0x39: {  	_ = 	snop;
	(pc) =	sbr.ind lr, $3  }
0x3a: {  	_ = 	snop  }
0x3b: {  	_ = 	snop  }
0x3c: {  	p2 =	seq.s32 s10, $0x1;
	s10 =	sld [smem:$0x3FA4]  }
0x3d: {  	_ =	shalt  }
0x3e: {  	_ =	shalt  }
0x3f: {  	_ =	shalt  }
0x40: {  	_ =	shalt  }
0x41: {  	_ =	shalt  }
0x42: {  	_ =	shalt  }
0x43: {  	_ =	shalt  }
0x44: {  	_ =	shalt  }
0x45: {  	_ =	shalt  }
0x46: {  	_ =	shalt  }
0x47: {  	_ =	shalt  }
0x48: {  	_ =	shalt  }
0x49: {  	_ =	shalt  }
0x4a: {  	_ =	shalt  }
0x4b: {  	_ =	shalt  }
0x4c: {  	_ =	shalt  }
0x4d: {  	_ =	shalt  }
0x4e: {  	_ =	shalt  }
0x4f: {  	_ =	shalt  }
0x50: {  	_ =	shalt  }
0x51: {  	_ =	shalt  }
0x52: {  	_ =	shalt  }
0x53: {  	_ =	shalt  }
0x54: {  	_ =	shalt  }
0x55: {  	_ =	shalt  }
0x56: {  	_ =	shalt  }
0x57: {  	_ =	shalt  }
0x58: {  	_ =	shalt  }
0x59: {  	_ =	shalt  }
0x5a: {  	_ =	shalt  }
0x5b: {  	_ =	shalt  }
0x5c: {  	_ =	shalt  }
0x5d: {  	_ =	shalt  }
0x5e: {  	_ =	shalt  }
0x5f: {  	_ =	shalt  }
0x60: {  	_ =	shalt  }
0x61: {  	_ =	shalt  }
0x62: {  	_ =	shalt  }
0x63: {  	_ =	shalt  }
0x64: {  	_ =	shalt  }
0x65: {  	_ =	shalt  }
0x66: {  	_ =	shalt  }
0x67: {  	_ =	shalt  }
0x68: {  	_ =	shalt  }
0x69: {  	_ =	shalt  }
0x6a: {  	_ =	shalt  }
0x6b: {  	_ =	shalt  }
0x6c: {  	_ =	shalt  }
0x6d: {  	_ =	shalt  }
0x6e: {  	_ =	shalt  }
0x6f: {  	_ =	shalt  }
0x70: {  	_ =	shalt  }
0x71: {  	_ =	shalt  }
0x72: {  	_ =	shalt  }
0x73: {  	_ =	shalt  }
0x74: {  	_ =	shalt  }
0x75: {  	_ =	shalt  }
0x76: {  	_ =	shalt  }
0x77: {  	_ =	shalt  }
0x78: {  	_ =	shalt  }
0x79: {  	_ =	shalt  }
0x7a: {  	_ =	shalt  }
0x7b: {  	_ =	shalt  }
0x7c: {  	_ =	shalt  }
0x7d: {  	_ =	shalt  }
0x7e: {  	_ =	shalt  }
0x7f: {  	_ =	shalt  }
0x80: {  	_ =	shalt  }
0x81: {  	_ =	shalt  }
0x82: {  	_ =	shalt  }
0x83: {  	_ =	shalt  }
0x84: {  	_ =	shalt  }
0x85: {  	_ =	shalt  }
0x86: {  	_ =	shalt  }
0x87: {  	_ =	shalt  }
.Lfunc_end0:
.L_simem_size_0:
called_computation.4_lowered:
.L_overlay_start_0:
0x88: {  	s2 =	sld [smem:$0x3FD9]  }
0x89: {  	s3 =	sld [smem:$0x3FFE];
	_ =	sdelay $0x1  }
0x8a: {  	s1 =	srdreg.scid  }
0x8b: {  	s0 =	sand.u32 $0x1, s1  }
0x8c: {  	s16 =	sshll.u32 s0, $0xA;
	s2 =	sadd.s32 s3, s2  }
0x8d: {  	s2 =	sadd.s32 s2, s16  }
0x8e: {  	[smem:$0x3FB0] =	sst s2  }
0x8f: {  	_ = 	snop  }
0x90: {  	(tm) =	ssettm $0x1  }
0x91: {  	s17 =	sld [smem:$0x3FFB];
	_ =	sdelay $0x3  }
0x92: {  	_ =	strace s17  }
0x93: {  	s2 =	sld [smem:$0x3FFC];
	_ =	sdelay $0x3  }
0x94: {  	_ =	strace s2  }
0x95: {  	s2 =	sld [smem:$0x3FFD];
	_ =	sdelay $0x3  }
0x96: {  	_ =	strace s2  }
0x97: {  	_ =	strace $0x8FFFFFFF  }
0x98: {  	s18 =	sld [smem:$0x3FDB];
	_ =	sdelay $0x1  }
0x99: {  	s19 =	simm.s32 $_scs_section_size  }
0x9a: {  	s4 =	simm.s32 $_size__tile_overlayer_lowered;
	s5 =	simm.s32 $_tile_overlayer_lowered  }
0x9b: {  	s22 =	simm.s32 $0x1BFF;
	s21 =	sshll.u32 s5, $0x1;
	s2 =	sadd.s32 s19, s18  }
0x9c: {  	s6 =	simm.s32 $0x0;
	s20 =	sshll.u32 s4, $0x1;
	s4 =	sadd.s32 s21, s2  }
0x9d: {  	[timem:s6], [sflag:s22] =	dma.local [hbm:s4], s20  }
0x9e: {  	_ =	swait.ge [sflag:s22], s20  }
0x9f: {  	s3 =	ssub.s32 $0x0, s20;
	[sflag:s22] =	ssyncset.done $0x0  }
0xa0: {  	[sflag:s22] =	ssyncadd.s32 s3;
	_ =	sdelay $0x1  }
0xa1: {  	s23 =	simm.s32 $0x1B8B  }
0xa2: {  	_ =	swait.ge [sflag:s23], $0x1  }
0xa3: {  	[sflag:s23] =	ssyncset.done $0x0  }
0xa4: {  	s25 =	simm.s32 $0x1B8E;
	s24 =	sld [smem:$0x3FFE];
	[sflag:s23] =	ssyncadd.s32 $0xFFFFFFFF  }
0xa5: {  	s26 =	simm.s32 $execute0_lowered;
	[smem:$0x3FD2] =	sst s25  }
0xa6: {  	s4 =	sshll.u32 s26, $0x1;
	_ =	strace $0x80000046;
	[dreg:$0x1] =	wrdreg $0xFFFFFFFF  }
0xa7: {  	s28 =	simm.s32 $_size_execute0_lowered;
	s2 =	sadd.s32 s2, s4;
	[dreg:$0x0] =	wrdreg $0x0  }
0xa8: {  	s4 =	sshll.u32 s28, $0x1;
	[dreg:$0x2] =	wrdreg s2  }
0xa9: {  	[dreg:$0x3] =	wrdreg s4  }
0xaa: {  	[dreg:$0x4] =	wrdreg $0xC0  }
0xab: {  	_ =	task [dreg:s6], $0x5FFFF  }
0xac: {  	[dreg:$0x1] =	wrdreg $0xFFFFFFFF  }
0xad: {  	[dreg:$0x0] =	wrdreg $0x60  }
0xae: {  	[dreg:$0x2] =	wrdreg s24  }
0xaf: {  	[dreg:$0x3] =	wrdreg $0x9  }
0xb0: {  	_ =	task.clear_ibuf [dreg:s6], $0x4FFFF;
	_ =	strace $0x90000046  }
0xb1: {  	s29 =	simm.s32 $0x9;
	_ =	strace $0x80000048  }
0xb2: {  	_ =	swait.ge [sflag:s29], $0x1  }
0xb3: {  	[sflag:s29] =	ssyncadd.s32 $0xFFFFFFFF  }
0xb4: {  	_ =	strace $0x90000048  }
0xb5: {  	_ =	sfence  }
0xb6: {  	s30 =	sld [smem:$0x0];
	_ =	sdelay $0x2  }
0xb7: {  	s31 =	sshll.u32 s1, $0xD;
	s1 =	sshrl.u32 s1, $0x2  }
0xb8: {  	s3 =	sand.u32 $0x4000, s31;
	s1 =	sadd.s32 s1, s30  }
0xb9: {  	s0 =	sor.u32 s3, s0;
	s1 =	sshll.u32 s1, $0x11  }
0xba: {  	s0 =	sor.u32 s1, s0  }
0xbb: {  	s0 =	sadd.s32 $0x8F2B, s0  }
0xbc: {  	[sflag:s0] =	ssyncadd.remote.s32 $0x1  }
0xbd: {  	_ =	sfence.sel $0xFFFF  }
0xbe: {  	[dreg:$0x0] =	wrdreg $0xFFFFFFFF;
	(pc) =	sbr.abs _section_cstart, $3  }
0xbf: {  	[dreg:$0x1] =	wrdreg $0xFFFFFFFF  }
0xc0: {  	_ =	task.clear_ibuf [dreg:s6], $0x2FFFF;
	_ =	strace $0x9FFFFFFF  }
0xc1: {  	(tm) =	ssettm $0x7FFFFFFF  }
tec
execute0_lowered:
.L_overlay_start_1:
0x0: {  	(tag) =	ssettag $0x1  }
0x1: {  	s4 =	rddreg [dreg:$0x0]  }
0x2: {  	s0 =	rddreg [dreg:$0x1];
	s3 =	srdreg.scid  }
0x3: {  	s1 =	stileid.u32;
	s2 =	simm.s32 $0x0;
	s11 =	simm.s32 $0xA0  }
0x4: {  	s12 =	simm.s32 $0x14A0;
	s13 =	simm.s32 $0x1;
	s6 =	smul.u32 $0x4E20, s1  }
0x5: {  	s14 =	simm.s32 $0x2;
	s5 =	sand.u32 $0x1, s3;
	s8 =	smul.u32 $0x27100, s1  }
0x6: {  	s15 =	simm.s32 $0x0;
	[smem:$0x7FF] =	sst s2;
	s7 =	smul.u32 $0x2710, s5  }
0x7: {  	s3 =	sadd.s32 $0x42400, s4;
	s29 =	ssub.s32 $0x2, s5;
	s5 =	smul.u32 $0x13880, s5  }
0x8: {  	_ =	strace $0x80000047;
	s8 =	sadd.s32 s8, s4;
	s9 =	sshrl.u32 s29, $0x1  }
0x9: {  	s6 =	sadd.s32 s7, s6;
	s30 =	ssub.s32 s29, s9;
	s31 =	sadd.s32 s5, s8  }
0xa: {  	s9 =	simm.s32 $0x50;
	s6 =	sshrl.u32 s6, $0x3;
	s5 =	sadd.s32 $0x56400, s31  }
0xb: {  	s10 =	sadd.s32 s6, s4;
	s4 =	smax.u32 s30, $0x1;
	s6 =	sadd.s32 $0x2C7400, s31  }
0xc: {  	s7 =	sadd.s32 $0x6800, s10;
	s8 =	sadd.s32 $0x10600, s10;
	s10 =	simm.s32 $0x3  }
.LBB2_1:
0xd: {  	s16 =	sadd.s32 $0x0, s8  }
0xe: {  	[tilespmem:s9], [sflag:$0x3] =	stream.linear.gather [hbm4b:s16+s2], $0x50, $0x38;
	[tilespmem:$0x28A0] =	vst v63  }
0xf: {  	_ =	swait.ge [sflag:s10], $0x50  }
0x10: {  	[sflag:s10] =	ssyncset.done $0x0  }
0x11: {  	s31 =	sadd.s32 $0x0, s7;
	[sflag:s10] =	ssyncadd.s32 $0xFFFFFFB0  }
0x12: {  	[tilespmem:s2], [sflag:$0x3] =	stream.linear.gather [hbm4b:s31+s2], $0x50, $0x38;
	[tilespmem:$0x28A0] =	vst v63  }
0x13: {  	_ =	swait.ge [sflag:s10], $0x50  }
0x14: {  	[sflag:s10] =	ssyncset.done $0x0  }
0x15: {  	[sflag:s10] =	ssyncadd.s32 $0xFFFFFFB0  }
0x16: {  	[tilespmem:s11], [sflag:$0x1] =	stream.indirect.gather [hbm4b:s3+s9], $0x40, s9, s9, $0xb8;
	[tilespmem:$0x28A0] =	vst v63  }
0x17: {  	_ = 	snop  }
0x18: {  	[tilespmem:s12], [sflag:$0x2] =	stream.indirect.gather [hbm4b:s3+s9], $0x40, s2, s9, $0xb8;
	[tilespmem:$0x28A0] =	vst v63  }
0x19: {  	_ =	swait.ge [sflag:s13], $0x1400  }
0x1a: {  	[sflag:s13] =	ssyncset.done $0x0  }
0x1b: {  	[sflag:s13] =	ssyncadd.s32 $0xFFFFEC00  }
0x1c: {  	_ =	swait.ge [sflag:s14], $0x1400  }
0x1d: {  	[sflag:s14] =	ssyncset.done $0x0  }
0x1e: {  	[sflag:s14] =	ssyncadd.s32 $0xFFFFEC00  }
0x1f: {  	[hbm4b:s6+s2] =	stream.linear.scatter [tilespmem:s11], [sflag:$0x3], $0x1400, $0x38;
	[tilespmem:$0x28A0] =	vst v63  }
0x20: {  	_ =	swait.ge [sflag:s10], $0x1400  }
0x21: {  	[sflag:s10] =	ssyncset.done $0x0  }
0x22: {  	[sflag:s10] =	ssyncadd.s32 $0xFFFFEC00  }
0x23: {  	[hbm4b:s5+s2] =	stream.linear.scatter [tilespmem:s12], [sflag:$0x3], $0x1400, $0x38;
	[tilespmem:$0x28A0] =	vst v63  }
0x24: {  	s18 =	simm.s32 $0xA;
	s19 =	simm.s32 $0x14;
	_ =	swait.ge [sflag:s10], $0x1400  }
0x25: {  	s17 =	sadd.s32 $0x280, s6;
	s16 =	sadd.s32 $0x280, s5;
	[sflag:s10] =	ssyncset.done $0x0  }
.LBB2_2:
0x26: {  	s20 =	sadd.s32 s18, s8  }
0x27: {  	[sflag:s10] =	ssyncadd.s32 $0xFFFFEC00;
	s21 =	smov.u32 s19;
	s22 =	sadd.s32 $0xA, s19  }
0x28: {  	[tilespmem:s9], [sflag:$0x3] =	stream.linear.gather [hbm4b:s20+s2], $0x50, $0x38;
	[tilespmem:$0x28A0] =	vst v63  }
0x29: {  	p0 =	sne.s32 s19, $0x4D8;
	_ =	swait.ge [sflag:s10], $0x50  }
0x2a: {  	[sflag:s10] =	ssyncset.done $0x0  }
0x2b: {  	s19 =	sadd.s32 s18, s7;
	s18 =	smov.u32 s21;
	[sflag:s10] =	ssyncadd.s32 $0xFFFFFFB0  }
0x2c: {  	[tilespmem:s2], [sflag:$0x3] =	stream.linear.gather [hbm4b:s19+s2], $0x50, $0x38;
	[tilespmem:$0x28A0] =	vst v63  }
0x2d: {  	_ =	swait.ge [sflag:s10], $0x50  }
0x2e: {  	[sflag:s10] =	ssyncset.done $0x0  }
0x2f: {  	[sflag:s10] =	ssyncadd.s32 $0xFFFFFFB0  }
0x30: {  	[tilespmem:s11], [sflag:$0x1] =	stream.indirect.gather [hbm4b:s3+s9], $0x40, s9, s9, $0xb8;
	[tilespmem:$0x28A0] =	vst v63  }
0x31: {  	_ = 	snop  }
0x32: {  	[tilespmem:s12], [sflag:$0x2] =	stream.indirect.gather [hbm4b:s3+s9], $0x40, s2, s9, $0xb8;
	[tilespmem:$0x28A0] =	vst v63  }
0x33: {  	_ =	swait.ge [sflag:s13], $0x1400  }
0x34: {  	[sflag:s13] =	ssyncset.done $0x0  }
0x35: {  	[sflag:s13] =	ssyncadd.s32 $0xFFFFEC00  }
0x36: {  	_ =	swait.ge [sflag:s14], $0x1400  }
0x37: {  	[sflag:s14] =	ssyncset.done $0x0  }
0x38: {  	[sflag:s14] =	ssyncadd.s32 $0xFFFFEC00  }
0x39: {  	[hbm4b:s17+s2] =	stream.linear.scatter [tilespmem:s11], [sflag:$0x3], $0x1400, $0x38;
	[tilespmem:$0x28A0] =	vst v63  }
0x3a: {  	_ =	swait.ge [sflag:s10], $0x1400  }
.Ltmp0:
0x3b: {  	[sflag:s10] =	ssyncset.done $0x0;
	(pc) =	sbr.rel @p0 .LBB2_2-.Ltmp0, $4  }
0x3c: {  	[sflag:s10] =	ssyncadd.s32 $0xFFFFEC00  }
0x3d: {  	[hbm4b:s16+s2] =	stream.linear.scatter [tilespmem:s12], [sflag:$0x3], $0x1400, $0x38;
	[tilespmem:$0x28A0] =	vst v63  }
0x3e: {  	s19 =	smov.u32 s22;
	_ =	swait.ge [sflag:s10], $0x1400  }
0x3f: {  	s17 =	sadd.s32 $0x280, s17;
	s16 =	sadd.s32 $0x280, s16;
	[sflag:s10] =	ssyncset.done $0x0  }
0x40: {  	s19 =	sadd.s32 s18, s8;
	[sflag:s10] =	ssyncadd.s32 $0xFFFFEC00  }
0x41: {  	[tilespmem:s9], [sflag:$0x3] =	stream.linear.gather [hbm4b:s19+s2], $0x50, $0x38;
	[tilespmem:$0x28A0] =	vst v63  }
0x42: {  	_ =	swait.ge [sflag:s10], $0x50  }
0x43: {  	[sflag:s10] =	ssyncset.done $0x0  }
0x44: {  	s31 =	sadd.s32 s18, s7;
	[sflag:s10] =	ssyncadd.s32 $0xFFFFFFB0  }
0x45: {  	[tilespmem:s2], [sflag:$0x3] =	stream.linear.gather [hbm4b:s31+s2], $0x50, $0x38;
	[tilespmem:$0x28A0] =	vst v63  }
0x46: {  	_ =	swait.ge [sflag:s10], $0x50  }
0x47: {  	[sflag:s10] =	ssyncset.done $0x0  }
0x48: {  	[sflag:s10] =	ssyncadd.s32 $0xFFFFFFB0  }
0x49: {  	[tilespmem:s11], [sflag:$0x1] =	stream.indirect.gather [hbm4b:s3+s9], $0x40, s9, s9, $0xb8;
	[tilespmem:$0x28A0] =	vst v63  }
0x4a: {  	_ = 	snop  }
0x4b: {  	[tilespmem:s12], [sflag:$0x2] =	stream.indirect.gather [hbm4b:s3+s9], $0x40, s2, s9, $0xb8;
	[tilespmem:$0x28A0] =	vst v63  }
0x4c: {  	_ =	swait.ge [sflag:s13], $0x1400  }
0x4d: {  	[sflag:s13] =	ssyncset.done $0x0  }
0x4e: {  	[sflag:s13] =	ssyncadd.s32 $0xFFFFEC00  }
0x4f: {  	_ =	swait.ge [sflag:s14], $0x1400  }
0x50: {  	[sflag:s14] =	ssyncset.done $0x0  }
0x51: {  	[sflag:s14] =	ssyncadd.s32 $0xFFFFEC00  }
0x52: {  	[hbm4b:s17+s2] =	stream.linear.scatter [tilespmem:s11], [sflag:$0x3], $0x1400, $0x38;
	[tilespmem:$0x28A0] =	vst v63  }
0x53: {  	s15 =	sadd.s32 $0x1, s15;
	_ =	swait.ge [sflag:s10], $0x1400  }
0x54: {  	p0 =	sne.s32 s15, s4;
	[sflag:s10] =	ssyncset.done $0x0  }
.Ltmp1:
0x55: {  	[sflag:s10] =	ssyncadd.s32 $0xFFFFEC00;
	(pc) =	sbr.rel @p0 .LBB2_1-.Ltmp1, $4  }
0x56: {  	[hbm4b:s16+s2] =	stream.linear.scatter [tilespmem:s12], [sflag:$0x3], $0x1400, $0x38;
	[tilespmem:$0x28A0] =	vst v63  }
0x57: {  	_ =	swait.ge [sflag:s10], $0x1400  }
0x58: {  	[sflag:s10] =	ssyncset.done $0x0  }
0x59: {  	[sflag:s10] =	ssyncadd.s32 $0xFFFFEC00  }
0x5a: {  	_ =	sfence.sel $0x180000  }
0x5b: {  	[bflag:$0x0] =	sbarrier.arrive $0xFFFF  }
0x5c: {  	p0 =	sne.s32 s1, $0x0;
	_ =	strace $0x90000047  }
0x5d: {  	s0 =	sadd.s32 @!p0 $0x100000, s0;
	[bflag:$0x2] =	sbarrier.arrive $0xFFFF  }
0x5e: {  	[sflag:s0] =	ssyncadd.tile.s32 @!p0 $0x1;
	_ =	shalt  }
.Lfunc_end2:
_tile_overlayer_lowered:
.L_overlay_start_2:
0x5f: {  	(tag) =	ssettag $0x2  }
0x60: {  	s0 =	rddreg [dreg:$0x0];
	s2 =	stileid.u32  }
0x61: {  	s1 =	rddreg [dreg:$0x1];
	p0 =	sne.s32 s2, $0x0  }
0x62: {  	s3 =	rddreg [dreg:$0x2];
	[bflag:$0x3] =	sbarrier.arrive $0xFFFF;
	s2 =	simm.s32 @!p0 $0x1C03  }
0x63: {  	[timem:s3], [sflag:s2] =	dma.local @!p0 [hbm:s0], s1  }
0x64: {  	s0 =	simm.s32 @!p0 $0x3  }
0x65: {  	_ =	swait.ge @!p0 [sflag:s0], s1  }
0x66: {  	s1 =	ssub.s32 @!p0 $0x0, s1;
	[sflag:s0] =	ssyncset.done @!p0 $0x0  }
0x67: {  	[sflag:s0] =	ssyncadd.s32 @!p0 s1  }
0x68: {  	[bflag:$0x3] =	sbarrier.arrive $0xFFFF  }
0x69: {  	_ =	shalt  }

// kernel: sparse-core-data-format-call.1.cloned.1.call-start
scs
called_computation.1_lowered:
.L_overlay_start_0:
0x0: {  	s1 =	sld [smem:$0x3FD9]  }
0x1: {  	s2 =	sld [smem:$0x3FFE];
	_ =	sdelay $0x1  }
0x2: {  	s3 =	srdreg.scid  }
0x3: {  	s0 =	sand.u32 $0x1, s3  }
0x4: {  	s17 =	sshll.u32 s0, $0xA;
	s1 =	sadd.s32 s2, s1  }
0x5: {  	s1 =	sadd.s32 s1, s17  }
0x6: {  	[smem:$0x3FB0] =	sst s1  }
0x7: {  	_ = 	snop  }
0x8: {  	(tm) =	ssettm $0x1  }
0x9: {  	s18 =	sld [smem:$0x3FFB];
	_ =	sdelay $0x3  }
0xa: {  	_ =	strace s18  }
0xb: {  	s1 =	sld [smem:$0x3FFC];
	_ =	sdelay $0x3  }
0xc: {  	_ =	strace s1  }
0xd: {  	s1 =	sld [smem:$0x3FFD];
	_ =	sdelay $0x3  }
0xe: {  	_ =	strace s1  }
0xf: {  	_ =	strace $0x8FFFFFFF  }
0x10: {  	s19 =	sld [smem:$0x3FDB];
	_ =	sdelay $0x1  }
0x11: {  	s20 =	simm.s32 $_scs_section_size  }
0x12: {  	s4 =	simm.s32 $_size__tile_overlayer_lowered;
	s5 =	simm.s32 $_tile_overlayer_lowered  }
0x13: {  	s23 =	simm.s32 $0x1BFF;
	s22 =	sshll.u32 s5, $0x1;
	s1 =	sadd.s32 s20, s19  }
0x14: {  	s6 =	simm.s32 $0x0;
	s21 =	sshll.u32 s4, $0x1;
	s4 =	sadd.s32 s22, s1  }
0x15: {  	[timem:s6], [sflag:s23] =	dma.local [hbm:s4], s21  }
0x16: {  	_ =	swait.ge [sflag:s23], s21  }
0x17: {  	s2 =	ssub.s32 $0x0, s21;
	[sflag:s23] =	ssyncset.done $0x0  }
0x18: {  	[sflag:s23] =	ssyncadd.s32 s2;
	_ =	sdelay $0x1  }
0x19: {  	s24 =	simm.s32 $0x1B8B  }
0x1a: {  	_ =	swait.ge [sflag:s24], $0x1  }
0x1b: {  	[sflag:s24] =	ssyncset.done $0x0  }
0x1c: {  	s26 =	simm.s32 $0x1B8E;
	s25 =	sld [smem:$0x3FFE];
	[sflag:s24] =	ssyncadd.s32 $0xFFFFFFFF  }
0x1d: {  	s27 =	simm.s32 $execute0_lowered;
	[smem:$0x3FD2] =	sst s26  }
0x1e: {  	s4 =	sshll.u32 s27, $0x1;
	_ =	strace $0x8000005B;
	[dreg:$0x1] =	wrdreg $0xFFFFFFFF  }
0x1f: {  	s28 =	simm.s32 $_size_execute0_lowered;
	s1 =	sadd.s32 s1, s4;
	[dreg:$0x0] =	wrdreg $0x0  }
0x20: {  	s4 =	sshll.u32 s28, $0x1;
	[dreg:$0x2] =	wrdreg s1  }
0x21: {  	[dreg:$0x3] =	wrdreg s4  }
0x22: {  	[dreg:$0x4] =	wrdreg $0xC0  }
0x23: {  	_ =	task [dreg:s6], $0x5FFFF  }
0x24: {  	[dreg:$0x1] =	wrdreg $0xFFFFFFFF  }
0x25: {  	[dreg:$0x0] =	wrdreg $0x60  }
0x26: {  	[dreg:$0x2] =	wrdreg s25  }
0x27: {  	[dreg:$0x3] =	wrdreg $0x9  }
0x28: {  	_ =	task.clear_ibuf [dreg:s6], $0x4FFFF;
	_ =	strace $0x9000005B  }
0x29: {  	s29 =	simm.s32 $0x9;
	_ =	strace $0x8000005D  }
0x2a: {  	_ =	swait.ge [sflag:s29], $0x1  }
0x2b: {  	[sflag:s29] =	ssyncadd.s32 $0xFFFFFFFF  }
0x2c: {  	_ =	strace $0x9000005D  }
0x2d: {  	_ =	sfence  }
0x2e: {  	s30 =	sld [smem:$0x0];
	_ =	sdelay $0x2  }
0x2f: {  	s31 =	sshll.u32 s3, $0xD;
	s3 =	sshrl.u32 s3, $0x2  }
0x30: {  	s2 =	sand.u32 $0x4000, s31;
	s1 =	sadd.s32 s3, s30  }
0x31: {  	s0 =	sor.u32 s2, s0;
	s1 =	sshll.u32 s1, $0x11  }
0x32: {  	s0 =	sor.u32 s1, s0  }
0x33: {  	s0 =	sadd.s32 $0x8F2B, s0  }
0x34: {  	[sflag:s0] =	ssyncadd.remote.s32 $0x1  }
0x35: {  	_ =	sfence.sel $0xFFFF  }
0x36: {  	[dreg:$0x0] =	wrdreg $0xFFFFFFFF;
	(pc) =	sbr.abs _section_cstart, $3  }
0x37: {  	[dreg:$0x1] =	wrdreg $0xFFFFFFFF  }
0x38: {  	_ =	task.clear_ibuf [dreg:s6], $0x2FFFF;
	_ =	strace $0x9FFFFFFF  }
0x39: {  	(tm) =	ssettm $0x7FFFFFFF  }
tec
execute0_lowered:
.L_overlay_start_1:
0x0: {  	(tag) =	ssettag $0x1  }
0x1: {  	s0 =	srdreg.scid  }
0x2: {  	s1 =	sshll.u32 s0, $0x4  }
0x3: {  	s4 =	rddreg [dreg:$0x0];
	s0 =	stileid.u32;
	s1 =	sand.u32 $0x10, s1  }
0x4: {  	s7 =	simm.s32 $0x1;
	s8 =	simm.s32 $0x2;
	s2 =	sor.u32 s0, s1  }
0x5: {  	s11 =	simm.s32 $0x0;
	s10 =	simm.s32 $0x0;
	s2 =	sshll.u32 s2, $0x7  }
0x6: {  	s3 =	sadd.s32 $0x8E1E00, s4;
	s4 =	sadd.s32 $0x1A400, s4;
	s6 =	ssub.s32 $0x4E200, s2  }
.Ltmp0:
0x7: {  	s1 =	rddreg [dreg:$0x1];
	s5 =	sand.u32 $0xF80, s6;
	(pc) =	sbr.rel .LBB1_1-.Ltmp0, $4  }
0x8: {  	_ =	strace $0x8000005C;
	s9 =	smov.u32 s2;
	p0 =	sne.s32 s5, $0x0  }
0x9: {  	s6 =	sshrl.u32 s6, $0xC;
	s5 =	simm.s32 $0x1;
	s7 =	simm.s32 @!p0 $0x0  }
0xa: {  	[sflag:s5] =	ssyncpa.u1 $0x0;
	p0 =	por $0x0, $0x0;
	s6 =	sadd.s32 s7, s6  }
0xb: {  	[sflag:s8] =	ssyncpa.u1 $0x0;
	s8 =	simm.s32 $0x271000;
	s7 =	sadd.s32 $0x1, s6  }
.LBB1_4:
0xc: {  	s14 =	sshll.u32 s11, $0x3  }
0xd: {  	s30 =	sand.u32 $0x7F, s11;
	s14 =	sand.u32 $0xFFFFFC00, s14  }
0xe: {  	s11 =	sor.u32 s30, s14  }
0xf: {  	s15 =	smulhi.u32 $0xD1B71759, s11;
	_ =	sdelay $0x1  }
0x10: {  	s14 =	smulhi.u32 $0xD1B71759, s14;
	s15 =	sshrl.u32 s15, $0x12  }
0x11: {  	s15 =	smul.u32 $0x4E200, s15  }
0x12: {  	s14 =	sshrl.u32 s14, $0x12  }
0x13: {  	s14 =	sand.u32 $0x3F, s14;
	s11 =	ssub.s32 s11, s15  }
0x14: {  	[tilespmem:s13+$0x810 ss:$0x81] =	vst.msk $0xffff, v2;
	s14 =	smul.u32 $0x9C40, s14;
	s15 =	sshrl.u32 s11, $0x3;
	s11 =	sand.u32 $0x7, s11  }
0x15: {  	[tilespmem:s13+$0x1020 ss:$0x81] =	vst.msk $0xffff, v0;
	s15 =	sadd.s32 s4, s15;
	s11 =	sshll.u32 s11, $0x12  }
0x16: {  	[tilespmem:s13+$0x0 ss:$0x81] =	vst.msk $0xffff, v1;
	s31 =	sadd.s32 s14, s15;
	s11 =	sor.u32 $0x400, s11  }
0x17: {  	[hbm4b:s31+s11] =	stream.strided.scatter [tilespmem:s12], [sflag:$0x2], $0x2000, s8, s11, $0x20;
	[tilespmem:$0x8080] =	vst v63  }
.LBB1_5:
0x18: {  	s13 =	sadd.s32 $0x1000, s9  }
0x19: {  	p2 =	sgt.s32 s13, $0x4E1FF  }
0x1a: {  	s13 =	smov.u32 @p2 s2;
	p2 =	sne.s32 s10, s7  }
.Ltmp1:
0x1b: {  	p1 =	slt.u32 s10, $0x2;
	(pc) =	sbr.rel @!p2 .LBB1_6-.Ltmp1, $4  }
0x1c: {  	s12 =	simm.s32 @!p1 $0x2  }
0x1d: {  	s14 =	sadd.s32 $0x1, s10;
	_ =	swait.ge @!p1 [sflag:s12], $0x2000  }
0x1e: {  	s11 =	smov.u32 s9;
	p0 =	por !p0, !p0;
	[sflag:s12] =	ssyncset.done @!p1 $0x0  }
0x1f: {  	s10 =	smov.u32 s14;
	s9 =	smov.u32 s13;
	[sflag:s12] =	ssyncadd.s32 @!p1 $0xFFFFE000  }
.LBB1_1:
0x20: {  	p1 =	sge.u32 s10, s6  }
0x21: {  	s12 =	sand.u32 @!p1 $0x1FFFFFF, s9  }
0x22: {  	s13 =	smulhi.u32 @!p1 $0x1A36E2F, s12;
	_ =	sdelay $0x1  }
0x23: {  	s13 =	sshrl.u32 @!p1 s13, $0xB  }
0x24: {  	s13 =	smul.u32 @!p1 $0x4E200, s13;
	_ =	sdelay $0x1  }
0x25: {  	s31 =	sadd.s32 $0xFFFFFFFF, s10;
	s14 =	sxor.u32 @!p1 $0xFFFFFFFF, s10;
	s12 =	ssub.s32 @!p1 s12, s13  }
0x26: {  	s15 =	simm.s32 @!p1 $0x80;
	s14 =	sshll.u32 @!p1 s14, $0xD;
	s12 =	sshll.u32 @!p1 s12, $0x4  }
0x27: {  	s13 =	sand.u32 @!p1 $0x2000, s14;
	s14 =	simm.s32 @!p1 $0x40;
	s12 =	sadd.s32 @!p1 s3, s12  }
0x28: {  	[tilespmem:s13], [sflag:$0x1] =	stream.strided.gather @!p1 [hbm4b:s12+s14], $0x2000, s15, s14, $0x38;
	[tilespmem:$0x8080] =	vst v63  }
0x29: {  	p1 =	sge.u32 s31, s6  }
.Ltmp2:
0x2a: {  	_ = 	snop;
	(pc) =	sbr.rel @p1 .LBB1_5-.Ltmp2, $1  }
0x2b: {  	_ =	sdelay $0x3  }
0x2c: {  	s12 =	simm.s32 $0x1  }
0x2d: {  	_ =	swait.ge [sflag:s5], $0x2000;
	s12 =	simm.s32 @!p0 $0x0  }
0x2e: {  	[sflag:s5] =	ssyncset.done $0x0;
	s13 =	sshll.u32 s12, $0xD  }
0x2f: {  	[sflag:s5] =	ssyncadd.s32 $0xFFFFE000;
	s16 =	sor.u32 $0x20, s13  }
0x30: {  	s12 =	smul.u32 $0x8100, s12;
	v3 =	vld [tilespmem:s16+$0x10]  }
0x31: {  	s30 =	sand.u32 $0x1, s10;
	v2 =	vld [tilespmem:s16+$0xFFFFFFF0]  }
0x32: {  	s13 =	smul.u32 $0x8100, s30;
	s12 =	sshrl.u32 s12, $0x2;
	v0 =	vld [tilespmem:s16+$0x0]  }
0x33: {  	v1 =	vld [tilespmem:s16+$0xFFFFFFE0];
	s14 =	sor.u32 $0x4000, s12  }
0x34: {  	s31 =	sshrl.u32 s13, $0x2;
	s13 =	sadd.s32 $0x0, s14  }
0x35: {  	s15 =	simm.s32 $0x4;
	s16 =	sadd.s32 $0x40, s16;
	s12 =	sor.u32 $0x4000, s31;
	[tilespmem:s13+$0x1830 ss:$0x81] =	vst.msk $0xffff, v3  }
.LBB1_3:
0x36: {  	v3 =	vld [tilespmem:s16+$0x10];
	p1 =	sne.s32 s15, $0x1FC;
	[tilespmem:s13+$0x810 ss:$0x81] =	vst.msk $0xffff, v2;
	s17 =	smov.u32 s15;
	s15 =	sadd.s32 $0x4, s15  }
.Ltmp3:
0x37: {  	v2 =	vld [tilespmem:s16+$0xFFFFFFF0];
	[tilespmem:s13+$0x1020 ss:$0x81] =	vst.msk $0xffff, v0;
	(pc) =	sbr.rel @p1 .LBB1_3-.Ltmp3, $4  }
0x38: {  	v0 =	vld [tilespmem:s16+$0x0];
	[tilespmem:s13+$0x0 ss:$0x81] =	vst.msk $0xffff, v1  }
0x39: {  	s13 =	sshra.s32 s17, $0x2;
	v1 =	vld [tilespmem:s16+$0xFFFFFFE0]  }
0x3a: {  	s13 =	sadd.s32 s13, s14  }
0x3b: {  	s16 =	sadd.s32 $0x40, s16;
	[tilespmem:s13+$0x1830 ss:$0x81] =	vst.msk $0xffff, v3  }
.Ltmp4:
0x3c: {  	_ = 	snop;
	(pc) =	sbr.rel .LBB1_4-.Ltmp4, $1  }
0x3d: {  	_ =	sdelay $0x3  }
.LBB1_6:
0x3e: {  	_ =	sfence.sel $0x180000  }
0x3f: {  	s2 =	simm.s32 $0x1;
	[bflag:$0x0] =	sbarrier.arrive $0xFFFF  }
0x40: {  	s31 =	simm.s32 $0x2;
	[sflag:s2] =	ssyncpa.u1 $0x1  }
0x41: {  	[sflag:s31] =	ssyncpa.u1 $0x1  }
0x42: {  	p0 =	sne.s32 s0, $0x0;
	_ =	strace $0x9000005C  }
0x43: {  	s0 =	sadd.s32 @!p0 $0x100000, s1;
	[bflag:$0x2] =	sbarrier.arrive $0xFFFF  }
0x44: {  	[sflag:s0] =	ssyncadd.tile.s32 @!p0 $0x1;
	_ =	shalt  }
.Lfunc_end1:
_tile_overlayer_lowered:
.L_overlay_start_2:
0x45: {  	(tag) =	ssettag $0x2  }
0x46: {  	s0 =	rddreg [dreg:$0x0];
	s2 =	stileid.u32  }
0x47: {  	s1 =	rddreg [dreg:$0x1];
	p0 =	sne.s32 s2, $0x0  }
0x48: {  	s3 =	rddreg [dreg:$0x2];
	[bflag:$0x3] =	sbarrier.arrive $0xFFFF;
	s2 =	simm.s32 @!p0 $0x1C01  }
0x49: {  	[timem:s3], [sflag:s2] =	dma.local @!p0 [hbm:s0], s1  }
0x4a: {  	s0 =	simm.s32 @!p0 $0x1  }
0x4b: {  	_ =	swait.ge @!p0 [sflag:s0], s1  }
0x4c: {  	s1 =	ssub.s32 @!p0 $0x0, s1;
	[sflag:s0] =	ssyncset.done @!p0 $0x0  }
0x4d: {  	[sflag:s0] =	ssyncadd.s32 @!p0 s1  }
0x4e: {  	[bflag:$0x3] =	sbarrier.arrive $0xFFFF  }
0x4f: {  	_ =	shalt  }

// kernel: sparse-core-data-format-call.2.cloned.1.call-start
scs
called_computation.2_lowered:
.L_overlay_start_0:
0x0: {  	s1 =	sld [smem:$0x3FD9]  }
0x1: {  	s2 =	sld [smem:$0x3FFE];
	_ =	sdelay $0x1  }
0x2: {  	s3 =	srdreg.scid  }
0x3: {  	s0 =	sand.u32 $0x1, s3  }
0x4: {  	s17 =	sshll.u32 s0, $0xA;
	s1 =	sadd.s32 s2, s1  }
0x5: {  	s1 =	sadd.s32 s1, s17  }
0x6: {  	[smem:$0x3FB0] =	sst s1  }
0x7: {  	_ = 	snop  }
0x8: {  	(tm) =	ssettm $0x1  }
0x9: {  	s18 =	sld [smem:$0x3FFB];
	_ =	sdelay $0x3  }
0xa: {  	_ =	strace s18  }
0xb: {  	s1 =	sld [smem:$0x3FFC];
	_ =	sdelay $0x3  }
0xc: {  	_ =	strace s1  }
0xd: {  	s1 =	sld [smem:$0x3FFD];
	_ =	sdelay $0x3  }
0xe: {  	_ =	strace s1  }
0xf: {  	_ =	strace $0x8FFFFFFF  }
0x10: {  	s19 =	sld [smem:$0x3FDB];
	_ =	sdelay $0x1  }
0x11: {  	s20 =	simm.s32 $_scs_section_size  }
0x12: {  	s4 =	simm.s32 $_size__tile_overlayer_lowered;
	s5 =	simm.s32 $_tile_overlayer_lowered  }
0x13: {  	s23 =	simm.s32 $0x1BFF;
	s22 =	sshll.u32 s5, $0x1;
	s1 =	sadd.s32 s20, s19  }
0x14: {  	s6 =	simm.s32 $0x0;
	s21 =	sshll.u32 s4, $0x1;
	s4 =	sadd.s32 s22, s1  }
0x15: {  	[timem:s6], [sflag:s23] =	dma.local [hbm:s4], s21  }
0x16: {  	_ =	swait.ge [sflag:s23], s21  }
0x17: {  	s2 =	ssub.s32 $0x0, s21;
	[sflag:s23] =	ssyncset.done $0x0  }
0x18: {  	[sflag:s23] =	ssyncadd.s32 s2;
	_ =	sdelay $0x1  }
0x19: {  	s24 =	simm.s32 $0x1B8B  }
0x1a: {  	_ =	swait.ge [sflag:s24], $0x1  }
0x1b: {  	[sflag:s24] =	ssyncset.done $0x0  }
0x1c: {  	s26 =	simm.s32 $0x1B8E;
	s25 =	sld [smem:$0x3FFE];
	[sflag:s24] =	ssyncadd.s32 $0xFFFFFFFF  }
0x1d: {  	s27 =	simm.s32 $execute0_lowered;
	[smem:$0x3FD2] =	sst s26  }
0x1e: {  	s4 =	sshll.u32 s27, $0x1;
	_ =	strace $0x8000004C;
	[dreg:$0x1] =	wrdreg $0xFFFFFFFF  }
0x1f: {  	s28 =	simm.s32 $_size_execute0_lowered;
	s1 =	sadd.s32 s1, s4;
	[dreg:$0x0] =	wrdreg $0x0  }
0x20: {  	s4 =	sshll.u32 s28, $0x1;
	[dreg:$0x2] =	wrdreg s1  }
0x21: {  	[dreg:$0x3] =	wrdreg s4  }
0x22: {  	[dreg:$0x4] =	wrdreg $0xC0  }
0x23: {  	_ =	task [dreg:s6], $0x5FFFF  }
0x24: {  	[dreg:$0x1] =	wrdreg $0xFFFFFFFF  }
0x25: {  	[dreg:$0x0] =	wrdreg $0x60  }
0x26: {  	[dreg:$0x2] =	wrdreg s25  }
0x27: {  	[dreg:$0x3] =	wrdreg $0x9  }
0x28: {  	_ =	task.clear_ibuf [dreg:s6], $0x4FFFF;
	_ =	strace $0x9000004C  }
0x29: {  	s29 =	simm.s32 $0x9;
	_ =	strace $0x8000004E  }
0x2a: {  	_ =	swait.ge [sflag:s29], $0x1  }
0x2b: {  	[sflag:s29] =	ssyncadd.s32 $0xFFFFFFFF  }
0x2c: {  	_ =	strace $0x9000004E  }
0x2d: {  	_ =	sfence  }
0x2e: {  	s30 =	sld [smem:$0x0];
	_ =	sdelay $0x2  }
0x2f: {  	s31 =	sshll.u32 s3, $0xD;
	s3 =	sshrl.u32 s3, $0x2  }
0x30: {  	s2 =	sand.u32 $0x4000, s31;
	s1 =	sadd.s32 s3, s30  }
0x31: {  	s0 =	sor.u32 s2, s0;
	s1 =	sshll.u32 s1, $0x11  }
0x32: {  	s0 =	sor.u32 s1, s0  }
0x33: {  	s0 =	sadd.s32 $0x8F2B, s0  }
0x34: {  	[sflag:s0] =	ssyncadd.remote.s32 $0x1  }
0x35: {  	_ =	sfence.sel $0xFFFF  }
0x36: {  	[dreg:$0x0] =	wrdreg $0xFFFFFFFF;
	(pc) =	sbr.abs _section_cstart, $3  }
0x37: {  	[dreg:$0x1] =	wrdreg $0xFFFFFFFF  }
0x38: {  	_ =	task.clear_ibuf [dreg:s6], $0x2FFFF;
	_ =	strace $0x9FFFFFFF  }
0x39: {  	(tm) =	ssettm $0x7FFFFFFF  }
tec
execute0_lowered:
.L_overlay_start_1:
0x0: {  	(tag) =	ssettag $0x1  }
0x1: {  	s0 =	srdreg.scid  }
0x2: {  	s6 =	rddreg [dreg:$0x0];
	s7 =	simm.s32 $0x1;
	s1 =	sshll.u32 s0, $0x4  }
0x3: {  	s8 =	simm.s32 $0x2;
	s0 =	stileid.u32;
	s1 =	sand.u32 $0x10, s1  }
0x4: {  	s13 =	simm.s32 $0x0;
	s12 =	simm.s32 $0x0;
	s1 =	sor.u32 s0, s1  }
0x5: {  	s10 =	simm.s32 $0x0;
	s11 =	simm.s32 $0x0;
	s2 =	sshll.u32 s1, $0x8  }
0x6: {  	s3 =	sadd.s32 $0x42400, s6;
	s6 =	sadd.s32 $0xB52E00, s6;
	s5 =	ssub.s32 $0x4E200, s2  }
.Ltmp0:
0x7: {  	s1 =	rddreg [dreg:$0x1];
	s4 =	sand.u32 $0x1F00, s5;
	(pc) =	sbr.rel .LBB1_1-.Ltmp0, $4  }
0x8: {  	_ =	strace $0x8000004D;
	s9 =	smov.u32 s2;
	p0 =	sne.s32 s4, $0x0  }
0x9: {  	s5 =	sshrl.u32 s5, $0xD;
	s4 =	simm.s32 $0x1;
	s7 =	simm.s32 @!p0 $0x0  }
0xa: {  	[sflag:s4] =	ssyncpa.u1 $0x0;
	p0 =	por $0x0, $0x0;
	s5 =	sadd.s32 s7, s5  }
0xb: {  	[sflag:s8] =	ssyncpa.u1 $0x0;
	s8 =	simm.s32 $0x80;
	s7 =	sadd.s32 $0x1, s5  }
.LBB1_4:
0xc: {  	_ =	sdelay $0x3  }
0xd: {  	s21 =	sor.u32 s24, s23;
	v47 =	vld.idx.msk [tilespmem:v0+s16+$0x470 ss:$0x1], $0xffff  }
0xe: {  	v57 =	vld.idx.msk [tilespmem:v0+s21+$0x410 ss:$0x1], $0xffff  }
0xf: {  	v58 =	vld.idx.msk [tilespmem:v0+s21+$0x420 ss:$0x1], $0xffff  }
0x10: {  	[tilespmem:s18+$0x1860 ss:$0x41] =	vst.msk $0xffff, v8;
	v59 =	vld.idx.msk [tilespmem:v0+s21+$0x430 ss:$0x1], $0xffff  }
0x11: {  	[tilespmem:s18+$0x1C70 ss:$0x41] =	vst.msk $0xffff, v7;
	v60 =	vld.idx.msk [tilespmem:v0+s21+$0x440 ss:$0x1], $0xffff  }
0x12: {  	[tilespmem:s18+$0x2490 ss:$0x41] =	vst.msk $0xffff, v1;
	s22 =	sand.u32 $0x3B00, s21;
	v61 =	vld.idx.msk [tilespmem:v0+s21+$0x450 ss:$0x1], $0xffff  }
0x13: {  	s20 =	sand.u32 $0x80, s20;
	[tilespmem:s18+$0x28A0 ss:$0x41] =	vst.msk $0xffff, v2;
	v62 =	vld.idx.msk [tilespmem:v0+s21+$0x460 ss:$0x1], $0xffff;
	s15 =	sadd.s32 s22, s15  }
0x14: {  	[tilespmem:s18+$0x2CB0 ss:$0x41] =	vst.msk $0xffff, v3;
	v63 =	vld.idx.msk [tilespmem:v0+s21+$0x470 ss:$0x1], $0xffff;
	s15 =	sadd.s32 s20, s15  }
0x15: {  	[tilespmem:s18+$0x30C0 ss:$0x41] =	vst.msk $0xffff, v4;
	v48 =	vld [tilespmem:s15+$0x400]  }
0x16: {  	[tilespmem:s18+$0x34D0 ss:$0x41] =	vst.msk $0xffff, v5;
	v49 =	vld [tilespmem:s15+$0x0]  }
0x17: {  	s25 =	sshra.s32 s19, $0x2;
	[tilespmem:s18+$0x38E0 ss:$0x41] =	vst.msk $0xffff, v6;
	v50 =	vld [tilespmem:s15+$0x10]  }
0x18: {  	s16 =	sadd.s32 s25, s17;
	v51 =	vld [tilespmem:s15+$0x20];
	[tilespmem:s18+$0x3CF0 ss:$0x41] =	vst.msk $0xffff, v47  }
0x19: {  	v52 =	vld [tilespmem:s15+$0x30];
	[tilespmem:s16+$0x2490 ss:$0x41] =	vst.msk $0xffff, v57  }
0x1a: {  	v53 =	vld [tilespmem:s15+$0x40];
	[tilespmem:s16+$0x28A0 ss:$0x41] =	vst.msk $0xffff, v58  }
0x1b: {  	v54 =	vld [tilespmem:s15+$0x50];
	[tilespmem:s16+$0x2CB0 ss:$0x41] =	vst.msk $0xffff, v59  }
0x1c: {  	s13 =	sshll.u32 s13, $0x7;
	s26 =	sshll.u32 s12, $0x3;
	v55 =	vld [tilespmem:s15+$0x60];
	[tilespmem:s16+$0x30C0 ss:$0x41] =	vst.msk $0xffff, v60  }
0x1d: {  	s27 =	sand.u32 $0xFFFFFC00, s13;
	v56 =	vld [tilespmem:s15+$0x70];
	s15 =	sand.u32 $0xFFFFFC00, s26;
	[tilespmem:s16+$0x34D0 ss:$0x41] =	vst.msk $0xffff, v61  }
0x1e: {  	s13 =	sand.u32 $0x380, s13;
	s15 =	sadd.s32 s15, s27;
	[tilespmem:s16+$0x38E0 ss:$0x41] =	vst.msk $0xffff, v62  }
0x1f: {  	s13 =	sor.u32 s13, s15;
	[tilespmem:s16+$0x3CF0 ss:$0x41] =	vst.msk $0xffff, v63  }
0x20: {  	s13 =	sshrl.u32 s13, $0x7;
	[tilespmem:s16+$0x2080 ss:$0x41] =	vst.msk $0xffff, v48  }
0x21: {  	s28 =	smulhi.u32 $0x1A36E2F, s13;
	[tilespmem:s16+$0x0 ss:$0x41] =	vst.msk $0xffff, v49  }
0x22: {  	[tilespmem:s16+$0x410 ss:$0x41] =	vst.msk $0xffff, v50  }
0x23: {  	[tilespmem:s16+$0x820 ss:$0x41] =	vst.msk $0xffff, v51;
	s15 =	sshrl.u32 s28, $0xB  }
0x24: {  	[tilespmem:s16+$0xC30 ss:$0x41] =	vst.msk $0xffff, v52;
	s15 =	smul.u32 $0x4E200, s15  }
0x25: {  	s29 =	sshrl.u32 s12, $0x3;
	[tilespmem:s16+$0x1040 ss:$0x41] =	vst.msk $0xffff, v53  }
0x26: {  	s31 =	sand.u32 $0x7, s12;
	s30 =	sand.u32 $0xF, s29;
	[tilespmem:s16+$0x1450 ss:$0x41] =	vst.msk $0xffff, v54;
	s13 =	ssub.s32 s13, s15  }
0x27: {  	s12 =	sshll.u32 s31, $0x12;
	[tilespmem:s16+$0x1860 ss:$0x41] =	vst.msk $0xffff, v55;
	s15 =	sadd.s32 s6, s30;
	s13 =	sshll.u32 s13, $0x4  }
0x28: {  	s12 =	sor.u32 $0x40, s12;
	[tilespmem:s16+$0x1C70 ss:$0x41] =	vst.msk $0xffff, v56;
	s13 =	sadd.s32 s13, s15  }
0x29: {  	[hbm4b:s13+s12] =	stream.strided.scatter [tilespmem:s14], [sflag:$0x2], $0x4000, s8, s12, $0x18;
	[tilespmem:$0x10200] =	vst v63  }
.LBB1_5:
0x2a: {  	s14 =	sadd.s32 $0x2000, s9  }
0x2b: {  	s12 =	sadd.s32 $0x40, s10;
	s16 =	smov.u32 s10;
	p2 =	sgt.s32 s14, $0x4E1FF  }
0x2c: {  	s16 =	smov.u32 @p2 s12  }
0x2d: {  	s14 =	smov.u32 @p2 s2;
	p2 =	sgt.s32 s16, $0x3F  }
0x2e: {  	s16 =	simm.s32 @p2 $0x0;
	p2 =	sne.s32 s11, s7  }
.Ltmp1:
0x2f: {  	p1 =	slt.u32 s11, $0x2;
	(pc) =	sbr.rel @!p2 .LBB1_6-.Ltmp1, $4  }
0x30: {  	s15 =	simm.s32 @!p1 $0x2  }
0x31: {  	s13 =	smov.u32 s9;
	p0 =	por !p0, !p0;
	_ =	swait.ge @!p1 [sflag:s15], $0x4000  }
0x32: {  	s12 =	smov.u32 s10;
	[sflag:s15] =	ssyncset.done @!p1 $0x0;
	s9 =	smov.u32 s14  }
0x33: {  	s11 =	sadd.s32 $0x1, s11;
	[sflag:s15] =	ssyncadd.s32 @!p1 $0xFFFFC000;
	s10 =	smov.u32 s16  }
.LBB1_1:
0x34: {  	p1 =	sge.u32 s11, s5  }
0x35: {  	s14 =	sshrl.u32 @!p1 s10, $0x3  }
0x36: {  	s15 =	sshll.u32 @!p1 s9, $0x3;
	s14 =	smul.u32 @!p1 $0x271000, s14  }
0x37: {  	s16 =	sshll.u32 @!p1 s10, $0x7;
	s15 =	sand.u32 @!p1 $0xFFFFFC00, s15  }
0x38: {  	s14 =	sadd.s32 @!p1 s14, s15;
	s15 =	sand.u32 @!p1 $0x380, s16  }
0x39: {  	s16 =	sand.u32 @!p1 $0x7F, s9;
	s14 =	sor.u32 @!p1 s15, s14  }
0x3a: {  	s15 =	sor.u32 @!p1 s16, s14  }
0x3b: {  	s16 =	smulhi.u32 @!p1 $0xD1B71759, s15;
	_ =	sdelay $0x1  }
0x3c: {  	s14 =	smulhi.u32 @!p1 $0xD1B71759, s14;
	s16 =	sshrl.u32 @!p1 s16, $0x12  }
0x3d: {  	s16 =	smul.u32 @!p1 $0x4E200, s16  }
0x3e: {  	s31 =	sadd.s32 $0xFFFFFFFF, s11;
	s17 =	sxor.u32 @!p1 $0xFFFFFFFF, s11;
	s14 =	sshrl.u32 @!p1 s14, $0x12  }
0x3f: {  	s17 =	sshll.u32 @!p1 s17, $0xE;
	s14 =	sand.u32 @!p1 $0x3F, s14;
	s15 =	ssub.s32 @!p1 s15, s16  }
0x40: {  	s14 =	smul.u32 @!p1 $0x9C40, s14;
	s16 =	sshrl.u32 @!p1 s15, $0x3;
	s15 =	sand.u32 @!p1 $0x7, s15  }
0x41: {  	s17 =	sand.u32 @!p1 $0x4000, s17;
	s16 =	sadd.s32 @!p1 s3, s16;
	s15 =	sshll.u32 @!p1 s15, $0x12  }
0x42: {  	s14 =	sadd.s32 @!p1 s14, s16;
	s15 =	sor.u32 @!p1 $0x800, s15;
	s16 =	simm.s32 @!p1 $0x271000  }
0x43: {  	[tilespmem:s17], [sflag:$0x1] =	stream.strided.gather @!p1 [hbm4b:s14+s15], $0x4000, s16, s15, $0x38;
	[tilespmem:$0x10200] =	vst v63  }
0x44: {  	p1 =	sge.u32 s31, s5  }
.Ltmp2:
0x45: {  	_ = 	snop;
	(pc) =	sbr.rel @p1 .LBB1_5-.Ltmp2, $1  }
0x46: {  	_ =	sdelay $0x3  }
0x47: {  	s17 =	simm.s32 $0x0  }
0x48: {  	s16 =	sand.u32 $0x3800, s17;
	s18 =	sand.u32 $0x380, s17  }
0x49: {  	s14 =	sand.u32 $0x1, s11;
	s16 =	sor.u32 s18, s16  }
0x4a: {  	_ =	swait.ge [sflag:s4], $0x4000;
	s15 =	sshll.u32 s14, $0xE;
	s18 =	sand.u32 $0x3B00, s16  }
0x4b: {  	[sflag:s4] =	ssyncset.done $0x0;
	s17 =	sand.u32 $0x80, s17;
	s18 =	sadd.s32 s18, s15  }
0x4c: {  	[sflag:s4] =	ssyncadd.s32 $0xFFFFC000;
	s20 =	sadd.s32 s17, s18  }
0x4d: {  	v4 =	vld [tilespmem:s20+$0x400]  }
0x4e: {  	s19 =	simm.s32 $0x1;
	v5 =	vld [tilespmem:s20+$0x0]  }
0x4f: {  	s19 =	simm.s32 @!p0 $0x0;
	v6 =	vld [tilespmem:s20+$0x10]  }
0x50: {  	v0 =	vmov s15;
	s31 =	smul.u32 $0x10400, s19;
	v7 =	vld [tilespmem:s20+$0x20]  }
0x51: {  	v9 =	vld [tilespmem:s20+$0x30]  }
0x52: {  	s17 =	sshrl.u32 s31, $0x2;
	v10 =	vld [tilespmem:s20+$0x40]  }
0x53: {  	s17 =	sor.u32 $0x8000, s17;
	v11 =	vld [tilespmem:s20+$0x50]  }
0x54: {  	v8 =	vld [tilespmem:s20+$0x60];
	s18 =	sadd.s32 $0x0, s17  }
0x55: {  	v1 =	vld.idx.msk [tilespmem:v0+s16+$0x410 ss:$0x1], $0xffff;
	[tilespmem:s18+$0x2080 ss:$0x41] =	vst.msk $0xffff, v4  }
0x56: {  	v2 =	vld.idx.msk [tilespmem:v0+s16+$0x420 ss:$0x1], $0xffff;
	[tilespmem:s18+$0x0 ss:$0x41] =	vst.msk $0xffff, v5  }
0x57: {  	v3 =	vld.idx.msk [tilespmem:v0+s16+$0x430 ss:$0x1], $0xffff;
	[tilespmem:s18+$0x410 ss:$0x41] =	vst.msk $0xffff, v6  }
0x58: {  	s14 =	smul.u32 $0x10400, s14;
	[tilespmem:s18+$0x820 ss:$0x41] =	vst.msk $0xffff, v7;
	v7 =	vld [tilespmem:s20+$0x70]  }
0x59: {  	s21 =	simm.s32 $0x100;
	s22 =	simm.s32 $0x8;
	[tilespmem:s18+$0xC30 ss:$0x41] =	vst.msk $0xffff, v9;
	v4 =	vld.idx.msk [tilespmem:v0+s16+$0x440 ss:$0x1], $0xffff  }
0x5a: {  	s23 =	sand.u32 $0x3800, s21;
	s14 =	sshrl.u32 s14, $0x2;
	[tilespmem:s18+$0x1040 ss:$0x41] =	vst.msk $0xffff, v10;
	v5 =	vld.idx.msk [tilespmem:v0+s16+$0x450 ss:$0x1], $0xffff;
	s20 =	simm.s32 $0x80  }
0x5b: {  	s19 =	simm.s32 $0x4;
	s14 =	sor.u32 $0x8000, s14;
	[tilespmem:s18+$0x1450 ss:$0x41] =	vst.msk $0xffff, v11;
	v6 =	vld.idx.msk [tilespmem:v0+s16+$0x460 ss:$0x1], $0xffff;
	s24 =	sand.u32 $0x380, s20  }
.LBB1_3:
0x5c: {  	p1 =	sne.s32 s22, $0xFC;
	[tilespmem:s18+$0x1860 ss:$0x41] =	vst.msk $0xffff, v8;
	v8 =	vld.idx.msk [tilespmem:v0+s16+$0x470 ss:$0x1], $0xffff;
	s16 =	sor.u32 s24, s23  }
0x5d: {  	s23 =	sand.u32 $0x3B00, s16;
	v9 =	vld.idx.msk [tilespmem:v0+s16+$0x410 ss:$0x1], $0xffff;
	[tilespmem:s18+$0x1C70 ss:$0x41] =	vst.msk $0xffff, v7  }
0x5e: {  	s24 =	sand.u32 $0x80, s20;
	s23 =	sadd.s32 s23, s15;
	v7 =	vld.idx.msk [tilespmem:v0+s16+$0x420 ss:$0x1], $0xffff;
	[tilespmem:s18+$0x2490 ss:$0x41] =	vst.msk $0xffff, v1  }
0x5f: {  	s23 =	sadd.s32 s24, s23;
	v10 =	vld.idx.msk [tilespmem:v0+s16+$0x430 ss:$0x1], $0xffff;
	[tilespmem:s18+$0x28A0 ss:$0x41] =	vst.msk $0xffff, v2  }
0x60: {  	v11 =	vld [tilespmem:s23+$0x400];
	[tilespmem:s18+$0x2CB0 ss:$0x41] =	vst.msk $0xffff, v3  }
0x61: {  	v12 =	vld [tilespmem:s23+$0x0];
	[tilespmem:s18+$0x30C0 ss:$0x41] =	vst.msk $0xffff, v4  }
0x62: {  	v4 =	vld [tilespmem:s23+$0x10];
	[tilespmem:s18+$0x34D0 ss:$0x41] =	vst.msk $0xffff, v5  }
0x63: {  	s24 =	sshra.s32 s19, $0x2;
	s19 =	smov.u32 s22;
	v1 =	vmov v9;
	v5 =	vld [tilespmem:s23+$0x20];
	[tilespmem:s18+$0x38E0 ss:$0x41] =	vst.msk $0xffff, v6  }
0x64: {  	v2 =	vmov v7;
	v6 =	vld [tilespmem:s23+$0x30];
	[tilespmem:s18+$0x3CF0 ss:$0x41] =	vst.msk $0xffff, v8;
	s18 =	sadd.s32 s24, s17  }
0x65: {  	v3 =	vmov v10;
	v9 =	vld [tilespmem:s23+$0x40];
	[tilespmem:s18+$0x2080 ss:$0x41] =	vst.msk $0xffff, v11  }
0x66: {  	[tilespmem:s18+$0x0 ss:$0x41] =	vst.msk $0xffff, v12;
	v10 =	vld [tilespmem:s23+$0x50]  }
.Ltmp3:
0x67: {  	[tilespmem:s18+$0x410 ss:$0x41] =	vst.msk $0xffff, v4;
	v8 =	vld [tilespmem:s23+$0x60];
	(pc) =	sbr.rel @p1 .LBB1_3-.Ltmp3, $4  }
0x68: {  	[tilespmem:s18+$0x820 ss:$0x41] =	vst.msk $0xffff, v5;
	v7 =	vld [tilespmem:s23+$0x70]  }
0x69: {  	[tilespmem:s18+$0xC30 ss:$0x41] =	vst.msk $0xffff, v6;
	v4 =	vld.idx.msk [tilespmem:v0+s16+$0x440 ss:$0x1], $0xffff  }
0x6a: {  	s20 =	sadd.s32 $0x80, s20;
	s21 =	sadd.s32 $0x100, s21;
	[tilespmem:s18+$0x1040 ss:$0x41] =	vst.msk $0xffff, v9;
	v5 =	vld.idx.msk [tilespmem:v0+s16+$0x450 ss:$0x1], $0xffff  }
0x6b: {  	s22 =	sadd.s32 $0x4, s22;
	s24 =	sand.u32 $0x380, s20;
	s23 =	sand.u32 $0x3800, s21;
	[tilespmem:s18+$0x1450 ss:$0x41] =	vst.msk $0xffff, v10;
	v6 =	vld.idx.msk [tilespmem:v0+s16+$0x460 ss:$0x1], $0xffff  }
.Ltmp4:
0x6c: {  	_ = 	snop;
	(pc) =	sbr.rel .LBB1_4-.Ltmp4, $1  }
0x6d: {  	_ =	sdelay $0x3  }
.LBB1_6:
0x6e: {  	_ =	sfence.sel $0x180000  }
0x6f: {  	s2 =	simm.s32 $0x1;
	[bflag:$0x0] =	sbarrier.arrive $0xFFFF  }
0x70: {  	s31 =	simm.s32 $0x2;
	[sflag:s2] =	ssyncpa.u1 $0x1  }
0x71: {  	[sflag:s31] =	ssyncpa.u1 $0x1  }
0x72: {  	p0 =	sne.s32 s0, $0x0;
	_ =	strace $0x9000004D  }
0x73: {  	s0 =	sadd.s32 @!p0 $0x100000, s1;
	[bflag:$0x2] =	sbarrier.arrive $0xFFFF  }
0x74: {  	[sflag:s0] =	ssyncadd.tile.s32 @!p0 $0x1;
	_ =	shalt  }
.Lfunc_end1:
_tile_overlayer_lowered:
.L_overlay_start_2:
0x75: {  	(tag) =	ssettag $0x2  }
0x76: {  	s0 =	rddreg [dreg:$0x0];
	s2 =	stileid.u32  }
0x77: {  	s1 =	rddreg [dreg:$0x1];
	p0 =	sne.s32 s2, $0x0  }
0x78: {  	s3 =	rddreg [dreg:$0x2];
	[bflag:$0x3] =	sbarrier.arrive $0xFFFF;
	s2 =	simm.s32 @!p0 $0x1C01  }
0x79: {  	[timem:s3], [sflag:s2] =	dma.local @!p0 [hbm:s0], s1  }
0x7a: {  	s0 =	simm.s32 @!p0 $0x1  }
0x7b: {  	_ =	swait.ge @!p0 [sflag:s0], s1  }
0x7c: {  	s1 =	ssub.s32 @!p0 $0x0, s1;
	[sflag:s0] =	ssyncset.done @!p0 $0x0  }
0x7d: {  	[sflag:s0] =	ssyncadd.s32 @!p0 s1  }
0x7e: {  	[bflag:$0x3] =	sbarrier.arrive $0xFFFF  }
0x7f: {  	_ =	shalt  }

// kernel: sparse-core-data-format-call.3.cloned.1.call-start
scs
called_computation.3_lowered:
.L_overlay_start_0:
0x0: {  	s1 =	sld [smem:$0x3FD9]  }
0x1: {  	s2 =	sld [smem:$0x3FFE];
	_ =	sdelay $0x1  }
0x2: {  	s3 =	srdreg.scid  }
0x3: {  	s0 =	sand.u32 $0x1, s3  }
0x4: {  	s17 =	sshll.u32 s0, $0xA;
	s1 =	sadd.s32 s2, s1  }
0x5: {  	s1 =	sadd.s32 s1, s17  }
0x6: {  	[smem:$0x3FB0] =	sst s1  }
0x7: {  	_ = 	snop  }
0x8: {  	(tm) =	ssettm $0x1  }
0x9: {  	s18 =	sld [smem:$0x3FFB];
	_ =	sdelay $0x3  }
0xa: {  	_ =	strace s18  }
0xb: {  	s1 =	sld [smem:$0x3FFC];
	_ =	sdelay $0x3  }
0xc: {  	_ =	strace s1  }
0xd: {  	s1 =	sld [smem:$0x3FFD];
	_ =	sdelay $0x3  }
0xe: {  	_ =	strace s1  }
0xf: {  	_ =	strace $0x8FFFFFFF  }
0x10: {  	s19 =	sld [smem:$0x3FDB];
	_ =	sdelay $0x1  }
0x11: {  	s20 =	simm.s32 $_scs_section_size  }
0x12: {  	s4 =	simm.s32 $_size__tile_overlayer_lowered;
	s5 =	simm.s32 $_tile_overlayer_lowered  }
0x13: {  	s23 =	simm.s32 $0x1BFF;
	s22 =	sshll.u32 s5, $0x1;
	s1 =	sadd.s32 s20, s19  }
0x14: {  	s6 =	simm.s32 $0x0;
	s21 =	sshll.u32 s4, $0x1;
	s4 =	sadd.s32 s22, s1  }
0x15: {  	[timem:s6], [sflag:s23] =	dma.local [hbm:s4], s21  }
0x16: {  	_ =	swait.ge [sflag:s23], s21  }
0x17: {  	s2 =	ssub.s32 $0x0, s21;
	[sflag:s23] =	ssyncset.done $0x0  }
0x18: {  	[sflag:s23] =	ssyncadd.s32 s2;
	_ =	sdelay $0x1  }
0x19: {  	s24 =	simm.s32 $0x1B8B  }
0x1a: {  	_ =	swait.ge [sflag:s24], $0x1  }
0x1b: {  	[sflag:s24] =	ssyncset.done $0x0  }
0x1c: {  	s26 =	simm.s32 $0x1B8E;
	s25 =	sld [smem:$0x3FFE];
	[sflag:s24] =	ssyncadd.s32 $0xFFFFFFFF  }
0x1d: {  	s27 =	simm.s32 $execute0_lowered;
	[smem:$0x3FD2] =	sst s26  }
0x1e: {  	s4 =	sshll.u32 s27, $0x1;
	_ =	strace $0x80000049;
	[dreg:$0x1] =	wrdreg $0xFFFFFFFF  }
0x1f: {  	s28 =	simm.s32 $_size_execute0_lowered;
	s1 =	sadd.s32 s1, s4;
	[dreg:$0x0] =	wrdreg $0x0  }
0x20: {  	s4 =	sshll.u32 s28, $0x1;
	[dreg:$0x2] =	wrdreg s1  }
0x21: {  	[dreg:$0x3] =	wrdreg s4  }
0x22: {  	[dreg:$0x4] =	wrdreg $0xC0  }
0x23: {  	_ =	task [dreg:s6], $0x5FFFF  }
0x24: {  	[dreg:$0x1] =	wrdreg $0xFFFFFFFF  }
0x25: {  	[dreg:$0x0] =	wrdreg $0x60  }
0x26: {  	[dreg:$0x2] =	wrdreg s25  }
0x27: {  	[dreg:$0x3] =	wrdreg $0x9  }
0x28: {  	_ =	task.clear_ibuf [dreg:s6], $0x4FFFF;
	_ =	strace $0x90000049  }
0x29: {  	s29 =	simm.s32 $0x9;
	_ =	strace $0x8000004B  }
0x2a: {  	_ =	swait.ge [sflag:s29], $0x1  }
0x2b: {  	[sflag:s29] =	ssyncadd.s32 $0xFFFFFFFF  }
0x2c: {  	_ =	strace $0x9000004B  }
0x2d: {  	_ =	sfence  }
0x2e: {  	s30 =	sld [smem:$0x0];
	_ =	sdelay $0x2  }
0x2f: {  	s31 =	sshll.u32 s3, $0xD;
	s3 =	sshrl.u32 s3, $0x2  }
0x30: {  	s2 =	sand.u32 $0x4000, s31;
	s1 =	sadd.s32 s3, s30  }
0x31: {  	s0 =	sor.u32 s2, s0;
	s1 =	sshll.u32 s1, $0x11  }
0x32: {  	s0 =	sor.u32 s1, s0  }
0x33: {  	s0 =	sadd.s32 $0x8F2B, s0  }
0x34: {  	[sflag:s0] =	ssyncadd.remote.s32 $0x1  }
0x35: {  	_ =	sfence.sel $0xFFFF  }
0x36: {  	[dreg:$0x0] =	wrdreg $0xFFFFFFFF;
	(pc) =	sbr.abs _section_cstart, $3  }
0x37: {  	[dreg:$0x1] =	wrdreg $0xFFFFFFFF  }
0x38: {  	_ =	task.clear_ibuf [dreg:s6], $0x2FFFF;
	_ =	strace $0x9FFFFFFF  }
0x39: {  	(tm) =	ssettm $0x7FFFFFFF  }
tec
execute0_lowered:
.L_overlay_start_1:
0x0: {  	(tag) =	ssettag $0x1  }
0x1: {  	s0 =	srdreg.scid  }
0x2: {  	s1 =	sshll.u32 s0, $0x4  }
0x3: {  	s4 =	rddreg [dreg:$0x0];
	s0 =	stileid.u32;
	s1 =	sand.u32 $0x10, s1  }
0x4: {  	s7 =	simm.s32 $0x1;
	s8 =	simm.s32 $0x2;
	s2 =	sor.u32 s0, s1  }
0x5: {  	s11 =	simm.s32 $0x0;
	s10 =	simm.s32 $0x0;
	s2 =	sshll.u32 s2, $0x7  }
0x6: {  	s3 =	sadd.s32 $0x670E00, s4;
	s4 =	sadd.s32 $0x42400, s4;
	s6 =	ssub.s32 $0x4E200, s2  }
.Ltmp0:
0x7: {  	s1 =	rddreg [dreg:$0x1];
	s5 =	sand.u32 $0xF80, s6;
	(pc) =	sbr.rel .LBB1_1-.Ltmp0, $4  }
0x8: {  	_ =	strace $0x8000004A;
	s9 =	smov.u32 s2;
	p0 =	sne.s32 s5, $0x0  }
0x9: {  	s6 =	sshrl.u32 s6, $0xC;
	s5 =	simm.s32 $0x1;
	s7 =	simm.s32 @!p0 $0x0  }
0xa: {  	[sflag:s5] =	ssyncpa.u1 $0x0;
	p0 =	por $0x0, $0x0;
	s6 =	sadd.s32 s7, s6  }
0xb: {  	[sflag:s8] =	ssyncpa.u1 $0x0;
	s8 =	simm.s32 $0x271000;
	s7 =	sadd.s32 $0x1, s6  }
.LBB1_4:
0xc: {  	s14 =	sshll.u32 s11, $0x3  }
0xd: {  	s30 =	sand.u32 $0x7F, s11;
	s14 =	sand.u32 $0xFFFFFC00, s14  }
0xe: {  	s11 =	sor.u32 s30, s14  }
0xf: {  	s15 =	smulhi.u32 $0xD1B71759, s11;
	_ =	sdelay $0x1  }
0x10: {  	s14 =	smulhi.u32 $0xD1B71759, s14;
	s15 =	sshrl.u32 s15, $0x12  }
0x11: {  	s15 =	smul.u32 $0x4E200, s15  }
0x12: {  	s14 =	sshrl.u32 s14, $0x12  }
0x13: {  	s14 =	sand.u32 $0x3F, s14;
	s11 =	ssub.s32 s11, s15  }
0x14: {  	[tilespmem:s13+$0x810 ss:$0x81] =	vst.msk $0xffff, v2;
	s14 =	smul.u32 $0x9C40, s14;
	s15 =	sshrl.u32 s11, $0x3;
	s11 =	sand.u32 $0x7, s11  }
0x15: {  	[tilespmem:s13+$0x1020 ss:$0x81] =	vst.msk $0xffff, v0;
	s15 =	sadd.s32 s4, s15;
	s11 =	sshll.u32 s11, $0x12  }
0x16: {  	[tilespmem:s13+$0x0 ss:$0x81] =	vst.msk $0xffff, v1;
	s31 =	sadd.s32 s14, s15;
	s11 =	sor.u32 $0x400, s11  }
0x17: {  	[hbm4b:s31+s11] =	stream.strided.scatter [tilespmem:s12], [sflag:$0x2], $0x2000, s8, s11, $0x20;
	[tilespmem:$0x8080] =	vst v63  }
.LBB1_5:
0x18: {  	s13 =	sadd.s32 $0x1000, s9  }
0x19: {  	p2 =	sgt.s32 s13, $0x4E1FF  }
0x1a: {  	s13 =	smov.u32 @p2 s2;
	p2 =	sne.s32 s10, s7  }
.Ltmp1:
0x1b: {  	p1 =	slt.u32 s10, $0x2;
	(pc) =	sbr.rel @!p2 .LBB1_6-.Ltmp1, $4  }
0x1c: {  	s12 =	simm.s32 @!p1 $0x2  }
0x1d: {  	s14 =	sadd.s32 $0x1, s10;
	_ =	swait.ge @!p1 [sflag:s12], $0x2000  }
0x1e: {  	s11 =	smov.u32 s9;
	p0 =	por !p0, !p0;
	[sflag:s12] =	ssyncset.done @!p1 $0x0  }
0x1f: {  	s10 =	smov.u32 s14;
	s9 =	smov.u32 s13;
	[sflag:s12] =	ssyncadd.s32 @!p1 $0xFFFFE000  }
.LBB1_1:
0x20: {  	p1 =	sge.u32 s10, s6  }
0x21: {  	s12 =	sand.u32 @!p1 $0x1FFFFFF, s9  }
0x22: {  	s13 =	smulhi.u32 @!p1 $0x1A36E2F, s12;
	_ =	sdelay $0x1  }
0x23: {  	s13 =	sshrl.u32 @!p1 s13, $0xB  }
0x24: {  	s13 =	smul.u32 @!p1 $0x4E200, s13;
	_ =	sdelay $0x1  }
0x25: {  	s31 =	sadd.s32 $0xFFFFFFFF, s10;
	s14 =	sxor.u32 @!p1 $0xFFFFFFFF, s10;
	s12 =	ssub.s32 @!p1 s12, s13  }
0x26: {  	s15 =	simm.s32 @!p1 $0x80;
	s14 =	sshll.u32 @!p1 s14, $0xD;
	s12 =	sshll.u32 @!p1 s12, $0x4  }
0x27: {  	s13 =	sand.u32 @!p1 $0x2000, s14;
	s14 =	simm.s32 @!p1 $0x40;
	s12 =	sadd.s32 @!p1 s3, s12  }
0x28: {  	[tilespmem:s13], [sflag:$0x1] =	stream.strided.gather @!p1 [hbm4b:s12+s14], $0x2000, s15, s14, $0x38;
	[tilespmem:$0x8080] =	vst v63  }
0x29: {  	p1 =	sge.u32 s31, s6  }
.Ltmp2:
0x2a: {  	_ = 	snop;
	(pc) =	sbr.rel @p1 .LBB1_5-.Ltmp2, $1  }
0x2b: {  	_ =	sdelay $0x3  }
0x2c: {  	s12 =	simm.s32 $0x1  }
0x2d: {  	_ =	swait.ge [sflag:s5], $0x2000;
	s12 =	simm.s32 @!p0 $0x0  }
0x2e: {  	[sflag:s5] =	ssyncset.done $0x0;
	s13 =	sshll.u32 s12, $0xD  }
0x2f: {  	[sflag:s5] =	ssyncadd.s32 $0xFFFFE000;
	s16 =	sor.u32 $0x20, s13  }
0x30: {  	s12 =	smul.u32 $0x8100, s12;
	v3 =	vld [tilespmem:s16+$0x10]  }
0x31: {  	s30 =	sand.u32 $0x1, s10;
	v2 =	vld [tilespmem:s16+$0xFFFFFFF0]  }
0x32: {  	s13 =	smul.u32 $0x8100, s30;
	s12 =	sshrl.u32 s12, $0x2;
	v0 =	vld [tilespmem:s16+$0x0]  }
0x33: {  	v1 =	vld [tilespmem:s16+$0xFFFFFFE0];
	s14 =	sor.u32 $0x4000, s12  }
0x34: {  	s31 =	sshrl.u32 s13, $0x2;
	s13 =	sadd.s32 $0x0, s14  }
0x35: {  	s15 =	simm.s32 $0x4;
	s16 =	sadd.s32 $0x40, s16;
	s12 =	sor.u32 $0x4000, s31;
	[tilespmem:s13+$0x1830 ss:$0x81] =	vst.msk $0xffff, v3  }
.LBB1_3:
0x36: {  	v3 =	vld [tilespmem:s16+$0x10];
	p1 =	sne.s32 s15, $0x1FC;
	[tilespmem:s13+$0x810 ss:$0x81] =	vst.msk $0xffff, v2;
	s17 =	smov.u32 s15;
	s15 =	sadd.s32 $0x4, s15  }
.Ltmp3:
0x37: {  	v2 =	vld [tilespmem:s16+$0xFFFFFFF0];
	[tilespmem:s13+$0x1020 ss:$0x81] =	vst.msk $0xffff, v0;
	(pc) =	sbr.rel @p1 .LBB1_3-.Ltmp3, $4  }
0x38: {  	v0 =	vld [tilespmem:s16+$0x0];
	[tilespmem:s13+$0x0 ss:$0x81] =	vst.msk $0xffff, v1  }
0x39: {  	s13 =	sshra.s32 s17, $0x2;
	v1 =	vld [tilespmem:s16+$0xFFFFFFE0]  }
0x3a: {  	s13 =	sadd.s32 s13, s14  }
0x3b: {  	s16 =	sadd.s32 $0x40, s16;
	[tilespmem:s13+$0x1830 ss:$0x81] =	vst.msk $0xffff, v3  }
.Ltmp4:
0x3c: {  	_ = 	snop;
	(pc) =	sbr.rel .LBB1_4-.Ltmp4, $1  }
0x3d: {  	_ =	sdelay $0x3  }
.LBB1_6:
0x3e: {  	_ =	sfence.sel $0x180000  }
0x3f: {  	s2 =	simm.s32 $0x1;
	[bflag:$0x0] =	sbarrier.arrive $0xFFFF  }
0x40: {  	s31 =	simm.s32 $0x2;
	[sflag:s2] =	ssyncpa.u1 $0x1  }
0x41: {  	[sflag:s31] =	ssyncpa.u1 $0x1  }
0x42: {  	p0 =	sne.s32 s0, $0x0;
	_ =	strace $0x9000004A  }
0x43: {  	s0 =	sadd.s32 @!p0 $0x100000, s1;
	[bflag:$0x2] =	sbarrier.arrive $0xFFFF  }
0x44: {  	[sflag:s0] =	ssyncadd.tile.s32 @!p0 $0x1;
	_ =	shalt  }
.Lfunc_end1:
_tile_overlayer_lowered:
.L_overlay_start_2:
0x45: {  	(tag) =	ssettag $0x2  }
0x46: {  	s0 =	rddreg [dreg:$0x0];
	s2 =	stileid.u32  }
0x47: {  	s1 =	rddreg [dreg:$0x1];
	p0 =	sne.s32 s2, $0x0  }
0x48: {  	s3 =	rddreg [dreg:$0x2];
	[bflag:$0x3] =	sbarrier.arrive $0xFFFF;
	s2 =	simm.s32 @!p0 $0x1C01  }
0x49: {  	[timem:s3], [sflag:s2] =	dma.local @!p0 [hbm:s0], s1  }
0x4a: {  	s0 =	simm.s32 @!p0 $0x1  }
0x4b: {  	_ =	swait.ge @!p0 [sflag:s0], s1  }
0x4c: {  	s1 =	ssub.s32 @!p0 $0x0, s1;
	[sflag:s0] =	ssyncset.done @!p0 $0x0  }
0x4d: {  	[sflag:s0] =	ssyncadd.s32 @!p0 s1  }
0x4e: {  	[bflag:$0x3] =	sbarrier.arrive $0xFFFF  }
0x4f: {  	_ =	shalt  }

// kernel: sparse-core-data-format-call.cloned.1.call-start
scs
called_computation_lowered:
.L_overlay_start_0:
0x0: {  	s1 =	sld [smem:$0x3FD9]  }
0x1: {  	s2 =	sld [smem:$0x3FFE];
	_ =	sdelay $0x1  }
0x2: {  	s3 =	srdreg.scid  }
0x3: {  	s0 =	sand.u32 $0x1, s3  }
0x4: {  	s17 =	sshll.u32 s0, $0xA;
	s1 =	sadd.s32 s2, s1  }
0x5: {  	s1 =	sadd.s32 s1, s17  }
0x6: {  	[smem:$0x3FB0] =	sst s1  }
0x7: {  	_ = 	snop  }
0x8: {  	(tm) =	ssettm $0x1  }
0x9: {  	s18 =	sld [smem:$0x3FFB];
	_ =	sdelay $0x3  }
0xa: {  	_ =	strace s18  }
0xb: {  	s1 =	sld [smem:$0x3FFC];
	_ =	sdelay $0x3  }
0xc: {  	_ =	strace s1  }
0xd: {  	s1 =	sld [smem:$0x3FFD];
	_ =	sdelay $0x3  }
0xe: {  	_ =	strace s1  }
0xf: {  	_ =	strace $0x8FFFFFFF  }
0x10: {  	s19 =	sld [smem:$0x3FDB];
	_ =	sdelay $0x1  }
0x11: {  	s20 =	simm.s32 $_scs_section_size  }
0x12: {  	s4 =	simm.s32 $_size__tile_overlayer_lowered;
	s5 =	simm.s32 $_tile_overlayer_lowered  }
0x13: {  	s23 =	simm.s32 $0x1BFF;
	s22 =	sshll.u32 s5, $0x1;
	s1 =	sadd.s32 s20, s19  }
0x14: {  	s6 =	simm.s32 $0x0;
	s21 =	sshll.u32 s4, $0x1;
	s4 =	sadd.s32 s22, s1  }
0x15: {  	[timem:s6], [sflag:s23] =	dma.local [hbm:s4], s21  }
0x16: {  	_ =	swait.ge [sflag:s23], s21  }
0x17: {  	s2 =	ssub.s32 $0x0, s21;
	[sflag:s23] =	ssyncset.done $0x0  }
0x18: {  	[sflag:s23] =	ssyncadd.s32 s2;
	_ =	sdelay $0x1  }
0x19: {  	s24 =	simm.s32 $0x1B8B  }
0x1a: {  	_ =	swait.ge [sflag:s24], $0x1  }
0x1b: {  	[sflag:s24] =	ssyncset.done $0x0  }
0x1c: {  	s26 =	simm.s32 $0x1B8E;
	s25 =	sld [smem:$0x3FFE];
	[sflag:s24] =	ssyncadd.s32 $0xFFFFFFFF  }
0x1d: {  	s27 =	simm.s32 $execute0_lowered;
	[smem:$0x3FD2] =	sst s26  }
0x1e: {  	s4 =	sshll.u32 s27, $0x1;
	_ =	strace $0x8000005E;
	[dreg:$0x1] =	wrdreg $0xFFFFFFFF  }
0x1f: {  	s28 =	simm.s32 $_size_execute0_lowered;
	s1 =	sadd.s32 s1, s4;
	[dreg:$0x0] =	wrdreg $0x0  }
0x20: {  	s4 =	sshll.u32 s28, $0x1;
	[dreg:$0x2] =	wrdreg s1  }
0x21: {  	[dreg:$0x3] =	wrdreg s4  }
0x22: {  	[dreg:$0x4] =	wrdreg $0xC0  }
0x23: {  	_ =	task [dreg:s6], $0x5FFFF  }
0x24: {  	[dreg:$0x1] =	wrdreg $0xFFFFFFFF  }
0x25: {  	[dreg:$0x0] =	wrdreg $0x60  }
0x26: {  	[dreg:$0x2] =	wrdreg s25  }
0x27: {  	[dreg:$0x3] =	wrdreg $0x9  }
0x28: {  	_ =	task.clear_ibuf [dreg:s6], $0x4FFFF;
	_ =	strace $0x9000005E  }
0x29: {  	s29 =	simm.s32 $0x9;
	_ =	strace $0x80000060  }
0x2a: {  	_ =	swait.ge [sflag:s29], $0x1  }
0x2b: {  	[sflag:s29] =	ssyncadd.s32 $0xFFFFFFFF  }
0x2c: {  	_ =	strace $0x90000060  }
0x2d: {  	_ =	sfence  }
0x2e: {  	s30 =	sld [smem:$0x0];
	_ =	sdelay $0x2  }
0x2f: {  	s31 =	sshll.u32 s3, $0xD;
	s3 =	sshrl.u32 s3, $0x2  }
0x30: {  	s2 =	sand.u32 $0x4000, s31;
	s1 =	sadd.s32 s3, s30  }
0x31: {  	s0 =	sor.u32 s2, s0;
	s1 =	sshll.u32 s1, $0x11  }
0x32: {  	s0 =	sor.u32 s1, s0  }
0x33: {  	s0 =	sadd.s32 $0x8F2B, s0  }
0x34: {  	[sflag:s0] =	ssyncadd.remote.s32 $0x1  }
0x35: {  	_ =	sfence.sel $0xFFFF  }
0x36: {  	[dreg:$0x0] =	wrdreg $0xFFFFFFFF;
	(pc) =	sbr.abs _section_cstart, $3  }
0x37: {  	[dreg:$0x1] =	wrdreg $0xFFFFFFFF  }
0x38: {  	_ =	task.clear_ibuf [dreg:s6], $0x2FFFF;
	_ =	strace $0x9FFFFFFF  }
0x39: {  	(tm) =	ssettm $0x7FFFFFFF  }
tec
execute0_lowered:
.L_overlay_start_1:
0x0: {  	(tag) =	ssettag $0x1  }
0x1: {  	s0 =	srdreg.scid  }
0x2: {  	s6 =	rddreg [dreg:$0x0];
	s7 =	simm.s32 $0x1;
	s1 =	sshll.u32 s0, $0x4  }
0x3: {  	s8 =	simm.s32 $0x2;
	s0 =	stileid.u32;
	s1 =	sand.u32 $0x10, s1  }
0x4: {  	s13 =	simm.s32 $0x0;
	s12 =	simm.s32 $0x0;
	s1 =	sor.u32 s0, s1  }
0x5: {  	s10 =	simm.s32 $0x0;
	s11 =	simm.s32 $0x0;
	s2 =	sshll.u32 s1, $0x8  }
0x6: {  	s3 =	sadd.s32 $0x1A400, s6;
	s6 =	sadd.s32 $0x303A00, s6;
	s5 =	ssub.s32 $0x4E200, s2  }
.Ltmp0:
0x7: {  	s1 =	rddreg [dreg:$0x1];
	s4 =	sand.u32 $0x1F00, s5;
	(pc) =	sbr.rel .LBB1_1-.Ltmp0, $4  }
0x8: {  	_ =	strace $0x8000005F;
	s9 =	smov.u32 s2;
	p0 =	sne.s32 s4, $0x0  }
0x9: {  	s5 =	sshrl.u32 s5, $0xD;
	s4 =	simm.s32 $0x1;
	s7 =	simm.s32 @!p0 $0x0  }
0xa: {  	[sflag:s4] =	ssyncpa.u1 $0x0;
	p0 =	por $0x0, $0x0;
	s5 =	sadd.s32 s7, s5  }
0xb: {  	[sflag:s8] =	ssyncpa.u1 $0x0;
	s8 =	simm.s32 $0x80;
	s7 =	sadd.s32 $0x1, s5  }
.LBB1_4:
0xc: {  	_ =	sdelay $0x3  }
0xd: {  	s21 =	sor.u32 s24, s23;
	v47 =	vld.idx.msk [tilespmem:v0+s16+$0x470 ss:$0x1], $0xffff  }
0xe: {  	v57 =	vld.idx.msk [tilespmem:v0+s21+$0x410 ss:$0x1], $0xffff  }
0xf: {  	v58 =	vld.idx.msk [tilespmem:v0+s21+$0x420 ss:$0x1], $0xffff  }
0x10: {  	[tilespmem:s18+$0x1860 ss:$0x41] =	vst.msk $0xffff, v8;
	v59 =	vld.idx.msk [tilespmem:v0+s21+$0x430 ss:$0x1], $0xffff  }
0x11: {  	[tilespmem:s18+$0x1C70 ss:$0x41] =	vst.msk $0xffff, v7;
	v60 =	vld.idx.msk [tilespmem:v0+s21+$0x440 ss:$0x1], $0xffff  }
0x12: {  	[tilespmem:s18+$0x2490 ss:$0x41] =	vst.msk $0xffff, v1;
	s22 =	sand.u32 $0x3B00, s21;
	v61 =	vld.idx.msk [tilespmem:v0+s21+$0x450 ss:$0x1], $0xffff  }
0x13: {  	s20 =	sand.u32 $0x80, s20;
	[tilespmem:s18+$0x28A0 ss:$0x41] =	vst.msk $0xffff, v2;
	v62 =	vld.idx.msk [tilespmem:v0+s21+$0x460 ss:$0x1], $0xffff;
	s15 =	sadd.s32 s22, s15  }
0x14: {  	[tilespmem:s18+$0x2CB0 ss:$0x41] =	vst.msk $0xffff, v3;
	v63 =	vld.idx.msk [tilespmem:v0+s21+$0x470 ss:$0x1], $0xffff;
	s15 =	sadd.s32 s20, s15  }
0x15: {  	[tilespmem:s18+$0x30C0 ss:$0x41] =	vst.msk $0xffff, v4;
	v48 =	vld [tilespmem:s15+$0x400]  }
0x16: {  	[tilespmem:s18+$0x34D0 ss:$0x41] =	vst.msk $0xffff, v5;
	v49 =	vld [tilespmem:s15+$0x0]  }
0x17: {  	s25 =	sshra.s32 s19, $0x2;
	[tilespmem:s18+$0x38E0 ss:$0x41] =	vst.msk $0xffff, v6;
	v50 =	vld [tilespmem:s15+$0x10]  }
0x18: {  	s16 =	sadd.s32 s25, s17;
	v51 =	vld [tilespmem:s15+$0x20];
	[tilespmem:s18+$0x3CF0 ss:$0x41] =	vst.msk $0xffff, v47  }
0x19: {  	v52 =	vld [tilespmem:s15+$0x30];
	[tilespmem:s16+$0x2490 ss:$0x41] =	vst.msk $0xffff, v57  }
0x1a: {  	v53 =	vld [tilespmem:s15+$0x40];
	[tilespmem:s16+$0x28A0 ss:$0x41] =	vst.msk $0xffff, v58  }
0x1b: {  	v54 =	vld [tilespmem:s15+$0x50];
	[tilespmem:s16+$0x2CB0 ss:$0x41] =	vst.msk $0xffff, v59  }
0x1c: {  	s13 =	sshll.u32 s13, $0x7;
	s26 =	sshll.u32 s12, $0x3;
	v55 =	vld [tilespmem:s15+$0x60];
	[tilespmem:s16+$0x30C0 ss:$0x41] =	vst.msk $0xffff, v60  }
0x1d: {  	s27 =	sand.u32 $0xFFFFFC00, s13;
	v56 =	vld [tilespmem:s15+$0x70];
	s15 =	sand.u32 $0xFFFFFC00, s26;
	[tilespmem:s16+$0x34D0 ss:$0x41] =	vst.msk $0xffff, v61  }
0x1e: {  	s13 =	sand.u32 $0x380, s13;
	s15 =	sadd.s32 s15, s27;
	[tilespmem:s16+$0x38E0 ss:$0x41] =	vst.msk $0xffff, v62  }
0x1f: {  	s13 =	sor.u32 s13, s15;
	[tilespmem:s16+$0x3CF0 ss:$0x41] =	vst.msk $0xffff, v63  }
0x20: {  	s13 =	sshrl.u32 s13, $0x7;
	[tilespmem:s16+$0x2080 ss:$0x41] =	vst.msk $0xffff, v48  }
0x21: {  	s28 =	smulhi.u32 $0x1A36E2F, s13;
	[tilespmem:s16+$0x0 ss:$0x41] =	vst.msk $0xffff, v49  }
0x22: {  	[tilespmem:s16+$0x410 ss:$0x41] =	vst.msk $0xffff, v50  }
0x23: {  	[tilespmem:s16+$0x820 ss:$0x41] =	vst.msk $0xffff, v51;
	s15 =	sshrl.u32 s28, $0xB  }
0x24: {  	[tilespmem:s16+$0xC30 ss:$0x41] =	vst.msk $0xffff, v52;
	s15 =	smul.u32 $0x4E200, s15  }
0x25: {  	s29 =	sshrl.u32 s12, $0x3;
	[tilespmem:s16+$0x1040 ss:$0x41] =	vst.msk $0xffff, v53  }
0x26: {  	s31 =	sand.u32 $0x7, s12;
	s30 =	sand.u32 $0xF, s29;
	[tilespmem:s16+$0x1450 ss:$0x41] =	vst.msk $0xffff, v54;
	s13 =	ssub.s32 s13, s15  }
0x27: {  	s12 =	sshll.u32 s31, $0x12;
	[tilespmem:s16+$0x1860 ss:$0x41] =	vst.msk $0xffff, v55;
	s15 =	sadd.s32 s6, s30;
	s13 =	sshll.u32 s13, $0x4  }
0x28: {  	s12 =	sor.u32 $0x40, s12;
	[tilespmem:s16+$0x1C70 ss:$0x41] =	vst.msk $0xffff, v56;
	s13 =	sadd.s32 s13, s15  }
0x29: {  	[hbm4b:s13+s12] =	stream.strided.scatter [tilespmem:s14], [sflag:$0x2], $0x4000, s8, s12, $0x18;
	[tilespmem:$0x10200] =	vst v63  }
.LBB1_5:
0x2a: {  	s14 =	sadd.s32 $0x2000, s9  }
0x2b: {  	s12 =	sadd.s32 $0x40, s10;
	s16 =	smov.u32 s10;
	p2 =	sgt.s32 s14, $0x4E1FF  }
0x2c: {  	s16 =	smov.u32 @p2 s12  }
0x2d: {  	s14 =	smov.u32 @p2 s2;
	p2 =	sgt.s32 s16, $0x3F  }
0x2e: {  	s16 =	simm.s32 @p2 $0x0;
	p2 =	sne.s32 s11, s7  }
.Ltmp1:
0x2f: {  	p1 =	slt.u32 s11, $0x2;
	(pc) =	sbr.rel @!p2 .LBB1_6-.Ltmp1, $4  }
0x30: {  	s15 =	simm.s32 @!p1 $0x2  }
0x31: {  	s13 =	smov.u32 s9;
	p0 =	por !p0, !p0;
	_ =	swait.ge @!p1 [sflag:s15], $0x4000  }
0x32: {  	s12 =	smov.u32 s10;
	[sflag:s15] =	ssyncset.done @!p1 $0x0;
	s9 =	smov.u32 s14  }
0x33: {  	s11 =	sadd.s32 $0x1, s11;
	[sflag:s15] =	ssyncadd.s32 @!p1 $0xFFFFC000;
	s10 =	smov.u32 s16  }
.LBB1_1:
0x34: {  	p1 =	sge.u32 s11, s5  }
0x35: {  	s14 =	sshrl.u32 @!p1 s10, $0x3  }
0x36: {  	s15 =	sshll.u32 @!p1 s9, $0x3;
	s14 =	smul.u32 @!p1 $0x271000, s14  }
0x37: {  	s16 =	sshll.u32 @!p1 s10, $0x7;
	s15 =	sand.u32 @!p1 $0xFFFFFC00, s15  }
0x38: {  	s14 =	sadd.s32 @!p1 s14, s15;
	s15 =	sand.u32 @!p1 $0x380, s16  }
0x39: {  	s16 =	sand.u32 @!p1 $0x7F, s9;
	s14 =	sor.u32 @!p1 s15, s14  }
0x3a: {  	s15 =	sor.u32 @!p1 s16, s14  }
0x3b: {  	s16 =	smulhi.u32 @!p1 $0xD1B71759, s15;
	_ =	sdelay $0x1  }
0x3c: {  	s14 =	smulhi.u32 @!p1 $0xD1B71759, s14;
	s16 =	sshrl.u32 @!p1 s16, $0x12  }
0x3d: {  	s16 =	smul.u32 @!p1 $0x4E200, s16  }
0x3e: {  	s31 =	sadd.s32 $0xFFFFFFFF, s11;
	s17 =	sxor.u32 @!p1 $0xFFFFFFFF, s11;
	s14 =	sshrl.u32 @!p1 s14, $0x12  }
0x3f: {  	s17 =	sshll.u32 @!p1 s17, $0xE;
	s14 =	sand.u32 @!p1 $0x3F, s14;
	s15 =	ssub.s32 @!p1 s15, s16  }
0x40: {  	s14 =	smul.u32 @!p1 $0x9C40, s14;
	s16 =	sshrl.u32 @!p1 s15, $0x3;
	s15 =	sand.u32 @!p1 $0x7, s15  }
0x41: {  	s17 =	sand.u32 @!p1 $0x4000, s17;
	s16 =	sadd.s32 @!p1 s3, s16;
	s15 =	sshll.u32 @!p1 s15, $0x12  }
0x42: {  	s14 =	sadd.s32 @!p1 s14, s16;
	s15 =	sor.u32 @!p1 $0x800, s15;
	s16 =	simm.s32 @!p1 $0x271000  }
0x43: {  	[tilespmem:s17], [sflag:$0x1] =	stream.strided.gather @!p1 [hbm4b:s14+s15], $0x4000, s16, s15, $0x38;
	[tilespmem:$0x10200] =	vst v63  }
0x44: {  	p1 =	sge.u32 s31, s5  }
.Ltmp2:
0x45: {  	_ = 	snop;
	(pc) =	sbr.rel @p1 .LBB1_5-.Ltmp2, $1  }
0x46: {  	_ =	sdelay $0x3  }
0x47: {  	s17 =	simm.s32 $0x0  }
0x48: {  	s16 =	sand.u32 $0x3800, s17;
	s18 =	sand.u32 $0x380, s17  }
0x49: {  	s14 =	sand.u32 $0x1, s11;
	s16 =	sor.u32 s18, s16  }
0x4a: {  	_ =	swait.ge [sflag:s4], $0x4000;
	s15 =	sshll.u32 s14, $0xE;
	s18 =	sand.u32 $0x3B00, s16  }
0x4b: {  	[sflag:s4] =	ssyncset.done $0x0;
	s17 =	sand.u32 $0x80, s17;
	s18 =	sadd.s32 s18, s15  }
0x4c: {  	[sflag:s4] =	ssyncadd.s32 $0xFFFFC000;
	s20 =	sadd.s32 s17, s18  }
0x4d: {  	v4 =	vld [tilespmem:s20+$0x400]  }
0x4e: {  	s19 =	simm.s32 $0x1;
	v5 =	vld [tilespmem:s20+$0x0]  }
0x4f: {  	s19 =	simm.s32 @!p0 $0x0;
	v6 =	vld [tilespmem:s20+$0x10]  }
0x50: {  	v0 =	vmov s15;
	s31 =	smul.u32 $0x10400, s19;
	v7 =	vld [tilespmem:s20+$0x20]  }
0x51: {  	v9 =	vld [tilespmem:s20+$0x30]  }
0x52: {  	s17 =	sshrl.u32 s31, $0x2;
	v10 =	vld [tilespmem:s20+$0x40]  }
0x53: {  	s17 =	sor.u32 $0x8000, s17;
	v11 =	vld [tilespmem:s20+$0x50]  }
0x54: {  	v8 =	vld [tilespmem:s20+$0x60];
	s18 =	sadd.s32 $0x0, s17  }
0x55: {  	v1 =	vld.idx.msk [tilespmem:v0+s16+$0x410 ss:$0x1], $0xffff;
	[tilespmem:s18+$0x2080 ss:$0x41] =	vst.msk $0xffff, v4  }
0x56: {  	v2 =	vld.idx.msk [tilespmem:v0+s16+$0x420 ss:$0x1], $0xffff;
	[tilespmem:s18+$0x0 ss:$0x41] =	vst.msk $0xffff, v5  }
0x57: {  	v3 =	vld.idx.msk [tilespmem:v0+s16+$0x430 ss:$0x1], $0xffff;
	[tilespmem:s18+$0x410 ss:$0x41] =	vst.msk $0xffff, v6  }
0x58: {  	s14 =	smul.u32 $0x10400, s14;
	[tilespmem:s18+$0x820 ss:$0x41] =	vst.msk $0xffff, v7;
	v7 =	vld [tilespmem:s20+$0x70]  }
0x59: {  	s21 =	simm.s32 $0x100;
	s22 =	simm.s32 $0x8;
	[tilespmem:s18+$0xC30 ss:$0x41] =	vst.msk $0xffff, v9;
	v4 =	vld.idx.msk [tilespmem:v0+s16+$0x440 ss:$0x1], $0xffff  }
0x5a: {  	s23 =	sand.u32 $0x3800, s21;
	s14 =	sshrl.u32 s14, $0x2;
	[tilespmem:s18+$0x1040 ss:$0x41] =	vst.msk $0xffff, v10;
	v5 =	vld.idx.msk [tilespmem:v0+s16+$0x450 ss:$0x1], $0xffff;
	s20 =	simm.s32 $0x80  }
0x5b: {  	s19 =	simm.s32 $0x4;
	s14 =	sor.u32 $0x8000, s14;
	[tilespmem:s18+$0x1450 ss:$0x41] =	vst.msk $0xffff, v11;
	v6 =	vld.idx.msk [tilespmem:v0+s16+$0x460 ss:$0x1], $0xffff;
	s24 =	sand.u32 $0x380, s20  }
.LBB1_3:
0x5c: {  	p1 =	sne.s32 s22, $0xFC;
	[tilespmem:s18+$0x1860 ss:$0x41] =	vst.msk $0xffff, v8;
	v8 =	vld.idx.msk [tilespmem:v0+s16+$0x470 ss:$0x1], $0xffff;
	s16 =	sor.u32 s24, s23  }
0x5d: {  	s23 =	sand.u32 $0x3B00, s16;
	v9 =	vld.idx.msk [tilespmem:v0+s16+$0x410 ss:$0x1], $0xffff;
	[tilespmem:s18+$0x1C70 ss:$0x41] =	vst.msk $0xffff, v7  }
0x5e: {  	s24 =	sand.u32 $0x80, s20;
	s23 =	sadd.s32 s23, s15;
	v7 =	vld.idx.msk [tilespmem:v0+s16+$0x420 ss:$0x1], $0xffff;
	[tilespmem:s18+$0x2490 ss:$0x41] =	vst.msk $0xffff, v1  }
0x5f: {  	s23 =	sadd.s32 s24, s23;
	v10 =	vld.idx.msk [tilespmem:v0+s16+$0x430 ss:$0x1], $0xffff;
	[tilespmem:s18+$0x28A0 ss:$0x41] =	vst.msk $0xffff, v2  }
0x60: {  	v11 =	vld [tilespmem:s23+$0x400];
	[tilespmem:s18+$0x2CB0 ss:$0x41] =	vst.msk $0xffff, v3  }
0x61: {  	v12 =	vld [tilespmem:s23+$0x0];
	[tilespmem:s18+$0x30C0 ss:$0x41] =	vst.msk $0xffff, v4  }
0x62: {  	v4 =	vld [tilespmem:s23+$0x10];
	[tilespmem:s18+$0x34D0 ss:$0x41] =	vst.msk $0xffff, v5  }
0x63: {  	s24 =	sshra.s32 s19, $0x2;
	s19 =	smov.u32 s22;
	v1 =	vmov v9;
	v5 =	vld [tilespmem:s23+$0x20];
	[tilespmem:s18+$0x38E0 ss:$0x41] =	vst.msk $0xffff, v6  }
0x64: {  	v2 =	vmov v7;
	v6 =	vld [tilespmem:s23+$0x30];
	[tilespmem:s18+$0x3CF0 ss:$0x41] =	vst.msk $0xffff, v8;
	s18 =	sadd.s32 s24, s17  }
0x65: {  	v3 =	vmov v10;
	v9 =	vld [tilespmem:s23+$0x40];
	[tilespmem:s18+$0x2080 ss:$0x41] =	vst.msk $0xffff, v11  }
0x66: {  	[tilespmem:s18+$0x0 ss:$0x41] =	vst.msk $0xffff, v12;
	v10 =	vld [tilespmem:s23+$0x50]  }
.Ltmp3:
0x67: {  	[tilespmem:s18+$0x410 ss:$0x41] =	vst.msk $0xffff, v4;
	v8 =	vld [tilespmem:s23+$0x60];
	(pc) =	sbr.rel @p1 .LBB1_3-.Ltmp3, $4  }
0x68: {  	[tilespmem:s18+$0x820 ss:$0x41] =	vst.msk $0xffff, v5;
	v7 =	vld [tilespmem:s23+$0x70]  }
0x69: {  	[tilespmem:s18+$0xC30 ss:$0x41] =	vst.msk $0xffff, v6;
	v4 =	vld.idx.msk [tilespmem:v0+s16+$0x440 ss:$0x1], $0xffff  }
0x6a: {  	s20 =	sadd.s32 $0x80, s20;
	s21 =	sadd.s32 $0x100, s21;
	[tilespmem:s18+$0x1040 ss:$0x41] =	vst.msk $0xffff, v9;
	v5 =	vld.idx.msk [tilespmem:v0+s16+$0x450 ss:$0x1], $0xffff  }
0x6b: {  	s22 =	sadd.s32 $0x4, s22;
	s24 =	sand.u32 $0x380, s20;
	s23 =	sand.u32 $0x3800, s21;
	[tilespmem:s18+$0x1450 ss:$0x41] =	vst.msk $0xffff, v10;
	v6 =	vld.idx.msk [tilespmem:v0+s16+$0x460 ss:$0x1], $0xffff  }
.Ltmp4:
0x6c: {  	_ = 	snop;
	(pc) =	sbr.rel .LBB1_4-.Ltmp4, $1  }
0x6d: {  	_ =	sdelay $0x3  }
.LBB1_6:
0x6e: {  	_ =	sfence.sel $0x180000  }
0x6f: {  	s2 =	simm.s32 $0x1;
	[bflag:$0x0] =	sbarrier.arrive $0xFFFF  }
0x70: {  	s31 =	simm.s32 $0x2;
	[sflag:s2] =	ssyncpa.u1 $0x1  }
0x71: {  	[sflag:s31] =	ssyncpa.u1 $0x1  }
0x72: {  	p0 =	sne.s32 s0, $0x0;
	_ =	strace $0x9000005F  }
0x73: {  	s0 =	sadd.s32 @!p0 $0x100000, s1;
	[bflag:$0x2] =	sbarrier.arrive $0xFFFF  }
0x74: {  	[sflag:s0] =	ssyncadd.tile.s32 @!p0 $0x1;
	_ =	shalt  }
.Lfunc_end1:
_tile_overlayer_lowered:
.L_overlay_start_2:
0x75: {  	(tag) =	ssettag $0x2  }
0x76: {  	s0 =	rddreg [dreg:$0x0];
	s2 =	stileid.u32  }
0x77: {  	s1 =	rddreg [dreg:$0x1];
	p0 =	sne.s32 s2, $0x0  }
0x78: {  	s3 =	rddreg [dreg:$0x2];
	[bflag:$0x3] =	sbarrier.arrive $0xFFFF;
	s2 =	simm.s32 @!p0 $0x1C01  }
0x79: {  	[timem:s3], [sflag:s2] =	dma.local @!p0 [hbm:s0], s1  }
0x7a: {  	s0 =	simm.s32 @!p0 $0x1  }
0x7b: {  	_ =	swait.ge @!p0 [sflag:s0], s1  }
0x7c: {  	s1 =	ssub.s32 @!p0 $0x0, s1;
	[sflag:s0] =	ssyncset.done @!p0 $0x0  }
0x7d: {  	[sflag:s0] =	ssyncadd.s32 @!p0 s1  }
0x7e: {  	[bflag:$0x3] =	sbarrier.arrive $0xFFFF  }
0x7f: {  	_ =	shalt  }

</sc_bundles>
